<compile_context>
chip_gen: v7x
topology: tpu7x:2x2x1
jax: 0.10.2.dev20260603
libtpu: 0.0.44.dev20260713+nightly
codegen_flags: <defaults>
</compile_context>

<pallas_src>
import jax
import jax.numpy as jnp
from jax import lax
from jax.experimental import pallas as pl
from jax.experimental.pallas import tpu as pltpu
from jax.experimental.pallas import tpu_sc as plsc

_ROWS = 2048
_WIDTH = 1024
_BATCH = 4
_NW = 32
_RPW = _ROWS // _NW
_CH = 16
_NCH = _RPW // _CH
_BP = 2
_NBP = _BATCH // _BP
_LANES = 16


def _sc_body(in_hbm, symv_hbm, table_hbm, out_hbm,
             idx_a, idx_b, emd_a, emd_b, sym_v, in_a, in_b,
             sem_ga, sem_gb, sem_ia, sem_ib, sem_oa, sem_ob):
    cid = lax.axis_index("c")
    sid = lax.axis_index("s")
    wid = cid * 16 + sid
    base = wid * _RPW

    pltpu.sync_copy(symv_hbm, sym_v)
    symv = sym_v[...]

    idx_refs = (idx_a, idx_b)
    emd_refs = (emd_a, emd_b)
    gsems = (sem_ga, sem_gb)
    bufs = (in_a, in_b)
    isems = (sem_ia, sem_ib)
    osems = (sem_oa, sem_ob)

    def gather_emd(c):
        p = c % 2
        rows = base + c * _CH + jnp.arange(_LANES, dtype=jnp.int32)
        idx_refs[p][...] = jnp.where(rows < symv, rows, jnp.int32(_ROWS - 1))
        return pltpu.async_copy(table_hbm.at[idx_refs[p]], emd_refs[p],
                                gsems[p])

    steps = [(c, bp) for c in range(_NCH) for bp in range(_NBP)]

    def in_copy(s):
        c, bp = steps[s]
        p = s % 2
        src = in_hbm.at[pl.ds(bp * _BP, _BP), pl.ds(base + c * _CH, _CH), :]
        return pltpu.async_copy(src, bufs[p], isems[p])

    def out_copy(s):
        c, bp = steps[s]
        p = s % 2
        dst = out_hbm.at[pl.ds(bp * _BP, _BP), pl.ds(base + c * _CH, _CH), :]
        return pltpu.async_copy(bufs[p], dst, osems[p])

    gh = [gather_emd(0), gather_emd(1)]
    ih = [in_copy(0), in_copy(1)]
    oh = [None, None]
    zero = jnp.zeros((_LANES,), jnp.float32)

    for s, (c, bp) in enumerate(steps):
        p = s % 2
        buf = bufs[p]
        emd = emd_refs[c % 2]
        if bp == 0 and gh[c % 2] is not None:
            gh[c % 2].wait()
            gh[c % 2] = None
        ih[p].wait()
        if oh[p] is not None:
            oh[p].wait()

        def add_blk(g, _, buf=buf, emd=emd, c=c):
            pr = lax.shift_right_logical(g, 3)
            bi = lax.shift_right_logical(pr, 4)
            row = lax.bitwise_and(pr, 15)
            col0 = lax.mul(lax.bitwise_and(g, 7), 128)
            is_sym = jnp.full((_LANES,), base + c * _CH + row,
                              jnp.int32) == symv
            for u in range(8):
                col = col0 + u * _LANES
                e = jnp.where(is_sym, zero, emd[row, pl.ds(col, _LANES)])
                plsc.addupdate(buf.at[bi, row, pl.ds(col, _LANES)], e)
            return 0

        lax.fori_loop(0, _BP * _CH * 8, add_blk, 0)

        oh[p] = out_copy(s)
        if s + 2 < len(steps):
            ih[p] = in_copy(s + 2)
        if bp == _NBP - 1 and c + 2 < _NCH:
            gh[c % 2] = gather_emd(c + 2)
    oh[0].wait()
    oh[1].wait()


def kernel(inputs, sym_index, table):
    symv = jnp.full((_LANES,), sym_index, jnp.int32)
    mesh = plsc.VectorSubcoreMesh(core_axis_name="c", subcore_axis_name="s")
    return pl.kernel(
        _sc_body,
        out_type=jax.ShapeDtypeStruct(inputs.shape, jnp.float32),
        mesh=mesh,
        scratch_types=[
            pltpu.VMEM((_CH,), jnp.int32),
            pltpu.VMEM((_CH,), jnp.int32),
            pltpu.VMEM((_CH, _WIDTH), jnp.float32),
            pltpu.VMEM((_CH, _WIDTH), jnp.float32),
            pltpu.VMEM((_LANES,), jnp.int32),
            pltpu.VMEM((_BP, _CH, _WIDTH), jnp.float32),
            pltpu.VMEM((_BP, _CH, _WIDTH), jnp.float32),
            pltpu.SemaphoreType.DMA,
            pltpu.SemaphoreType.DMA,
            pltpu.SemaphoreType.DMA,
            pltpu.SemaphoreType.DMA,
            pltpu.SemaphoreType.DMA,
            pltpu.SemaphoreType.DMA,
        ],
    )(inputs, symv, table)

# --- scband reference (transcript-rebuilt; emitter-appended) ---
"""Pipeline reference for scband-local-position-encoding-14302241096041 (READ-ONLY COPY).

The authoritative reference and input builder live on the scoring server;
editing this copy changes nothing except your own understanding.
"""

import jax, jax.numpy as jnp
import numpy as np

LOCAL_POS_SIZE = 2048
LAYER_WIDTH = 1024


def setup_inputs(seed: int = 0) -> dict:
    key = jax.random.key(seed)
    k1, k2 = jax.random.split(key)
    inputs = jax.random.normal(k1, (4, 2048, 1024), dtype=jnp.float32)
    table = jax.random.normal(k2, (LOCAL_POS_SIZE, LAYER_WIDTH), dtype=jnp.float32) * 0.02
    return {"inputs": inputs, "sym_index": 1024, "table": table}


def reference(inputs, sym_index, table):
    input_size = inputs.shape[-2]
    idx = jnp.arange(0, input_size, dtype=jnp.int32)
    pos = jnp.where(idx < sym_index, idx, LOCAL_POS_SIZE - 1)
    emd = jnp.take(table, pos, axis=0)
    emd_sep = jnp.zeros((1, emd.shape[-1]), dtype=inputs.dtype)
    pos_emd = jnp.where((idx == sym_index)[:, None], emd_sep, emd)
    return inputs + pos_emd

if __name__ == "__main__":
    import jax
    _d = setup_inputs()
    print(jax.jit(kernel)(*tuple(_d.values())))

</pallas_src>

<mosaic_0001>
#map = affine_map<(d0, d1) -> (0, 0, 0)>
#map1 = affine_map<(d0, d1) -> (0)>
#map2 = affine_map<(d0, d1) -> (0, 0)>
module attributes {stable_mosaic.version = 14 : i64} {
  func.func @_sc_body(%arg0: i32, %arg1: i32, %arg2: memref<4x2048x1024xf32, #tpu.memory_space<hbm>>, %arg3: memref<16xi32, #tpu.memory_space<hbm>>, %arg4: memref<2048x1024xf32, #tpu.memory_space<hbm>>, %arg5: memref<4x2048x1024xf32, #tpu.memory_space<hbm>>, %arg6: memref<16xi32, #tpu.memory_space<vmem>>, %arg7: memref<16xi32, #tpu.memory_space<vmem>>, %arg8: memref<16x1024xf32, #tpu.memory_space<vmem>>, %arg9: memref<16x1024xf32, #tpu.memory_space<vmem>>, %arg10: memref<16xi32, #tpu.memory_space<vmem>>, %arg11: memref<2x16x1024xf32, #tpu.memory_space<vmem>>, %arg12: memref<2x16x1024xf32, #tpu.memory_space<vmem>>, %arg13: memref<!tpu.dma_semaphore, #tpu.memory_space<semaphore_mem>>, %arg14: memref<!tpu.dma_semaphore, #tpu.memory_space<semaphore_mem>>, %arg15: memref<!tpu.dma_semaphore, #tpu.memory_space<semaphore_mem>>, %arg16: memref<!tpu.dma_semaphore, #tpu.memory_space<semaphore_mem>>, %arg17: memref<!tpu.dma_semaphore, #tpu.memory_space<semaphore_mem>>, %arg18: memref<!tpu.dma_semaphore, #tpu.memory_space<semaphore_mem>>) attributes {dimension_semantics = [#tpu.dimension_semantics<core_parallel>, #tpu.dimension_semantics<subcore_parallel>], iteration_bounds = array<i64: 2, 16>, scalar_prefetch = 0 : i64, scratch_operands = 13 : i64, tpu.core_type = #tpu.core_type<sc_vector_subcore>, window_params = [{transform_indices = #map}, {transform_indices = #map1}, {transform_indices = #map2}, {transform_indices = #map}]} {
    %mul3A = arith.constant 16 : i32
    %mul3A_0 = arith.muli %arg0, %mul3A : i32
    %add3A = arith.addi %mul3A_0, %arg1 : i32
    %mul3A_1 = arith.constant 64 : i32
    %mul3A_2 = arith.muli %add3A, %mul3A_1 : i32
    "tpu.region"() ({
      %run_scoped3A = tpu.sem_alloc : memref<!tpu.dma_semaphore, #tpu.memory_space<semaphore_mem>>
      tpu.enqueue_dma source(%arg3 : memref<16xi32, #tpu.memory_space<hbm>>) target(%arg10 : memref<16xi32, #tpu.memory_space<vmem>>) target_semaphore(%run_scoped3A : memref<!tpu.dma_semaphore, #tpu.memory_space<semaphore_mem>>)
      tpu.wait_dma2 semaphore(%run_scoped3A : memref<!tpu.dma_semaphore, #tpu.memory_space<semaphore_mem>>) src(%arg3 : memref<16xi32, #tpu.memory_space<hbm>>) dst(%arg10 : memref<16xi32, #tpu.memory_space<vmem>>)
      tpu.yield
    }) : () -> ()
    %get3A = arith.constant 0 : index
    %get3A_3 = tpu.vector_load %arg10[%get3A] {strides = array<i32>} : memref<16xi32, #tpu.memory_space<vmem>>, vector<16xi32>,
    %get3A_4 = vector.shape_cast %get3A_3 : vector<16xi32> to vector<16xi32>
    %add3A_5 = arith.constant 0 : i32
    %add3A_6 = arith.addi %mul3A_2, %add3A_5 : i32
    %iota3A = tpu.iota {dimensions = array<i32: 0>} : vector<16xi32>
    %add3A_7 = vector.broadcast %add3A_6 : i32 to vector<16xi32>
    %add3A_8 = arith.addi %add3A_7, %iota3A : vector<16xi32>
    %lt3A = arith.cmpi slt, %add3A_8, %get3A_4 : vector<16xi32>
    %jit3A = arith.constant 2047 : i32
    %broadcast_in_dim3A = vector.broadcast %jit3A : i32 to vector<16xi32>
    %select_n3A = arith.select %lt3A, %add3A_8, %broadcast_in_dim3A : vector<16xi1>, vector<16xi32>
    %swap3A = arith.constant 0 : index
    %swap3A_9 = tpu.vector_load %arg6[%swap3A] {strides = array<i32>} : memref<16xi32, #tpu.memory_space<vmem>>, vector<16xi32>,
    %swap3A_10 = vector.shape_cast %swap3A_9 : vector<16xi32> to vector<16xi32>
    %swap3A_11 = vector.shape_cast %select_n3A : vector<16xi32> to vector<16xi32>
    tpu.vector_store %arg6[%swap3A], %swap3A_11 {strides = array<i32>} : memref<16xi32, #tpu.memory_space<vmem>>, vector<16xi32>,
    %dma_start3A = arith.constant 0 : i32
    %dma_start3A_12 = arith.constant 0 : i32
    %dma_start3A_13 = tpu.memref_slice %arg4[%dma_start3A, %dma_start3A_12] : memref<2048x1024xf32, #tpu.memory_space<hbm>> -> memref<2048x1024xf32, #tpu.memory_space<hbm>>
    tpu.enqueue_indirect_dma source(%dma_start3A_13 : memref<2048x1024xf32, #tpu.memory_space<hbm>>) target(%arg8 : memref<16x1024xf32, #tpu.memory_space<vmem>>) offsets(%arg6 : memref<16xi32, #tpu.memory_space<vmem>>) semaphore(%arg13 : memref<!tpu.dma_semaphore, #tpu.memory_space<semaphore_mem>>)
    %add3A_14 = arith.constant 16 : i32
    %add3A_15 = arith.addi %mul3A_2, %add3A_14 : i32
    %iota3A_16 = tpu.iota {dimensions = array<i32: 0>} : vector<16xi32>
    %add3A_17 = vector.broadcast %add3A_15 : i32 to vector<16xi32>
    %add3A_18 = arith.addi %add3A_17, %iota3A_16 : vector<16xi32>
    %lt3A_19 = arith.cmpi slt, %add3A_18, %get3A_4 : vector<16xi32>
    %jit3A_20 = arith.constant 2047 : i32
    %broadcast_in_dim3A_21 = vector.broadcast %jit3A_20 : i32 to vector<16xi32>
    %select_n3A_22 = arith.select %lt3A_19, %add3A_18, %broadcast_in_dim3A_21 : vector<16xi1>, vector<16xi32>
    %swap3A_23 = arith.constant 0 : index
    %swap3A_24 = tpu.vector_load %arg7[%swap3A_23] {strides = array<i32>} : memref<16xi32, #tpu.memory_space<vmem>>, vector<16xi32>,
    %swap3A_25 = vector.shape_cast %swap3A_24 : vector<16xi32> to vector<16xi32>
    %swap3A_26 = vector.shape_cast %select_n3A_22 : vector<16xi32> to vector<16xi32>
    tpu.vector_store %arg7[%swap3A_23], %swap3A_26 {strides = array<i32>} : memref<16xi32, #tpu.memory_space<vmem>>, vector<16xi32>,
    %dma_start3A_27 = arith.constant 0 : i32
    %dma_start3A_28 = arith.constant 0 : i32
    %dma_start3A_29 = tpu.memref_slice %arg4[%dma_start3A_27, %dma_start3A_28] : memref<2048x1024xf32, #tpu.memory_space<hbm>> -> memref<2048x1024xf32, #tpu.memory_space<hbm>>
    tpu.enqueue_indirect_dma source(%dma_start3A_29 : memref<2048x1024xf32, #tpu.memory_space<hbm>>) target(%arg9 : memref<16x1024xf32, #tpu.memory_space<vmem>>) offsets(%arg7 : memref<16xi32, #tpu.memory_space<vmem>>) semaphore(%arg14 : memref<!tpu.dma_semaphore, #tpu.memory_space<semaphore_mem>>)
    %add3A_30 = arith.constant 0 : i32
    %add3A_31 = arith.addi %mul3A_2, %add3A_30 : i32
    %dma_start3A_32 = arith.constant 0 : i32
    %dma_start3A_33 = arith.constant 0 : i32
    %dma_start3A_34 = tpu.memref_slice %arg2[%dma_start3A_32, %add3A_31, %dma_start3A_33] : memref<4x2048x1024xf32, #tpu.memory_space<hbm>> -> memref<2x16x1024xf32, #tpu.memory_space<hbm>>
    %dma_start3A_35 = arith.constant 0 : i32
    %dma_start3A_36 = arith.constant 0 : i32
    %dma_start3A_37 = tpu.memref_slice %arg2[%dma_start3A_35, %add3A_31, %dma_start3A_36] : memref<4x2048x1024xf32, #tpu.memory_space<hbm>> -> memref<2x16x1024xf32, #tpu.memory_space<hbm>>
    tpu.enqueue_dma source(%dma_start3A_37 : memref<2x16x1024xf32, #tpu.memory_space<hbm>>) target(%arg11 : memref<2x16x1024xf32, #tpu.memory_space<vmem>>) target_semaphore(%arg15 : memref<!tpu.dma_semaphore, #tpu.memory_space<semaphore_mem>>)
    %add3A_38 = arith.constant 0 : i32
    %add3A_39 = arith.addi %mul3A_2, %add3A_38 : i32
    %dma_start3A_40 = arith.constant 2 : i32
    %dma_start3A_41 = arith.constant 0 : i32
    %dma_start3A_42 = tpu.memref_slice %arg2[%dma_start3A_40, %add3A_39, %dma_start3A_41] : memref<4x2048x1024xf32, #tpu.memory_space<hbm>> -> memref<2x16x1024xf32, #tpu.memory_space<hbm>>
    %dma_start3A_43 = arith.constant 2 : i32
    %dma_start3A_44 = arith.constant 0 : i32
    %dma_start3A_45 = tpu.memref_slice %arg2[%dma_start3A_43, %add3A_39, %dma_start3A_44] : memref<4x2048x1024xf32, #tpu.memory_space<hbm>> -> memref<2x16x1024xf32, #tpu.memory_space<hbm>>
    tpu.enqueue_dma source(%dma_start3A_45 : memref<2x16x1024xf32, #tpu.memory_space<hbm>>) target(%arg12 : memref<2x16x1024xf32, #tpu.memory_space<vmem>>) target_semaphore(%arg16 : memref<!tpu.dma_semaphore, #tpu.memory_space<semaphore_mem>>)
    %broadcast_in_dim3A_46 = arith.constant 0.000000e+00 : f32
    %broadcast_in_dim3A_47 = vector.broadcast %broadcast_in_dim3A_46 : f32 to vector<16xf32>
    %dma_wait3A = arith.constant 0 : i32
    %dma_wait3A_48 = arith.constant 0 : i32
    %dma_wait3A_49 = tpu.memref_slice %arg4[%dma_wait3A, %dma_wait3A_48] : memref<2048x1024xf32, #tpu.memory_space<hbm>> -> memref<2048x1024xf32, #tpu.memory_space<hbm>>
    tpu.wait_indirect_dma semaphore(%arg13 : memref<!tpu.dma_semaphore, #tpu.memory_space<semaphore_mem>>) src(%dma_wait3A_49 : memref<2048x1024xf32, #tpu.memory_space<hbm>>) dst(%arg8 : memref<16x1024xf32, #tpu.memory_space<vmem>>)
    %dma_wait3A_50 = arith.constant 0 : i32
    %dma_wait3A_51 = arith.constant 0 : i32
    %dma_wait3A_52 = tpu.memref_slice %arg2[%dma_wait3A_50, %add3A_31, %dma_wait3A_51] : memref<4x2048x1024xf32, #tpu.memory_space<hbm>> -> memref<2x16x1024xf32, #tpu.memory_space<hbm>>
    %dma_wait3A_53 = arith.constant 0 : i32
    %dma_wait3A_54 = arith.constant 0 : i32
    %dma_wait3A_55 = tpu.memref_slice %arg2[%dma_wait3A_53, %add3A_31, %dma_wait3A_54] : memref<4x2048x1024xf32, #tpu.memory_space<hbm>> -> memref<2x16x1024xf32, #tpu.memory_space<hbm>>
    tpu.wait_dma2 semaphore(%arg15 : memref<!tpu.dma_semaphore, #tpu.memory_space<semaphore_mem>>) src(%dma_wait3A_55 : memref<2x16x1024xf32, #tpu.memory_space<hbm>>) dst(%arg11 : memref<2x16x1024xf32, #tpu.memory_space<vmem>>)
    %scan3A = arith.constant 0 : i32
    %scan3A_56 = arith.constant 0 : i32
    %scan3A_57 = arith.constant 256 : i32
    %scan3A_58 = arith.addi %scan3A_56, %scan3A_57 : i32
    %scan3A_59 = arith.constant 1 : i32
    %scan3A_60 = scf.for %scan3A_354 = %scan3A_56 to %scan3A_58 step %scan3A_59 iter_args(%scan3A_355 = %scan3A) -> (i32)  : i32 {
      %shift_right_logical3A = arith.constant 3 : i32
      %shift_right_logical3A_356 = arith.shrui %scan3A_354, %shift_right_logical3A : i32
      %shift_right_logical3A_357 = arith.constant 4 : i32
      %shift_right_logical3A_358 = arith.shrui %shift_right_logical3A_356, %shift_right_logical3A_357 : i32
      %and3A = arith.constant 15 : i32
      %and3A_359 = arith.andi %shift_right_logical3A_356, %and3A : i32
      %and3A_360 = arith.constant 7 : i32
      %and3A_361 = arith.andi %scan3A_354, %and3A_360 : i32
      %mul3A_362 = arith.constant 128 : i32
      %mul3A_363 = arith.muli %and3A_361, %mul3A_362 : i32
      %add3A_364 = arith.constant 0 : i32
      %add3A_365 = arith.addi %mul3A_2, %add3A_364 : i32
      %add3A_366 = arith.addi %add3A_365, %and3A_359 : i32
      %broadcast_in_dim3A_367 = vector.broadcast %add3A_366 : i32 to vector<16xi32>
      %eq3A = arith.cmpi eq, %broadcast_in_dim3A_367, %get3A_4 : vector<16xi32>
      %add3A_368 = arith.constant 0 : i32
      %add3A_369 = arith.addi %mul3A_363, %add3A_368 : i32
      %get3A_370 = arith.index_cast %and3A_359 : i32 to index
      %get3A_371 = arith.index_cast %add3A_369 : i32 to index
      %get3A_372 = tpu.vector_load %arg8[%get3A_370, %get3A_371] {strides = array<i32>} : memref<16x1024xf32, #tpu.memory_space<vmem>>, vector<1x16xf32>,
      %get3A_373 = vector.shape_cast %get3A_372 : vector<1x16xf32> to vector<16xf32>
      %select_n3A_374 = arith.select %eq3A, %broadcast_in_dim3A_47, %get3A_373 : vector<16xi1>, vector<16xf32>
      %swap3A_375 = arith.index_cast %shift_right_logical3A_358 : i32 to index
      %swap3A_376 = arith.index_cast %and3A_359 : i32 to index
      %swap3A_377 = arith.index_cast %add3A_369 : i32 to index
      %swap3A_378 = tpu.vector_load %arg11[%swap3A_375, %swap3A_376, %swap3A_377] {strides = array<i32>} : memref<2x16x1024xf32, #tpu.memory_space<vmem>>, vector<1x1x16xf32>,
      %swap3A_379 = vector.shape_cast %swap3A_378 : vector<1x1x16xf32> to vector<16xf32>
      %swap3A_380 = vector.shape_cast %select_n3A_374 : vector<16xf32> to vector<1x1x16xf32>
      tpu.vector_store %arg11[%swap3A_375, %swap3A_376, %swap3A_377], %swap3A_380 {add = true, strides = array<i32>} : memref<2x16x1024xf32, #tpu.memory_space<vmem>>, vector<1x1x16xf32>,
      %add3A_381 = arith.constant 16 : i32
      %add3A_382 = arith.addi %mul3A_363, %add3A_381 : i32
      %get3A_383 = arith.index_cast %and3A_359 : i32 to index
      %get3A_384 = arith.index_cast %add3A_382 : i32 to index
      %get3A_385 = tpu.vector_load %arg8[%get3A_383, %get3A_384] {strides = array<i32>} : memref<16x1024xf32, #tpu.memory_space<vmem>>, vector<1x16xf32>,
      %get3A_386 = vector.shape_cast %get3A_385 : vector<1x16xf32> to vector<16xf32>
      %select_n3A_387 = arith.select %eq3A, %broadcast_in_dim3A_47, %get3A_386 : vector<16xi1>, vector<16xf32>
      %swap3A_388 = arith.index_cast %shift_right_logical3A_358 : i32 to index
      %swap3A_389 = arith.index_cast %and3A_359 : i32 to index
      %swap3A_390 = arith.index_cast %add3A_382 : i32 to index
      %swap3A_391 = tpu.vector_load %arg11[%swap3A_388, %swap3A_389, %swap3A_390] {strides = array<i32>} : memref<2x16x1024xf32, #tpu.memory_space<vmem>>, vector<1x1x16xf32>,
      %swap3A_392 = vector.shape_cast %swap3A_391 : vector<1x1x16xf32> to vector<16xf32>
      %swap3A_393 = vector.shape_cast %select_n3A_387 : vector<16xf32> to vector<1x1x16xf32>
      tpu.vector_store %arg11[%swap3A_388, %swap3A_389, %swap3A_390], %swap3A_393 {add = true, strides = array<i32>} : memref<2x16x1024xf32, #tpu.memory_space<vmem>>, vector<1x1x16xf32>,
      %add3A_394 = arith.constant 32 : i32
      %add3A_395 = arith.addi %mul3A_363, %add3A_394 : i32
      %get3A_396 = arith.index_cast %and3A_359 : i32 to index
      %get3A_397 = arith.index_cast %add3A_395 : i32 to index
      %get3A_398 = tpu.vector_load %arg8[%get3A_396, %get3A_397] {strides = array<i32>} : memref<16x1024xf32, #tpu.memory_space<vmem>>, vector<1x16xf32>,
      %get3A_399 = vector.shape_cast %get3A_398 : vector<1x16xf32> to vector<16xf32>
      %select_n3A_400 = arith.select %eq3A, %broadcast_in_dim3A_47, %get3A_399 : vector<16xi1>, vector<16xf32>
      %swap3A_401 = arith.index_cast %shift_right_logical3A_358 : i32 to index
      %swap3A_402 = arith.index_cast %and3A_359 : i32 to index
      %swap3A_403 = arith.index_cast %add3A_395 : i32 to index
      %swap3A_404 = tpu.vector_load %arg11[%swap3A_401, %swap3A_402, %swap3A_403] {strides = array<i32>} : memref<2x16x1024xf32, #tpu.memory_space<vmem>>, vector<1x1x16xf32>,
      %swap3A_405 = vector.shape_cast %swap3A_404 : vector<1x1x16xf32> to vector<16xf32>
      %swap3A_406 = vector.shape_cast %select_n3A_400 : vector<16xf32> to vector<1x1x16xf32>
      tpu.vector_store %arg11[%swap3A_401, %swap3A_402, %swap3A_403], %swap3A_406 {add = true, strides = array<i32>} : memref<2x16x1024xf32, #tpu.memory_space<vmem>>, vector<1x1x16xf32>,
      %add3A_407 = arith.constant 48 : i32
      %add3A_408 = arith.addi %mul3A_363, %add3A_407 : i32
      %get3A_409 = arith.index_cast %and3A_359 : i32 to index
      %get3A_410 = arith.index_cast %add3A_408 : i32 to index
      %get3A_411 = tpu.vector_load %arg8[%get3A_409, %get3A_410] {strides = array<i32>} : memref<16x1024xf32, #tpu.memory_space<vmem>>, vector<1x16xf32>,
      %get3A_412 = vector.shape_cast %get3A_411 : vector<1x16xf32> to vector<16xf32>
      %select_n3A_413 = arith.select %eq3A, %broadcast_in_dim3A_47, %get3A_412 : vector<16xi1>, vector<16xf32>
      %swap3A_414 = arith.index_cast %shift_right_logical3A_358 : i32 to index
      %swap3A_415 = arith.index_cast %and3A_359 : i32 to index
      %swap3A_416 = arith.index_cast %add3A_408 : i32 to index
      %swap3A_417 = tpu.vector_load %arg11[%swap3A_414, %swap3A_415, %swap3A_416] {strides = array<i32>} : memref<2x16x1024xf32, #tpu.memory_space<vmem>>, vector<1x1x16xf32>,
      %swap3A_418 = vector.shape_cast %swap3A_417 : vector<1x1x16xf32> to vector<16xf32>
      %swap3A_419 = vector.shape_cast %select_n3A_413 : vector<16xf32> to vector<1x1x16xf32>
      tpu.vector_store %arg11[%swap3A_414, %swap3A_415, %swap3A_416], %swap3A_419 {add = true, strides = array<i32>} : memref<2x16x1024xf32, #tpu.memory_space<vmem>>, vector<1x1x16xf32>,
      %add3A_420 = arith.constant 64 : i32
      %add3A_421 = arith.addi %mul3A_363, %add3A_420 : i32
      %get3A_422 = arith.index_cast %and3A_359 : i32 to index
      %get3A_423 = arith.index_cast %add3A_421 : i32 to index
      %get3A_424 = tpu.vector_load %arg8[%get3A_422, %get3A_423] {strides = array<i32>} : memref<16x1024xf32, #tpu.memory_space<vmem>>, vector<1x16xf32>,
      %get3A_425 = vector.shape_cast %get3A_424 : vector<1x16xf32> to vector<16xf32>
      %select_n3A_426 = arith.select %eq3A, %broadcast_in_dim3A_47, %get3A_425 : vector<16xi1>, vector<16xf32>
      %swap3A_427 = arith.index_cast %shift_right_logical3A_358 : i32 to index
      %swap3A_428 = arith.index_cast %and3A_359 : i32 to index
      %swap3A_429 = arith.index_cast %add3A_421 : i32 to index
      %swap3A_430 = tpu.vector_load %arg11[%swap3A_427, %swap3A_428, %swap3A_429] {strides = array<i32>} : memref<2x16x1024xf32, #tpu.memory_space<vmem>>, vector<1x1x16xf32>,
      %swap3A_431 = vector.shape_cast %swap3A_430 : vector<1x1x16xf32> to vector<16xf32>
      %swap3A_432 = vector.shape_cast %select_n3A_426 : vector<16xf32> to vector<1x1x16xf32>
      tpu.vector_store %arg11[%swap3A_427, %swap3A_428, %swap3A_429], %swap3A_432 {add = true, strides = array<i32>} : memref<2x16x1024xf32, #tpu.memory_space<vmem>>, vector<1x1x16xf32>,
      %add3A_433 = arith.constant 80 : i32
      %add3A_434 = arith.addi %mul3A_363, %add3A_433 : i32
      %get3A_435 = arith.index_cast %and3A_359 : i32 to index
      %get3A_436 = arith.index_cast %add3A_434 : i32 to index
      %get3A_437 = tpu.vector_load %arg8[%get3A_435, %get3A_436] {strides = array<i32>} : memref<16x1024xf32, #tpu.memory_space<vmem>>, vector<1x16xf32>,
      %get3A_438 = vector.shape_cast %get3A_437 : vector<1x16xf32> to vector<16xf32>
      %select_n3A_439 = arith.select %eq3A, %broadcast_in_dim3A_47, %get3A_438 : vector<16xi1>, vector<16xf32>
      %swap3A_440 = arith.index_cast %shift_right_logical3A_358 : i32 to index
      %swap3A_441 = arith.index_cast %and3A_359 : i32 to index
      %swap3A_442 = arith.index_cast %add3A_434 : i32 to index
      %swap3A_443 = tpu.vector_load %arg11[%swap3A_440, %swap3A_441, %swap3A_442] {strides = array<i32>} : memref<2x16x1024xf32, #tpu.memory_space<vmem>>, vector<1x1x16xf32>,
      %swap3A_444 = vector.shape_cast %swap3A_443 : vector<1x1x16xf32> to vector<16xf32>
      %swap3A_445 = vector.shape_cast %select_n3A_439 : vector<16xf32> to vector<1x1x16xf32>
      tpu.vector_store %arg11[%swap3A_440, %swap3A_441, %swap3A_442], %swap3A_445 {add = true, strides = array<i32>} : memref<2x16x1024xf32, #tpu.memory_space<vmem>>, vector<1x1x16xf32>,
      %add3A_446 = arith.constant 96 : i32
      %add3A_447 = arith.addi %mul3A_363, %add3A_446 : i32
      %get3A_448 = arith.index_cast %and3A_359 : i32 to index
      %get3A_449 = arith.index_cast %add3A_447 : i32 to index
      %get3A_450 = tpu.vector_load %arg8[%get3A_448, %get3A_449] {strides = array<i32>} : memref<16x1024xf32, #tpu.memory_space<vmem>>, vector<1x16xf32>,
      %get3A_451 = vector.shape_cast %get3A_450 : vector<1x16xf32> to vector<16xf32>
      %select_n3A_452 = arith.select %eq3A, %broadcast_in_dim3A_47, %get3A_451 : vector<16xi1>, vector<16xf32>
      %swap3A_453 = arith.index_cast %shift_right_logical3A_358 : i32 to index
      %swap3A_454 = arith.index_cast %and3A_359 : i32 to index
      %swap3A_455 = arith.index_cast %add3A_447 : i32 to index
      %swap3A_456 = tpu.vector_load %arg11[%swap3A_453, %swap3A_454, %swap3A_455] {strides = array<i32>} : memref<2x16x1024xf32, #tpu.memory_space<vmem>>, vector<1x1x16xf32>,
      %swap3A_457 = vector.shape_cast %swap3A_456 : vector<1x1x16xf32> to vector<16xf32>
      %swap3A_458 = vector.shape_cast %select_n3A_452 : vector<16xf32> to vector<1x1x16xf32>
      tpu.vector_store %arg11[%swap3A_453, %swap3A_454, %swap3A_455], %swap3A_458 {add = true, strides = array<i32>} : memref<2x16x1024xf32, #tpu.memory_space<vmem>>, vector<1x1x16xf32>,
      %add3A_459 = arith.constant 112 : i32
      %add3A_460 = arith.addi %mul3A_363, %add3A_459 : i32
      %get3A_461 = arith.index_cast %and3A_359 : i32 to index
      %get3A_462 = arith.index_cast %add3A_460 : i32 to index
      %get3A_463 = tpu.vector_load %arg8[%get3A_461, %get3A_462] {strides = array<i32>} : memref<16x1024xf32, #tpu.memory_space<vmem>>, vector<1x16xf32>,
      %get3A_464 = vector.shape_cast %get3A_463 : vector<1x16xf32> to vector<16xf32>
      %select_n3A_465 = arith.select %eq3A, %broadcast_in_dim3A_47, %get3A_464 : vector<16xi1>, vector<16xf32>
      %swap3A_466 = arith.index_cast %shift_right_logical3A_358 : i32 to index
      %swap3A_467 = arith.index_cast %and3A_359 : i32 to index
      %swap3A_468 = arith.index_cast %add3A_460 : i32 to index
      %swap3A_469 = tpu.vector_load %arg11[%swap3A_466, %swap3A_467, %swap3A_468] {strides = array<i32>} : memref<2x16x1024xf32, #tpu.memory_space<vmem>>, vector<1x1x16xf32>,
      %swap3A_470 = vector.shape_cast %swap3A_469 : vector<1x1x16xf32> to vector<16xf32>
      %swap3A_471 = vector.shape_cast %select_n3A_465 : vector<16xf32> to vector<1x1x16xf32>
      tpu.vector_store %arg11[%swap3A_466, %swap3A_467, %swap3A_468], %swap3A_471 {add = true, strides = array<i32>} : memref<2x16x1024xf32, #tpu.memory_space<vmem>>, vector<1x1x16xf32>,
      %scan3A_472 = arith.constant 0 : i32
      scf.yield %scan3A_472 : i32
    }
    %scan3A_61 = arith.constant 256 : i32
    %add3A_62 = arith.constant 0 : i32
    %add3A_63 = arith.addi %mul3A_2, %add3A_62 : i32
    %dma_start3A_64 = arith.constant 0 : i32
    %dma_start3A_65 = arith.constant 0 : i32
    %dma_start3A_66 = tpu.memref_slice %arg5[%dma_start3A_64, %add3A_63, %dma_start3A_65] : memref<4x2048x1024xf32, #tpu.memory_space<hbm>> -> memref<2x16x1024xf32, #tpu.memory_space<hbm>>
    %dma_start3A_67 = arith.constant 0 : i32
    %dma_start3A_68 = arith.constant 0 : i32
    %dma_start3A_69 = tpu.memref_slice %arg5[%dma_start3A_67, %add3A_63, %dma_start3A_68] : memref<4x2048x1024xf32, #tpu.memory_space<hbm>> -> memref<2x16x1024xf32, #tpu.memory_space<hbm>>
    tpu.enqueue_dma source(%arg11 : memref<2x16x1024xf32, #tpu.memory_space<vmem>>) target(%dma_start3A_69 : memref<2x16x1024xf32, #tpu.memory_space<hbm>>) target_semaphore(%arg17 : memref<!tpu.dma_semaphore, #tpu.memory_space<semaphore_mem>>)
    %add3A_70 = arith.constant 16 : i32
    %add3A_71 = arith.addi %mul3A_2, %add3A_70 : i32
    %dma_start3A_72 = arith.constant 0 : i32
    %dma_start3A_73 = arith.constant 0 : i32
    %dma_start3A_74 = tpu.memref_slice %arg2[%dma_start3A_72, %add3A_71, %dma_start3A_73] : memref<4x2048x1024xf32, #tpu.memory_space<hbm>> -> memref<2x16x1024xf32, #tpu.memory_space<hbm>>
    %dma_start3A_75 = arith.constant 0 : i32
    %dma_start3A_76 = arith.constant 0 : i32
    %dma_start3A_77 = tpu.memref_slice %arg2[%dma_start3A_75, %add3A_71, %dma_start3A_76] : memref<4x2048x1024xf32, #tpu.memory_space<hbm>> -> memref<2x16x1024xf32, #tpu.memory_space<hbm>>
    tpu.enqueue_dma source(%dma_start3A_77 : memref<2x16x1024xf32, #tpu.memory_space<hbm>>) target(%arg11 : memref<2x16x1024xf32, #tpu.memory_space<vmem>>) target_semaphore(%arg15 : memref<!tpu.dma_semaphore, #tpu.memory_space<semaphore_mem>>)
    %dma_wait3A_78 = arith.constant 2 : i32
    %dma_wait3A_79 = arith.constant 0 : i32
    %dma_wait3A_80 = tpu.memref_slice %arg2[%dma_wait3A_78, %add3A_39, %dma_wait3A_79] : memref<4x2048x1024xf32, #tpu.memory_space<hbm>> -> memref<2x16x1024xf32, #tpu.memory_space<hbm>>
    %dma_wait3A_81 = arith.constant 2 : i32
    %dma_wait3A_82 = arith.constant 0 : i32
    %dma_wait3A_83 = tpu.memref_slice %arg2[%dma_wait3A_81, %add3A_39, %dma_wait3A_82] : memref<4x2048x1024xf32, #tpu.memory_space<hbm>> -> memref<2x16x1024xf32, #tpu.memory_space<hbm>>
    tpu.wait_dma2 semaphore(%arg16 : memref<!tpu.dma_semaphore, #tpu.memory_space<semaphore_mem>>) src(%dma_wait3A_83 : memref<2x16x1024xf32, #tpu.memory_space<hbm>>) dst(%arg12 : memref<2x16x1024xf32, #tpu.memory_space<vmem>>)
    %scan3A_84 = arith.constant 0 : i32
    %scan3A_85 = arith.constant 0 : i32
    %scan3A_86 = arith.constant 256 : i32
    %scan3A_87 = arith.addi %scan3A_85, %scan3A_86 : i32
    %scan3A_88 = arith.constant 1 : i32
    %scan3A_89 = scf.for %scan3A_354 = %scan3A_85 to %scan3A_87 step %scan3A_88 iter_args(%scan3A_355 = %scan3A_84) -> (i32)  : i32 {
      %shift_right_logical3A = arith.constant 3 : i32
      %shift_right_logical3A_356 = arith.shrui %scan3A_354, %shift_right_logical3A : i32
      %shift_right_logical3A_357 = arith.constant 4 : i32
      %shift_right_logical3A_358 = arith.shrui %shift_right_logical3A_356, %shift_right_logical3A_357 : i32
      %and3A = arith.constant 15 : i32
      %and3A_359 = arith.andi %shift_right_logical3A_356, %and3A : i32
      %and3A_360 = arith.constant 7 : i32
      %and3A_361 = arith.andi %scan3A_354, %and3A_360 : i32
      %mul3A_362 = arith.constant 128 : i32
      %mul3A_363 = arith.muli %and3A_361, %mul3A_362 : i32
      %add3A_364 = arith.constant 0 : i32
      %add3A_365 = arith.addi %mul3A_2, %add3A_364 : i32
      %add3A_366 = arith.addi %add3A_365, %and3A_359 : i32
      %broadcast_in_dim3A_367 = vector.broadcast %add3A_366 : i32 to vector<16xi32>
      %eq3A = arith.cmpi eq, %broadcast_in_dim3A_367, %get3A_4 : vector<16xi32>
      %add3A_368 = arith.constant 0 : i32
      %add3A_369 = arith.addi %mul3A_363, %add3A_368 : i32
      %get3A_370 = arith.index_cast %and3A_359 : i32 to index
      %get3A_371 = arith.index_cast %add3A_369 : i32 to index
      %get3A_372 = tpu.vector_load %arg8[%get3A_370, %get3A_371] {strides = array<i32>} : memref<16x1024xf32, #tpu.memory_space<vmem>>, vector<1x16xf32>,
      %get3A_373 = vector.shape_cast %get3A_372 : vector<1x16xf32> to vector<16xf32>
      %select_n3A_374 = arith.select %eq3A, %broadcast_in_dim3A_47, %get3A_373 : vector<16xi1>, vector<16xf32>
      %swap3A_375 = arith.index_cast %shift_right_logical3A_358 : i32 to index
      %swap3A_376 = arith.index_cast %and3A_359 : i32 to index
      %swap3A_377 = arith.index_cast %add3A_369 : i32 to index
      %swap3A_378 = tpu.vector_load %arg12[%swap3A_375, %swap3A_376, %swap3A_377] {strides = array<i32>} : memref<2x16x1024xf32, #tpu.memory_space<vmem>>, vector<1x1x16xf32>,
      %swap3A_379 = vector.shape_cast %swap3A_378 : vector<1x1x16xf32> to vector<16xf32>
      %swap3A_380 = vector.shape_cast %select_n3A_374 : vector<16xf32> to vector<1x1x16xf32>
      tpu.vector_store %arg12[%swap3A_375, %swap3A_376, %swap3A_377], %swap3A_380 {add = true, strides = array<i32>} : memref<2x16x1024xf32, #tpu.memory_space<vmem>>, vector<1x1x16xf32>,
      %add3A_381 = arith.constant 16 : i32
      %add3A_382 = arith.addi %mul3A_363, %add3A_381 : i32
      %get3A_383 = arith.index_cast %and3A_359 : i32 to index
      %get3A_384 = arith.index_cast %add3A_382 : i32 to index
      %get3A_385 = tpu.vector_load %arg8[%get3A_383, %get3A_384] {strides = array<i32>} : memref<16x1024xf32, #tpu.memory_space<vmem>>, vector<1x16xf32>,
      %get3A_386 = vector.shape_cast %get3A_385 : vector<1x16xf32> to vector<16xf32>
      %select_n3A_387 = arith.select %eq3A, %broadcast_in_dim3A_47, %get3A_386 : vector<16xi1>, vector<16xf32>
      %swap3A_388 = arith.index_cast %shift_right_logical3A_358 : i32 to index
      %swap3A_389 = arith.index_cast %and3A_359 : i32 to index
      %swap3A_390 = arith.index_cast %add3A_382 : i32 to index
      %swap3A_391 = tpu.vector_load %arg12[%swap3A_388, %swap3A_389, %swap3A_390] {strides = array<i32>} : memref<2x16x1024xf32, #tpu.memory_space<vmem>>, vector<1x1x16xf32>,
      %swap3A_392 = vector.shape_cast %swap3A_391 : vector<1x1x16xf32> to vector<16xf32>
      %swap3A_393 = vector.shape_cast %select_n3A_387 : vector<16xf32> to vector<1x1x16xf32>
      tpu.vector_store %arg12[%swap3A_388, %swap3A_389, %swap3A_390], %swap3A_393 {add = true, strides = array<i32>} : memref<2x16x1024xf32, #tpu.memory_space<vmem>>, vector<1x1x16xf32>,
      %add3A_394 = arith.constant 32 : i32
      %add3A_395 = arith.addi %mul3A_363, %add3A_394 : i32
      %get3A_396 = arith.index_cast %and3A_359 : i32 to index
      %get3A_397 = arith.index_cast %add3A_395 : i32 to index
      %get3A_398 = tpu.vector_load %arg8[%get3A_396, %get3A_397] {strides = array<i32>} : memref<16x1024xf32, #tpu.memory_space<vmem>>, vector<1x16xf32>,
      %get3A_399 = vector.shape_cast %get3A_398 : vector<1x16xf32> to vector<16xf32>
      %select_n3A_400 = arith.select %eq3A, %broadcast_in_dim3A_47, %get3A_399 : vector<16xi1>, vector<16xf32>
      %swap3A_401 = arith.index_cast %shift_right_logical3A_358 : i32 to index
      %swap3A_402 = arith.index_cast %and3A_359 : i32 to index
      %swap3A_403 = arith.index_cast %add3A_395 : i32 to index
      %swap3A_404 = tpu.vector_load %arg12[%swap3A_401, %swap3A_402, %swap3A_403] {strides = array<i32>} : memref<2x16x1024xf32, #tpu.memory_space<vmem>>, vector<1x1x16xf32>,
      %swap3A_405 = vector.shape_cast %swap3A_404 : vector<1x1x16xf32> to vector<16xf32>
      %swap3A_406 = vector.shape_cast %select_n3A_400 : vector<16xf32> to vector<1x1x16xf32>
      tpu.vector_store %arg12[%swap3A_401, %swap3A_402, %swap3A_403], %swap3A_406 {add = true, strides = array<i32>} : memref<2x16x1024xf32, #tpu.memory_space<vmem>>, vector<1x1x16xf32>,
      %add3A_407 = arith.constant 48 : i32
      %add3A_408 = arith.addi %mul3A_363, %add3A_407 : i32
      %get3A_409 = arith.index_cast %and3A_359 : i32 to index
      %get3A_410 = arith.index_cast %add3A_408 : i32 to index
      %get3A_411 = tpu.vector_load %arg8[%get3A_409, %get3A_410] {strides = array<i32>} : memref<16x1024xf32, #tpu.memory_space<vmem>>, vector<1x16xf32>,
      %get3A_412 = vector.shape_cast %get3A_411 : vector<1x16xf32> to vector<16xf32>
      %select_n3A_413 = arith.select %eq3A, %broadcast_in_dim3A_47, %get3A_412 : vector<16xi1>, vector<16xf32>
      %swap3A_414 = arith.index_cast %shift_right_logical3A_358 : i32 to index
      %swap3A_415 = arith.index_cast %and3A_359 : i32 to index
      %swap3A_416 = arith.index_cast %add3A_408 : i32 to index
      %swap3A_417 = tpu.vector_load %arg12[%swap3A_414, %swap3A_415, %swap3A_416] {strides = array<i32>} : memref<2x16x1024xf32, #tpu.memory_space<vmem>>, vector<1x1x16xf32>,
      %swap3A_418 = vector.shape_cast %swap3A_417 : vector<1x1x16xf32> to vector<16xf32>
      %swap3A_419 = vector.shape_cast %select_n3A_413 : vector<16xf32> to vector<1x1x16xf32>
      tpu.vector_store %arg12[%swap3A_414, %swap3A_415, %swap3A_416], %swap3A_419 {add = true, strides = array<i32>} : memref<2x16x1024xf32, #tpu.memory_space<vmem>>, vector<1x1x16xf32>,
      %add3A_420 = arith.constant 64 : i32
      %add3A_421 = arith.addi %mul3A_363, %add3A_420 : i32
      %get3A_422 = arith.index_cast %and3A_359 : i32 to index
      %get3A_423 = arith.index_cast %add3A_421 : i32 to index
      %get3A_424 = tpu.vector_load %arg8[%get3A_422, %get3A_423] {strides = array<i32>} : memref<16x1024xf32, #tpu.memory_space<vmem>>, vector<1x16xf32>,
      %get3A_425 = vector.shape_cast %get3A_424 : vector<1x16xf32> to vector<16xf32>
      %select_n3A_426 = arith.select %eq3A, %broadcast_in_dim3A_47, %get3A_425 : vector<16xi1>, vector<16xf32>
      %swap3A_427 = arith.index_cast %shift_right_logical3A_358 : i32 to index
      %swap3A_428 = arith.index_cast %and3A_359 : i32 to index
      %swap3A_429 = arith.index_cast %add3A_421 : i32 to index
      %swap3A_430 = tpu.vector_load %arg12[%swap3A_427, %swap3A_428, %swap3A_429] {strides = array<i32>} : memref<2x16x1024xf32, #tpu.memory_space<vmem>>, vector<1x1x16xf32>,
      %swap3A_431 = vector.shape_cast %swap3A_430 : vector<1x1x16xf32> to vector<16xf32>
      %swap3A_432 = vector.shape_cast %select_n3A_426 : vector<16xf32> to vector<1x1x16xf32>
      tpu.vector_store %arg12[%swap3A_427, %swap3A_428, %swap3A_429], %swap3A_432 {add = true, strides = array<i32>} : memref<2x16x1024xf32, #tpu.memory_space<vmem>>, vector<1x1x16xf32>,
      %add3A_433 = arith.constant 80 : i32
      %add3A_434 = arith.addi %mul3A_363, %add3A_433 : i32
      %get3A_435 = arith.index_cast %and3A_359 : i32 to index
      %get3A_436 = arith.index_cast %add3A_434 : i32 to index
      %get3A_437 = tpu.vector_load %arg8[%get3A_435, %get3A_436] {strides = array<i32>} : memref<16x1024xf32, #tpu.memory_space<vmem>>, vector<1x16xf32>,
      %get3A_438 = vector.shape_cast %get3A_437 : vector<1x16xf32> to vector<16xf32>
      %select_n3A_439 = arith.select %eq3A, %broadcast_in_dim3A_47, %get3A_438 : vector<16xi1>, vector<16xf32>
      %swap3A_440 = arith.index_cast %shift_right_logical3A_358 : i32 to index
      %swap3A_441 = arith.index_cast %and3A_359 : i32 to index
      %swap3A_442 = arith.index_cast %add3A_434 : i32 to index
      %swap3A_443 = tpu.vector_load %arg12[%swap3A_440, %swap3A_441, %swap3A_442] {strides = array<i32>} : memref<2x16x1024xf32, #tpu.memory_space<vmem>>, vector<1x1x16xf32>,
      %swap3A_444 = vector.shape_cast %swap3A_443 : vector<1x1x16xf32> to vector<16xf32>
      %swap3A_445 = vector.shape_cast %select_n3A_439 : vector<16xf32> to vector<1x1x16xf32>
      tpu.vector_store %arg12[%swap3A_440, %swap3A_441, %swap3A_442], %swap3A_445 {add = true, strides = array<i32>} : memref<2x16x1024xf32, #tpu.memory_space<vmem>>, vector<1x1x16xf32>,
      %add3A_446 = arith.constant 96 : i32
      %add3A_447 = arith.addi %mul3A_363, %add3A_446 : i32
      %get3A_448 = arith.index_cast %and3A_359 : i32 to index
      %get3A_449 = arith.index_cast %add3A_447 : i32 to index
      %get3A_450 = tpu.vector_load %arg8[%get3A_448, %get3A_449] {strides = array<i32>} : memref<16x1024xf32, #tpu.memory_space<vmem>>, vector<1x16xf32>,
      %get3A_451 = vector.shape_cast %get3A_450 : vector<1x16xf32> to vector<16xf32>
      %select_n3A_452 = arith.select %eq3A, %broadcast_in_dim3A_47, %get3A_451 : vector<16xi1>, vector<16xf32>
      %swap3A_453 = arith.index_cast %shift_right_logical3A_358 : i32 to index
      %swap3A_454 = arith.index_cast %and3A_359 : i32 to index
      %swap3A_455 = arith.index_cast %add3A_447 : i32 to index
      %swap3A_456 = tpu.vector_load %arg12[%swap3A_453, %swap3A_454, %swap3A_455] {strides = array<i32>} : memref<2x16x1024xf32, #tpu.memory_space<vmem>>, vector<1x1x16xf32>,
      %swap3A_457 = vector.shape_cast %swap3A_456 : vector<1x1x16xf32> to vector<16xf32>
      %swap3A_458 = vector.shape_cast %select_n3A_452 : vector<16xf32> to vector<1x1x16xf32>
      tpu.vector_store %arg12[%swap3A_453, %swap3A_454, %swap3A_455], %swap3A_458 {add = true, strides = array<i32>} : memref<2x16x1024xf32, #tpu.memory_space<vmem>>, vector<1x1x16xf32>,
      %add3A_459 = arith.constant 112 : i32
      %add3A_460 = arith.addi %mul3A_363, %add3A_459 : i32
      %get3A_461 = arith.index_cast %and3A_359 : i32 to index
      %get3A_462 = arith.index_cast %add3A_460 : i32 to index
      %get3A_463 = tpu.vector_load %arg8[%get3A_461, %get3A_462] {strides = array<i32>} : memref<16x1024xf32, #tpu.memory_space<vmem>>, vector<1x16xf32>,
      %get3A_464 = vector.shape_cast %get3A_463 : vector<1x16xf32> to vector<16xf32>
      %select_n3A_465 = arith.select %eq3A, %broadcast_in_dim3A_47, %get3A_464 : vector<16xi1>, vector<16xf32>
      %swap3A_466 = arith.index_cast %shift_right_logical3A_358 : i32 to index
      %swap3A_467 = arith.index_cast %and3A_359 : i32 to index
      %swap3A_468 = arith.index_cast %add3A_460 : i32 to index
      %swap3A_469 = tpu.vector_load %arg12[%swap3A_466, %swap3A_467, %swap3A_468] {strides = array<i32>} : memref<2x16x1024xf32, #tpu.memory_space<vmem>>, vector<1x1x16xf32>,
      %swap3A_470 = vector.shape_cast %swap3A_469 : vector<1x1x16xf32> to vector<16xf32>
      %swap3A_471 = vector.shape_cast %select_n3A_465 : vector<16xf32> to vector<1x1x16xf32>
      tpu.vector_store %arg12[%swap3A_466, %swap3A_467, %swap3A_468], %swap3A_471 {add = true, strides = array<i32>} : memref<2x16x1024xf32, #tpu.memory_space<vmem>>, vector<1x1x16xf32>,
      %scan3A_472 = arith.constant 0 : i32
      scf.yield %scan3A_472 : i32
    }
    %scan3A_90 = arith.constant 256 : i32
    %add3A_91 = arith.constant 0 : i32
    %add3A_92 = arith.addi %mul3A_2, %add3A_91 : i32
    %dma_start3A_93 = arith.constant 2 : i32
    %dma_start3A_94 = arith.constant 0 : i32
    %dma_start3A_95 = tpu.memref_slice %arg5[%dma_start3A_93, %add3A_92, %dma_start3A_94] : memref<4x2048x1024xf32, #tpu.memory_space<hbm>> -> memref<2x16x1024xf32, #tpu.memory_space<hbm>>
    %dma_start3A_96 = arith.constant 2 : i32
    %dma_start3A_97 = arith.constant 0 : i32
    %dma_start3A_98 = tpu.memref_slice %arg5[%dma_start3A_96, %add3A_92, %dma_start3A_97] : memref<4x2048x1024xf32, #tpu.memory_space<hbm>> -> memref<2x16x1024xf32, #tpu.memory_space<hbm>>
    tpu.enqueue_dma source(%arg12 : memref<2x16x1024xf32, #tpu.memory_space<vmem>>) target(%dma_start3A_98 : memref<2x16x1024xf32, #tpu.memory_space<hbm>>) target_semaphore(%arg18 : memref<!tpu.dma_semaphore, #tpu.memory_space<semaphore_mem>>)
    %add3A_99 = arith.constant 16 : i32
    %add3A_100 = arith.addi %mul3A_2, %add3A_99 : i32
    %dma_start3A_101 = arith.constant 2 : i32
    %dma_start3A_102 = arith.constant 0 : i32
    %dma_start3A_103 = tpu.memref_slice %arg2[%dma_start3A_101, %add3A_100, %dma_start3A_102] : memref<4x2048x1024xf32, #tpu.memory_space<hbm>> -> memref<2x16x1024xf32, #tpu.memory_space<hbm>>
    %dma_start3A_104 = arith.constant 2 : i32
    %dma_start3A_105 = arith.constant 0 : i32
    %dma_start3A_106 = tpu.memref_slice %arg2[%dma_start3A_104, %add3A_100, %dma_start3A_105] : memref<4x2048x1024xf32, #tpu.memory_space<hbm>> -> memref<2x16x1024xf32, #tpu.memory_space<hbm>>
    tpu.enqueue_dma source(%dma_start3A_106 : memref<2x16x1024xf32, #tpu.memory_space<hbm>>) target(%arg12 : memref<2x16x1024xf32, #tpu.memory_space<vmem>>) target_semaphore(%arg16 : memref<!tpu.dma_semaphore, #tpu.memory_space<semaphore_mem>>)
    %add3A_107 = arith.constant 32 : i32
    %add3A_108 = arith.addi %mul3A_2, %add3A_107 : i32
    %iota3A_109 = tpu.iota {dimensions = array<i32: 0>} : vector<16xi32>
    %add3A_110 = vector.broadcast %add3A_108 : i32 to vector<16xi32>
    %add3A_111 = arith.addi %add3A_110, %iota3A_109 : vector<16xi32>
    %lt3A_112 = arith.cmpi slt, %add3A_111, %get3A_4 : vector<16xi32>
    %jit3A_113 = arith.constant 2047 : i32
    %broadcast_in_dim3A_114 = vector.broadcast %jit3A_113 : i32 to vector<16xi32>
    %select_n3A_115 = arith.select %lt3A_112, %add3A_111, %broadcast_in_dim3A_114 : vector<16xi1>, vector<16xi32>
    %swap3A_116 = arith.constant 0 : index
    %swap3A_117 = tpu.vector_load %arg6[%swap3A_116] {strides = array<i32>} : memref<16xi32, #tpu.memory_space<vmem>>, vector<16xi32>,
    %swap3A_118 = vector.shape_cast %swap3A_117 : vector<16xi32> to vector<16xi32>
    %swap3A_119 = vector.shape_cast %select_n3A_115 : vector<16xi32> to vector<16xi32>
    tpu.vector_store %arg6[%swap3A_116], %swap3A_119 {strides = array<i32>} : memref<16xi32, #tpu.memory_space<vmem>>, vector<16xi32>,
    %dma_start3A_120 = arith.constant 0 : i32
    %dma_start3A_121 = arith.constant 0 : i32
    %dma_start3A_122 = tpu.memref_slice %arg4[%dma_start3A_120, %dma_start3A_121] : memref<2048x1024xf32, #tpu.memory_space<hbm>> -> memref<2048x1024xf32, #tpu.memory_space<hbm>>
    tpu.enqueue_indirect_dma source(%dma_start3A_122 : memref<2048x1024xf32, #tpu.memory_space<hbm>>) target(%arg8 : memref<16x1024xf32, #tpu.memory_space<vmem>>) offsets(%arg6 : memref<16xi32, #tpu.memory_space<vmem>>) semaphore(%arg13 : memref<!tpu.dma_semaphore, #tpu.memory_space<semaphore_mem>>)
    %dma_wait3A_123 = arith.constant 0 : i32
    %dma_wait3A_124 = arith.constant 0 : i32
    %dma_wait3A_125 = tpu.memref_slice %arg4[%dma_wait3A_123, %dma_wait3A_124] : memref<2048x1024xf32, #tpu.memory_space<hbm>> -> memref<2048x1024xf32, #tpu.memory_space<hbm>>
    tpu.wait_indirect_dma semaphore(%arg14 : memref<!tpu.dma_semaphore, #tpu.memory_space<semaphore_mem>>) src(%dma_wait3A_125 : memref<2048x1024xf32, #tpu.memory_space<hbm>>) dst(%arg9 : memref<16x1024xf32, #tpu.memory_space<vmem>>)
    %dma_wait3A_126 = arith.constant 0 : i32
    %dma_wait3A_127 = arith.constant 0 : i32
    %dma_wait3A_128 = tpu.memref_slice %arg2[%dma_wait3A_126, %add3A_71, %dma_wait3A_127] : memref<4x2048x1024xf32, #tpu.memory_space<hbm>> -> memref<2x16x1024xf32, #tpu.memory_space<hbm>>
    %dma_wait3A_129 = arith.constant 0 : i32
    %dma_wait3A_130 = arith.constant 0 : i32
    %dma_wait3A_131 = tpu.memref_slice %arg2[%dma_wait3A_129, %add3A_71, %dma_wait3A_130] : memref<4x2048x1024xf32, #tpu.memory_space<hbm>> -> memref<2x16x1024xf32, #tpu.memory_space<hbm>>
    tpu.wait_dma2 semaphore(%arg15 : memref<!tpu.dma_semaphore, #tpu.memory_space<semaphore_mem>>) src(%dma_wait3A_131 : memref<2x16x1024xf32, #tpu.memory_space<hbm>>) dst(%arg11 : memref<2x16x1024xf32, #tpu.memory_space<vmem>>)
    %dma_wait3A_132 = arith.constant 0 : i32
    %dma_wait3A_133 = arith.constant 0 : i32
    %dma_wait3A_134 = tpu.memref_slice %arg5[%dma_wait3A_132, %add3A_63, %dma_wait3A_133] : memref<4x2048x1024xf32, #tpu.memory_space<hbm>> -> memref<2x16x1024xf32, #tpu.memory_space<hbm>>
    %dma_wait3A_135 = arith.constant 0 : i32
    %dma_wait3A_136 = arith.constant 0 : i32
    %dma_wait3A_137 = tpu.memref_slice %arg5[%dma_wait3A_135, %add3A_63, %dma_wait3A_136] : memref<4x2048x1024xf32, #tpu.memory_space<hbm>> -> memref<2x16x1024xf32, #tpu.memory_space<hbm>>
    tpu.wait_dma2 semaphore(%arg17 : memref<!tpu.dma_semaphore, #tpu.memory_space<semaphore_mem>>) src(%arg11 : memref<2x16x1024xf32, #tpu.memory_space<vmem>>) dst(%dma_wait3A_137 : memref<2x16x1024xf32, #tpu.memory_space<hbm>>)
    %scan3A_138 = arith.constant 0 : i32
    %scan3A_139 = arith.constant 0 : i32
    %scan3A_140 = arith.constant 256 : i32
    %scan3A_141 = arith.addi %scan3A_139, %scan3A_140 : i32
    %scan3A_142 = arith.constant 1 : i32
    %scan3A_143 = scf.for %scan3A_354 = %scan3A_139 to %scan3A_141 step %scan3A_142 iter_args(%scan3A_355 = %scan3A_138) -> (i32)  : i32 {
      %shift_right_logical3A = arith.constant 3 : i32
      %shift_right_logical3A_356 = arith.shrui %scan3A_354, %shift_right_logical3A : i32
      %shift_right_logical3A_357 = arith.constant 4 : i32
      %shift_right_logical3A_358 = arith.shrui %shift_right_logical3A_356, %shift_right_logical3A_357 : i32
      %and3A = arith.constant 15 : i32
      %and3A_359 = arith.andi %shift_right_logical3A_356, %and3A : i32
      %and3A_360 = arith.constant 7 : i32
      %and3A_361 = arith.andi %scan3A_354, %and3A_360 : i32
      %mul3A_362 = arith.constant 128 : i32
      %mul3A_363 = arith.muli %and3A_361, %mul3A_362 : i32
      %add3A_364 = arith.constant 16 : i32
      %add3A_365 = arith.addi %mul3A_2, %add3A_364 : i32
      %add3A_366 = arith.addi %add3A_365, %and3A_359 : i32
      %broadcast_in_dim3A_367 = vector.broadcast %add3A_366 : i32 to vector<16xi32>
      %eq3A = arith.cmpi eq, %broadcast_in_dim3A_367, %get3A_4 : vector<16xi32>
      %add3A_368 = arith.constant 0 : i32
      %add3A_369 = arith.addi %mul3A_363, %add3A_368 : i32
      %get3A_370 = arith.index_cast %and3A_359 : i32 to index
      %get3A_371 = arith.index_cast %add3A_369 : i32 to index
      %get3A_372 = tpu.vector_load %arg9[%get3A_370, %get3A_371] {strides = array<i32>} : memref<16x1024xf32, #tpu.memory_space<vmem>>, vector<1x16xf32>,
      %get3A_373 = vector.shape_cast %get3A_372 : vector<1x16xf32> to vector<16xf32>
      %select_n3A_374 = arith.select %eq3A, %broadcast_in_dim3A_47, %get3A_373 : vector<16xi1>, vector<16xf32>
      %swap3A_375 = arith.index_cast %shift_right_logical3A_358 : i32 to index
      %swap3A_376 = arith.index_cast %and3A_359 : i32 to index
      %swap3A_377 = arith.index_cast %add3A_369 : i32 to index
      %swap3A_378 = tpu.vector_load %arg11[%swap3A_375, %swap3A_376, %swap3A_377] {strides = array<i32>} : memref<2x16x1024xf32, #tpu.memory_space<vmem>>, vector<1x1x16xf32>,
      %swap3A_379 = vector.shape_cast %swap3A_378 : vector<1x1x16xf32> to vector<16xf32>
      %swap3A_380 = vector.shape_cast %select_n3A_374 : vector<16xf32> to vector<1x1x16xf32>
      tpu.vector_store %arg11[%swap3A_375, %swap3A_376, %swap3A_377], %swap3A_380 {add = true, strides = array<i32>} : memref<2x16x1024xf32, #tpu.memory_space<vmem>>, vector<1x1x16xf32>,
      %add3A_381 = arith.constant 16 : i32
      %add3A_382 = arith.addi %mul3A_363, %add3A_381 : i32
      %get3A_383 = arith.index_cast %and3A_359 : i32 to index
      %get3A_384 = arith.index_cast %add3A_382 : i32 to index
      %get3A_385 = tpu.vector_load %arg9[%get3A_383, %get3A_384] {strides = array<i32>} : memref<16x1024xf32, #tpu.memory_space<vmem>>, vector<1x16xf32>,
      %get3A_386 = vector.shape_cast %get3A_385 : vector<1x16xf32> to vector<16xf32>
      %select_n3A_387 = arith.select %eq3A, %broadcast_in_dim3A_47, %get3A_386 : vector<16xi1>, vector<16xf32>
      %swap3A_388 = arith.index_cast %shift_right_logical3A_358 : i32 to index
      %swap3A_389 = arith.index_cast %and3A_359 : i32 to index
      %swap3A_390 = arith.index_cast %add3A_382 : i32 to index
      %swap3A_391 = tpu.vector_load %arg11[%swap3A_388, %swap3A_389, %swap3A_390] {strides = array<i32>} : memref<2x16x1024xf32, #tpu.memory_space<vmem>>, vector<1x1x16xf32>,
      %swap3A_392 = vector.shape_cast %swap3A_391 : vector<1x1x16xf32> to vector<16xf32>
      %swap3A_393 = vector.shape_cast %select_n3A_387 : vector<16xf32> to vector<1x1x16xf32>
      tpu.vector_store %arg11[%swap3A_388, %swap3A_389, %swap3A_390], %swap3A_393 {add = true, strides = array<i32>} : memref<2x16x1024xf32, #tpu.memory_space<vmem>>, vector<1x1x16xf32>,
      %add3A_394 = arith.constant 32 : i32
      %add3A_395 = arith.addi %mul3A_363, %add3A_394 : i32
      %get3A_396 = arith.index_cast %and3A_359 : i32 to index
      %get3A_397 = arith.index_cast %add3A_395 : i32 to index
      %get3A_398 = tpu.vector_load %arg9[%get3A_396, %get3A_397] {strides = array<i32>} : memref<16x1024xf32, #tpu.memory_space<vmem>>, vector<1x16xf32>,
      %get3A_399 = vector.shape_cast %get3A_398 : vector<1x16xf32> to vector<16xf32>
      %select_n3A_400 = arith.select %eq3A, %broadcast_in_dim3A_47, %get3A_399 : vector<16xi1>, vector<16xf32>
      %swap3A_401 = arith.index_cast %shift_right_logical3A_358 : i32 to index
      %swap3A_402 = arith.index_cast %and3A_359 : i32 to index
      %swap3A_403 = arith.index_cast %add3A_395 : i32 to index
      %swap3A_404 = tpu.vector_load %arg11[%swap3A_401, %swap3A_402, %swap3A_403] {strides = array<i32>} : memref<2x16x1024xf32, #tpu.memory_space<vmem>>, vector<1x1x16xf32>,
      %swap3A_405 = vector.shape_cast %swap3A_404 : vector<1x1x16xf32> to vector<16xf32>
      %swap3A_406 = vector.shape_cast %select_n3A_400 : vector<16xf32> to vector<1x1x16xf32>
      tpu.vector_store %arg11[%swap3A_401, %swap3A_402, %swap3A_403], %swap3A_406 {add = true, strides = array<i32>} : memref<2x16x1024xf32, #tpu.memory_space<vmem>>, vector<1x1x16xf32>,
      %add3A_407 = arith.constant 48 : i32
      %add3A_408 = arith.addi %mul3A_363, %add3A_407 : i32
      %get3A_409 = arith.index_cast %and3A_359 : i32 to index
      %get3A_410 = arith.index_cast %add3A_408 : i32 to index
      %get3A_411 = tpu.vector_load %arg9[%get3A_409, %get3A_410] {strides = array<i32>} : memref<16x1024xf32, #tpu.memory_space<vmem>>, vector<1x16xf32>,
      %get3A_412 = vector.shape_cast %get3A_411 : vector<1x16xf32> to vector<16xf32>
      %select_n3A_413 = arith.select %eq3A, %broadcast_in_dim3A_47, %get3A_412 : vector<16xi1>, vector<16xf32>
      %swap3A_414 = arith.index_cast %shift_right_logical3A_358 : i32 to index
      %swap3A_415 = arith.index_cast %and3A_359 : i32 to index
      %swap3A_416 = arith.index_cast %add3A_408 : i32 to index
      %swap3A_417 = tpu.vector_load %arg11[%swap3A_414, %swap3A_415, %swap3A_416] {strides = array<i32>} : memref<2x16x1024xf32, #tpu.memory_space<vmem>>, vector<1x1x16xf32>,
      %swap3A_418 = vector.shape_cast %swap3A_417 : vector<1x1x16xf32> to vector<16xf32>
      %swap3A_419 = vector.shape_cast %select_n3A_413 : vector<16xf32> to vector<1x1x16xf32>
      tpu.vector_store %arg11[%swap3A_414, %swap3A_415, %swap3A_416], %swap3A_419 {add = true, strides = array<i32>} : memref<2x16x1024xf32, #tpu.memory_space<vmem>>, vector<1x1x16xf32>,
      %add3A_420 = arith.constant 64 : i32
      %add3A_421 = arith.addi %mul3A_363, %add3A_420 : i32
      %get3A_422 = arith.index_cast %and3A_359 : i32 to index
      %get3A_423 = arith.index_cast %add3A_421 : i32 to index
      %get3A_424 = tpu.vector_load %arg9[%get3A_422, %get3A_423] {strides = array<i32>} : memref<16x1024xf32, #tpu.memory_space<vmem>>, vector<1x16xf32>,
      %get3A_425 = vector.shape_cast %get3A_424 : vector<1x16xf32> to vector<16xf32>
      %select_n3A_426 = arith.select %eq3A, %broadcast_in_dim3A_47, %get3A_425 : vector<16xi1>, vector<16xf32>
      %swap3A_427 = arith.index_cast %shift_right_logical3A_358 : i32 to index
      %swap3A_428 = arith.index_cast %and3A_359 : i32 to index
      %swap3A_429 = arith.index_cast %add3A_421 : i32 to index
      %swap3A_430 = tpu.vector_load %arg11[%swap3A_427, %swap3A_428, %swap3A_429] {strides = array<i32>} : memref<2x16x1024xf32, #tpu.memory_space<vmem>>, vector<1x1x16xf32>,
      %swap3A_431 = vector.shape_cast %swap3A_430 : vector<1x1x16xf32> to vector<16xf32>
      %swap3A_432 = vector.shape_cast %select_n3A_426 : vector<16xf32> to vector<1x1x16xf32>
      tpu.vector_store %arg11[%swap3A_427, %swap3A_428, %swap3A_429], %swap3A_432 {add = true, strides = array<i32>} : memref<2x16x1024xf32, #tpu.memory_space<vmem>>, vector<1x1x16xf32>,
      %add3A_433 = arith.constant 80 : i32
      %add3A_434 = arith.addi %mul3A_363, %add3A_433 : i32
      %get3A_435 = arith.index_cast %and3A_359 : i32 to index
      %get3A_436 = arith.index_cast %add3A_434 : i32 to index
      %get3A_437 = tpu.vector_load %arg9[%get3A_435, %get3A_436] {strides = array<i32>} : memref<16x1024xf32, #tpu.memory_space<vmem>>, vector<1x16xf32>,
      %get3A_438 = vector.shape_cast %get3A_437 : vector<1x16xf32> to vector<16xf32>
      %select_n3A_439 = arith.select %eq3A, %broadcast_in_dim3A_47, %get3A_438 : vector<16xi1>, vector<16xf32>
      %swap3A_440 = arith.index_cast %shift_right_logical3A_358 : i32 to index
      %swap3A_441 = arith.index_cast %and3A_359 : i32 to index
      %swap3A_442 = arith.index_cast %add3A_434 : i32 to index
      %swap3A_443 = tpu.vector_load %arg11[%swap3A_440, %swap3A_441, %swap3A_442] {strides = array<i32>} : memref<2x16x1024xf32, #tpu.memory_space<vmem>>, vector<1x1x16xf32>,
      %swap3A_444 = vector.shape_cast %swap3A_443 : vector<1x1x16xf32> to vector<16xf32>
      %swap3A_445 = vector.shape_cast %select_n3A_439 : vector<16xf32> to vector<1x1x16xf32>
      tpu.vector_store %arg11[%swap3A_440, %swap3A_441, %swap3A_442], %swap3A_445 {add = true, strides = array<i32>} : memref<2x16x1024xf32, #tpu.memory_space<vmem>>, vector<1x1x16xf32>,
      %add3A_446 = arith.constant 96 : i32
      %add3A_447 = arith.addi %mul3A_363, %add3A_446 : i32
      %get3A_448 = arith.index_cast %and3A_359 : i32 to index
      %get3A_449 = arith.index_cast %add3A_447 : i32 to index
      %get3A_450 = tpu.vector_load %arg9[%get3A_448, %get3A_449] {strides = array<i32>} : memref<16x1024xf32, #tpu.memory_space<vmem>>, vector<1x16xf32>,
      %get3A_451 = vector.shape_cast %get3A_450 : vector<1x16xf32> to vector<16xf32>
      %select_n3A_452 = arith.select %eq3A, %broadcast_in_dim3A_47, %get3A_451 : vector<16xi1>, vector<16xf32>
      %swap3A_453 = arith.index_cast %shift_right_logical3A_358 : i32 to index
      %swap3A_454 = arith.index_cast %and3A_359 : i32 to index
      %swap3A_455 = arith.index_cast %add3A_447 : i32 to index
      %swap3A_456 = tpu.vector_load %arg11[%swap3A_453, %swap3A_454, %swap3A_455] {strides = array<i32>} : memref<2x16x1024xf32, #tpu.memory_space<vmem>>, vector<1x1x16xf32>,
      %swap3A_457 = vector.shape_cast %swap3A_456 : vector<1x1x16xf32> to vector<16xf32>
      %swap3A_458 = vector.shape_cast %select_n3A_452 : vector<16xf32> to vector<1x1x16xf32>
      tpu.vector_store %arg11[%swap3A_453, %swap3A_454, %swap3A_455], %swap3A_458 {add = true, strides = array<i32>} : memref<2x16x1024xf32, #tpu.memory_space<vmem>>, vector<1x1x16xf32>,
      %add3A_459 = arith.constant 112 : i32
      %add3A_460 = arith.addi %mul3A_363, %add3A_459 : i32
      %get3A_461 = arith.index_cast %and3A_359 : i32 to index
      %get3A_462 = arith.index_cast %add3A_460 : i32 to index
      %get3A_463 = tpu.vector_load %arg9[%get3A_461, %get3A_462] {strides = array<i32>} : memref<16x1024xf32, #tpu.memory_space<vmem>>, vector<1x16xf32>,
      %get3A_464 = vector.shape_cast %get3A_463 : vector<1x16xf32> to vector<16xf32>
      %select_n3A_465 = arith.select %eq3A, %broadcast_in_dim3A_47, %get3A_464 : vector<16xi1>, vector<16xf32>
      %swap3A_466 = arith.index_cast %shift_right_logical3A_358 : i32 to index
      %swap3A_467 = arith.index_cast %and3A_359 : i32 to index
      %swap3A_468 = arith.index_cast %add3A_460 : i32 to index
      %swap3A_469 = tpu.vector_load %arg11[%swap3A_466, %swap3A_467, %swap3A_468] {strides = array<i32>} : memref<2x16x1024xf32, #tpu.memory_space<vmem>>, vector<1x1x16xf32>,
      %swap3A_470 = vector.shape_cast %swap3A_469 : vector<1x1x16xf32> to vector<16xf32>
      %swap3A_471 = vector.shape_cast %select_n3A_465 : vector<16xf32> to vector<1x1x16xf32>
      tpu.vector_store %arg11[%swap3A_466, %swap3A_467, %swap3A_468], %swap3A_471 {add = true, strides = array<i32>} : memref<2x16x1024xf32, #tpu.memory_space<vmem>>, vector<1x1x16xf32>,
      %scan3A_472 = arith.constant 0 : i32
      scf.yield %scan3A_472 : i32
    }
    %scan3A_144 = arith.constant 256 : i32
    %add3A_145 = arith.constant 16 : i32
    %add3A_146 = arith.addi %mul3A_2, %add3A_145 : i32
    %dma_start3A_147 = arith.constant 0 : i32
    %dma_start3A_148 = arith.constant 0 : i32
    %dma_start3A_149 = tpu.memref_slice %arg5[%dma_start3A_147, %add3A_146, %dma_start3A_148] : memref<4x2048x1024xf32, #tpu.memory_space<hbm>> -> memref<2x16x1024xf32, #tpu.memory_space<hbm>>
    %dma_start3A_150 = arith.constant 0 : i32
    %dma_start3A_151 = arith.constant 0 : i32
    %dma_start3A_152 = tpu.memref_slice %arg5[%dma_start3A_150, %add3A_146, %dma_start3A_151] : memref<4x2048x1024xf32, #tpu.memory_space<hbm>> -> memref<2x16x1024xf32, #tpu.memory_space<hbm>>
    tpu.enqueue_dma source(%arg11 : memref<2x16x1024xf32, #tpu.memory_space<vmem>>) target(%dma_start3A_152 : memref<2x16x1024xf32, #tpu.memory_space<hbm>>) target_semaphore(%arg17 : memref<!tpu.dma_semaphore, #tpu.memory_space<semaphore_mem>>)
    %add3A_153 = arith.constant 32 : i32
    %add3A_154 = arith.addi %mul3A_2, %add3A_153 : i32
    %dma_start3A_155 = arith.constant 0 : i32
    %dma_start3A_156 = arith.constant 0 : i32
    %dma_start3A_157 = tpu.memref_slice %arg2[%dma_start3A_155, %add3A_154, %dma_start3A_156] : memref<4x2048x1024xf32, #tpu.memory_space<hbm>> -> memref<2x16x1024xf32, #tpu.memory_space<hbm>>
    %dma_start3A_158 = arith.constant 0 : i32
    %dma_start3A_159 = arith.constant 0 : i32
    %dma_start3A_160 = tpu.memref_slice %arg2[%dma_start3A_158, %add3A_154, %dma_start3A_159] : memref<4x2048x1024xf32, #tpu.memory_space<hbm>> -> memref<2x16x1024xf32, #tpu.memory_space<hbm>>
    tpu.enqueue_dma source(%dma_start3A_160 : memref<2x16x1024xf32, #tpu.memory_space<hbm>>) target(%arg11 : memref<2x16x1024xf32, #tpu.memory_space<vmem>>) target_semaphore(%arg15 : memref<!tpu.dma_semaphore, #tpu.memory_space<semaphore_mem>>)
    %dma_wait3A_161 = arith.constant 2 : i32
    %dma_wait3A_162 = arith.constant 0 : i32
    %dma_wait3A_163 = tpu.memref_slice %arg2[%dma_wait3A_161, %add3A_100, %dma_wait3A_162] : memref<4x2048x1024xf32, #tpu.memory_space<hbm>> -> memref<2x16x1024xf32, #tpu.memory_space<hbm>>
    %dma_wait3A_164 = arith.constant 2 : i32
    %dma_wait3A_165 = arith.constant 0 : i32
    %dma_wait3A_166 = tpu.memref_slice %arg2[%dma_wait3A_164, %add3A_100, %dma_wait3A_165] : memref<4x2048x1024xf32, #tpu.memory_space<hbm>> -> memref<2x16x1024xf32, #tpu.memory_space<hbm>>
    tpu.wait_dma2 semaphore(%arg16 : memref<!tpu.dma_semaphore, #tpu.memory_space<semaphore_mem>>) src(%dma_wait3A_166 : memref<2x16x1024xf32, #tpu.memory_space<hbm>>) dst(%arg12 : memref<2x16x1024xf32, #tpu.memory_space<vmem>>)
    %dma_wait3A_167 = arith.constant 2 : i32
    %dma_wait3A_168 = arith.constant 0 : i32
    %dma_wait3A_169 = tpu.memref_slice %arg5[%dma_wait3A_167, %add3A_92, %dma_wait3A_168] : memref<4x2048x1024xf32, #tpu.memory_space<hbm>> -> memref<2x16x1024xf32, #tpu.memory_space<hbm>>
    %dma_wait3A_170 = arith.constant 2 : i32
    %dma_wait3A_171 = arith.constant 0 : i32
    %dma_wait3A_172 = tpu.memref_slice %arg5[%dma_wait3A_170, %add3A_92, %dma_wait3A_171] : memref<4x2048x1024xf32, #tpu.memory_space<hbm>> -> memref<2x16x1024xf32, #tpu.memory_space<hbm>>
    tpu.wait_dma2 semaphore(%arg18 : memref<!tpu.dma_semaphore, #tpu.memory_space<semaphore_mem>>) src(%arg12 : memref<2x16x1024xf32, #tpu.memory_space<vmem>>) dst(%dma_wait3A_172 : memref<2x16x1024xf32, #tpu.memory_space<hbm>>)
    %scan3A_173 = arith.constant 0 : i32
    %scan3A_174 = arith.constant 0 : i32
    %scan3A_175 = arith.constant 256 : i32
    %scan3A_176 = arith.addi %scan3A_174, %scan3A_175 : i32
    %scan3A_177 = arith.constant 1 : i32
    %scan3A_178 = scf.for %scan3A_354 = %scan3A_174 to %scan3A_176 step %scan3A_177 iter_args(%scan3A_355 = %scan3A_173) -> (i32)  : i32 {
      %shift_right_logical3A = arith.constant 3 : i32
      %shift_right_logical3A_356 = arith.shrui %scan3A_354, %shift_right_logical3A : i32
      %shift_right_logical3A_357 = arith.constant 4 : i32
      %shift_right_logical3A_358 = arith.shrui %shift_right_logical3A_356, %shift_right_logical3A_357 : i32
      %and3A = arith.constant 15 : i32
      %and3A_359 = arith.andi %shift_right_logical3A_356, %and3A : i32
      %and3A_360 = arith.constant 7 : i32
      %and3A_361 = arith.andi %scan3A_354, %and3A_360 : i32
      %mul3A_362 = arith.constant 128 : i32
      %mul3A_363 = arith.muli %and3A_361, %mul3A_362 : i32
      %add3A_364 = arith.constant 16 : i32
      %add3A_365 = arith.addi %mul3A_2, %add3A_364 : i32
      %add3A_366 = arith.addi %add3A_365, %and3A_359 : i32
      %broadcast_in_dim3A_367 = vector.broadcast %add3A_366 : i32 to vector<16xi32>
      %eq3A = arith.cmpi eq, %broadcast_in_dim3A_367, %get3A_4 : vector<16xi32>
      %add3A_368 = arith.constant 0 : i32
      %add3A_369 = arith.addi %mul3A_363, %add3A_368 : i32
      %get3A_370 = arith.index_cast %and3A_359 : i32 to index
      %get3A_371 = arith.index_cast %add3A_369 : i32 to index
      %get3A_372 = tpu.vector_load %arg9[%get3A_370, %get3A_371] {strides = array<i32>} : memref<16x1024xf32, #tpu.memory_space<vmem>>, vector<1x16xf32>,
      %get3A_373 = vector.shape_cast %get3A_372 : vector<1x16xf32> to vector<16xf32>
      %select_n3A_374 = arith.select %eq3A, %broadcast_in_dim3A_47, %get3A_373 : vector<16xi1>, vector<16xf32>
      %swap3A_375 = arith.index_cast %shift_right_logical3A_358 : i32 to index
      %swap3A_376 = arith.index_cast %and3A_359 : i32 to index
      %swap3A_377 = arith.index_cast %add3A_369 : i32 to index
      %swap3A_378 = tpu.vector_load %arg12[%swap3A_375, %swap3A_376, %swap3A_377] {strides = array<i32>} : memref<2x16x1024xf32, #tpu.memory_space<vmem>>, vector<1x1x16xf32>,
      %swap3A_379 = vector.shape_cast %swap3A_378 : vector<1x1x16xf32> to vector<16xf32>
      %swap3A_380 = vector.shape_cast %select_n3A_374 : vector<16xf32> to vector<1x1x16xf32>
      tpu.vector_store %arg12[%swap3A_375, %swap3A_376, %swap3A_377], %swap3A_380 {add = true, strides = array<i32>} : memref<2x16x1024xf32, #tpu.memory_space<vmem>>, vector<1x1x16xf32>,
      %add3A_381 = arith.constant 16 : i32
      %add3A_382 = arith.addi %mul3A_363, %add3A_381 : i32
      %get3A_383 = arith.index_cast %and3A_359 : i32 to index
      %get3A_384 = arith.index_cast %add3A_382 : i32 to index
      %get3A_385 = tpu.vector_load %arg9[%get3A_383, %get3A_384] {strides = array<i32>} : memref<16x1024xf32, #tpu.memory_space<vmem>>, vector<1x16xf32>,
      %get3A_386 = vector.shape_cast %get3A_385 : vector<1x16xf32> to vector<16xf32>
      %select_n3A_387 = arith.select %eq3A, %broadcast_in_dim3A_47, %get3A_386 : vector<16xi1>, vector<16xf32>
      %swap3A_388 = arith.index_cast %shift_right_logical3A_358 : i32 to index
      %swap3A_389 = arith.index_cast %and3A_359 : i32 to index
      %swap3A_390 = arith.index_cast %add3A_382 : i32 to index
      %swap3A_391 = tpu.vector_load %arg12[%swap3A_388, %swap3A_389, %swap3A_390] {strides = array<i32>} : memref<2x16x1024xf32, #tpu.memory_space<vmem>>, vector<1x1x16xf32>,
      %swap3A_392 = vector.shape_cast %swap3A_391 : vector<1x1x16xf32> to vector<16xf32>
      %swap3A_393 = vector.shape_cast %select_n3A_387 : vector<16xf32> to vector<1x1x16xf32>
      tpu.vector_store %arg12[%swap3A_388, %swap3A_389, %swap3A_390], %swap3A_393 {add = true, strides = array<i32>} : memref<2x16x1024xf32, #tpu.memory_space<vmem>>, vector<1x1x16xf32>,
      %add3A_394 = arith.constant 32 : i32
      %add3A_395 = arith.addi %mul3A_363, %add3A_394 : i32
      %get3A_396 = arith.index_cast %and3A_359 : i32 to index
      %get3A_397 = arith.index_cast %add3A_395 : i32 to index
      %get3A_398 = tpu.vector_load %arg9[%get3A_396, %get3A_397] {strides = array<i32>} : memref<16x1024xf32, #tpu.memory_space<vmem>>, vector<1x16xf32>,
      %get3A_399 = vector.shape_cast %get3A_398 : vector<1x16xf32> to vector<16xf32>
      %select_n3A_400 = arith.select %eq3A, %broadcast_in_dim3A_47, %get3A_399 : vector<16xi1>, vector<16xf32>
      %swap3A_401 = arith.index_cast %shift_right_logical3A_358 : i32 to index
      %swap3A_402 = arith.index_cast %and3A_359 : i32 to index
      %swap3A_403 = arith.index_cast %add3A_395 : i32 to index
      %swap3A_404 = tpu.vector_load %arg12[%swap3A_401, %swap3A_402, %swap3A_403] {strides = array<i32>} : memref<2x16x1024xf32, #tpu.memory_space<vmem>>, vector<1x1x16xf32>,
      %swap3A_405 = vector.shape_cast %swap3A_404 : vector<1x1x16xf32> to vector<16xf32>
      %swap3A_406 = vector.shape_cast %select_n3A_400 : vector<16xf32> to vector<1x1x16xf32>
      tpu.vector_store %arg12[%swap3A_401, %swap3A_402, %swap3A_403], %swap3A_406 {add = true, strides = array<i32>} : memref<2x16x1024xf32, #tpu.memory_space<vmem>>, vector<1x1x16xf32>,
      %add3A_407 = arith.constant 48 : i32
      %add3A_408 = arith.addi %mul3A_363, %add3A_407 : i32
      %get3A_409 = arith.index_cast %and3A_359 : i32 to index
      %get3A_410 = arith.index_cast %add3A_408 : i32 to index
      %get3A_411 = tpu.vector_load %arg9[%get3A_409, %get3A_410] {strides = array<i32>} : memref<16x1024xf32, #tpu.memory_space<vmem>>, vector<1x16xf32>,
      %get3A_412 = vector.shape_cast %get3A_411 : vector<1x16xf32> to vector<16xf32>
      %select_n3A_413 = arith.select %eq3A, %broadcast_in_dim3A_47, %get3A_412 : vector<16xi1>, vector<16xf32>
      %swap3A_414 = arith.index_cast %shift_right_logical3A_358 : i32 to index
      %swap3A_415 = arith.index_cast %and3A_359 : i32 to index
      %swap3A_416 = arith.index_cast %add3A_408 : i32 to index
      %swap3A_417 = tpu.vector_load %arg12[%swap3A_414, %swap3A_415, %swap3A_416] {strides = array<i32>} : memref<2x16x1024xf32, #tpu.memory_space<vmem>>, vector<1x1x16xf32>,
      %swap3A_418 = vector.shape_cast %swap3A_417 : vector<1x1x16xf32> to vector<16xf32>
      %swap3A_419 = vector.shape_cast %select_n3A_413 : vector<16xf32> to vector<1x1x16xf32>
      tpu.vector_store %arg12[%swap3A_414, %swap3A_415, %swap3A_416], %swap3A_419 {add = true, strides = array<i32>} : memref<2x16x1024xf32, #tpu.memory_space<vmem>>, vector<1x1x16xf32>,
      %add3A_420 = arith.constant 64 : i32
      %add3A_421 = arith.addi %mul3A_363, %add3A_420 : i32
      %get3A_422 = arith.index_cast %and3A_359 : i32 to index
      %get3A_423 = arith.index_cast %add3A_421 : i32 to index
      %get3A_424 = tpu.vector_load %arg9[%get3A_422, %get3A_423] {strides = array<i32>} : memref<16x1024xf32, #tpu.memory_space<vmem>>, vector<1x16xf32>,
      %get3A_425 = vector.shape_cast %get3A_424 : vector<1x16xf32> to vector<16xf32>
      %select_n3A_426 = arith.select %eq3A, %broadcast_in_dim3A_47, %get3A_425 : vector<16xi1>, vector<16xf32>
      %swap3A_427 = arith.index_cast %shift_right_logical3A_358 : i32 to index
      %swap3A_428 = arith.index_cast %and3A_359 : i32 to index
      %swap3A_429 = arith.index_cast %add3A_421 : i32 to index
      %swap3A_430 = tpu.vector_load %arg12[%swap3A_427, %swap3A_428, %swap3A_429] {strides = array<i32>} : memref<2x16x1024xf32, #tpu.memory_space<vmem>>, vector<1x1x16xf32>,
      %swap3A_431 = vector.shape_cast %swap3A_430 : vector<1x1x16xf32> to vector<16xf32>
      %swap3A_432 = vector.shape_cast %select_n3A_426 : vector<16xf32> to vector<1x1x16xf32>
      tpu.vector_store %arg12[%swap3A_427, %swap3A_428, %swap3A_429], %swap3A_432 {add = true, strides = array<i32>} : memref<2x16x1024xf32, #tpu.memory_space<vmem>>, vector<1x1x16xf32>,
      %add3A_433 = arith.constant 80 : i32
      %add3A_434 = arith.addi %mul3A_363, %add3A_433 : i32
      %get3A_435 = arith.index_cast %and3A_359 : i32 to index
      %get3A_436 = arith.index_cast %add3A_434 : i32 to index
      %get3A_437 = tpu.vector_load %arg9[%get3A_435, %get3A_436] {strides = array<i32>} : memref<16x1024xf32, #tpu.memory_space<vmem>>, vector<1x16xf32>,
      %get3A_438 = vector.shape_cast %get3A_437 : vector<1x16xf32> to vector<16xf32>
      %select_n3A_439 = arith.select %eq3A, %broadcast_in_dim3A_47, %get3A_438 : vector<16xi1>, vector<16xf32>
      %swap3A_440 = arith.index_cast %shift_right_logical3A_358 : i32 to index
      %swap3A_441 = arith.index_cast %and3A_359 : i32 to index
      %swap3A_442 = arith.index_cast %add3A_434 : i32 to index
      %swap3A_443 = tpu.vector_load %arg12[%swap3A_440, %swap3A_441, %swap3A_442] {strides = array<i32>} : memref<2x16x1024xf32, #tpu.memory_space<vmem>>, vector<1x1x16xf32>,
      %swap3A_444 = vector.shape_cast %swap3A_443 : vector<1x1x16xf32> to vector<16xf32>
      %swap3A_445 = vector.shape_cast %select_n3A_439 : vector<16xf32> to vector<1x1x16xf32>
      tpu.vector_store %arg12[%swap3A_440, %swap3A_441, %swap3A_442], %swap3A_445 {add = true, strides = array<i32>} : memref<2x16x1024xf32, #tpu.memory_space<vmem>>, vector<1x1x16xf32>,
      %add3A_446 = arith.constant 96 : i32
      %add3A_447 = arith.addi %mul3A_363, %add3A_446 : i32
      %get3A_448 = arith.index_cast %and3A_359 : i32 to index
      %get3A_449 = arith.index_cast %add3A_447 : i32 to index
      %get3A_450 = tpu.vector_load %arg9[%get3A_448, %get3A_449] {strides = array<i32>} : memref<16x1024xf32, #tpu.memory_space<vmem>>, vector<1x16xf32>,
      %get3A_451 = vector.shape_cast %get3A_450 : vector<1x16xf32> to vector<16xf32>
      %select_n3A_452 = arith.select %eq3A, %broadcast_in_dim3A_47, %get3A_451 : vector<16xi1>, vector<16xf32>
      %swap3A_453 = arith.index_cast %shift_right_logical3A_358 : i32 to index
      %swap3A_454 = arith.index_cast %and3A_359 : i32 to index
      %swap3A_455 = arith.index_cast %add3A_447 : i32 to index
      %swap3A_456 = tpu.vector_load %arg12[%swap3A_453, %swap3A_454, %swap3A_455] {strides = array<i32>} : memref<2x16x1024xf32, #tpu.memory_space<vmem>>, vector<1x1x16xf32>,
      %swap3A_457 = vector.shape_cast %swap3A_456 : vector<1x1x16xf32> to vector<16xf32>
      %swap3A_458 = vector.shape_cast %select_n3A_452 : vector<16xf32> to vector<1x1x16xf32>
      tpu.vector_store %arg12[%swap3A_453, %swap3A_454, %swap3A_455], %swap3A_458 {add = true, strides = array<i32>} : memref<2x16x1024xf32, #tpu.memory_space<vmem>>, vector<1x1x16xf32>,
      %add3A_459 = arith.constant 112 : i32
      %add3A_460 = arith.addi %mul3A_363, %add3A_459 : i32
      %get3A_461 = arith.index_cast %and3A_359 : i32 to index
      %get3A_462 = arith.index_cast %add3A_460 : i32 to index
      %get3A_463 = tpu.vector_load %arg9[%get3A_461, %get3A_462] {strides = array<i32>} : memref<16x1024xf32, #tpu.memory_space<vmem>>, vector<1x16xf32>,
      %get3A_464 = vector.shape_cast %get3A_463 : vector<1x16xf32> to vector<16xf32>
      %select_n3A_465 = arith.select %eq3A, %broadcast_in_dim3A_47, %get3A_464 : vector<16xi1>, vector<16xf32>
      %swap3A_466 = arith.index_cast %shift_right_logical3A_358 : i32 to index
      %swap3A_467 = arith.index_cast %and3A_359 : i32 to index
      %swap3A_468 = arith.index_cast %add3A_460 : i32 to index
      %swap3A_469 = tpu.vector_load %arg12[%swap3A_466, %swap3A_467, %swap3A_468] {strides = array<i32>} : memref<2x16x1024xf32, #tpu.memory_space<vmem>>, vector<1x1x16xf32>,
      %swap3A_470 = vector.shape_cast %swap3A_469 : vector<1x1x16xf32> to vector<16xf32>
      %swap3A_471 = vector.shape_cast %select_n3A_465 : vector<16xf32> to vector<1x1x16xf32>
      tpu.vector_store %arg12[%swap3A_466, %swap3A_467, %swap3A_468], %swap3A_471 {add = true, strides = array<i32>} : memref<2x16x1024xf32, #tpu.memory_space<vmem>>, vector<1x1x16xf32>,
      %scan3A_472 = arith.constant 0 : i32
      scf.yield %scan3A_472 : i32
    }
    %scan3A_179 = arith.constant 256 : i32
    %add3A_180 = arith.constant 16 : i32
    %add3A_181 = arith.addi %mul3A_2, %add3A_180 : i32
    %dma_start3A_182 = arith.constant 2 : i32
    %dma_start3A_183 = arith.constant 0 : i32
    %dma_start3A_184 = tpu.memref_slice %arg5[%dma_start3A_182, %add3A_181, %dma_start3A_183] : memref<4x2048x1024xf32, #tpu.memory_space<hbm>> -> memref<2x16x1024xf32, #tpu.memory_space<hbm>>
    %dma_start3A_185 = arith.constant 2 : i32
    %dma_start3A_186 = arith.constant 0 : i32
    %dma_start3A_187 = tpu.memref_slice %arg5[%dma_start3A_185, %add3A_181, %dma_start3A_186] : memref<4x2048x1024xf32, #tpu.memory_space<hbm>> -> memref<2x16x1024xf32, #tpu.memory_space<hbm>>
    tpu.enqueue_dma source(%arg12 : memref<2x16x1024xf32, #tpu.memory_space<vmem>>) target(%dma_start3A_187 : memref<2x16x1024xf32, #tpu.memory_space<hbm>>) target_semaphore(%arg18 : memref<!tpu.dma_semaphore, #tpu.memory_space<semaphore_mem>>)
    %add3A_188 = arith.constant 32 : i32
    %add3A_189 = arith.addi %mul3A_2, %add3A_188 : i32
    %dma_start3A_190 = arith.constant 2 : i32
    %dma_start3A_191 = arith.constant 0 : i32
    %dma_start3A_192 = tpu.memref_slice %arg2[%dma_start3A_190, %add3A_189, %dma_start3A_191] : memref<4x2048x1024xf32, #tpu.memory_space<hbm>> -> memref<2x16x1024xf32, #tpu.memory_space<hbm>>
    %dma_start3A_193 = arith.constant 2 : i32
    %dma_start3A_194 = arith.constant 0 : i32
    %dma_start3A_195 = tpu.memref_slice %arg2[%dma_start3A_193, %add3A_189, %dma_start3A_194] : memref<4x2048x1024xf32, #tpu.memory_space<hbm>> -> memref<2x16x1024xf32, #tpu.memory_space<hbm>>
    tpu.enqueue_dma source(%dma_start3A_195 : memref<2x16x1024xf32, #tpu.memory_space<hbm>>) target(%arg12 : memref<2x16x1024xf32, #tpu.memory_space<vmem>>) target_semaphore(%arg16 : memref<!tpu.dma_semaphore, #tpu.memory_space<semaphore_mem>>)
    %add3A_196 = arith.constant 48 : i32
    %add3A_197 = arith.addi %mul3A_2, %add3A_196 : i32
    %iota3A_198 = tpu.iota {dimensions = array<i32: 0>} : vector<16xi32>
    %add3A_199 = vector.broadcast %add3A_197 : i32 to vector<16xi32>
    %add3A_200 = arith.addi %add3A_199, %iota3A_198 : vector<16xi32>
    %lt3A_201 = arith.cmpi slt, %add3A_200, %get3A_4 : vector<16xi32>
    %jit3A_202 = arith.constant 2047 : i32
    %broadcast_in_dim3A_203 = vector.broadcast %jit3A_202 : i32 to vector<16xi32>
    %select_n3A_204 = arith.select %lt3A_201, %add3A_200, %broadcast_in_dim3A_203 : vector<16xi1>, vector<16xi32>
    %swap3A_205 = arith.constant 0 : index
    %swap3A_206 = tpu.vector_load %arg7[%swap3A_205] {strides = array<i32>} : memref<16xi32, #tpu.memory_space<vmem>>, vector<16xi32>,
    %swap3A_207 = vector.shape_cast %swap3A_206 : vector<16xi32> to vector<16xi32>
    %swap3A_208 = vector.shape_cast %select_n3A_204 : vector<16xi32> to vector<16xi32>
    tpu.vector_store %arg7[%swap3A_205], %swap3A_208 {strides = array<i32>} : memref<16xi32, #tpu.memory_space<vmem>>, vector<16xi32>,
    %dma_start3A_209 = arith.constant 0 : i32
    %dma_start3A_210 = arith.constant 0 : i32
    %dma_start3A_211 = tpu.memref_slice %arg4[%dma_start3A_209, %dma_start3A_210] : memref<2048x1024xf32, #tpu.memory_space<hbm>> -> memref<2048x1024xf32, #tpu.memory_space<hbm>>
    tpu.enqueue_indirect_dma source(%dma_start3A_211 : memref<2048x1024xf32, #tpu.memory_space<hbm>>) target(%arg9 : memref<16x1024xf32, #tpu.memory_space<vmem>>) offsets(%arg7 : memref<16xi32, #tpu.memory_space<vmem>>) semaphore(%arg14 : memref<!tpu.dma_semaphore, #tpu.memory_space<semaphore_mem>>)
    %dma_wait3A_212 = arith.constant 0 : i32
    %dma_wait3A_213 = arith.constant 0 : i32
    %dma_wait3A_214 = tpu.memref_slice %arg4[%dma_wait3A_212, %dma_wait3A_213] : memref<2048x1024xf32, #tpu.memory_space<hbm>> -> memref<2048x1024xf32, #tpu.memory_space<hbm>>
    tpu.wait_indirect_dma semaphore(%arg13 : memref<!tpu.dma_semaphore, #tpu.memory_space<semaphore_mem>>) src(%dma_wait3A_214 : memref<2048x1024xf32, #tpu.memory_space<hbm>>) dst(%arg8 : memref<16x1024xf32, #tpu.memory_space<vmem>>)
    %dma_wait3A_215 = arith.constant 0 : i32
    %dma_wait3A_216 = arith.constant 0 : i32
    %dma_wait3A_217 = tpu.memref_slice %arg2[%dma_wait3A_215, %add3A_154, %dma_wait3A_216] : memref<4x2048x1024xf32, #tpu.memory_space<hbm>> -> memref<2x16x1024xf32, #tpu.memory_space<hbm>>
    %dma_wait3A_218 = arith.constant 0 : i32
    %dma_wait3A_219 = arith.constant 0 : i32
    %dma_wait3A_220 = tpu.memref_slice %arg2[%dma_wait3A_218, %add3A_154, %dma_wait3A_219] : memref<4x2048x1024xf32, #tpu.memory_space<hbm>> -> memref<2x16x1024xf32, #tpu.memory_space<hbm>>
    tpu.wait_dma2 semaphore(%arg15 : memref<!tpu.dma_semaphore, #tpu.memory_space<semaphore_mem>>) src(%dma_wait3A_220 : memref<2x16x1024xf32, #tpu.memory_space<hbm>>) dst(%arg11 : memref<2x16x1024xf32, #tpu.memory_space<vmem>>)
    %dma_wait3A_221 = arith.constant 0 : i32
    %dma_wait3A_222 = arith.constant 0 : i32
    %dma_wait3A_223 = tpu.memref_slice %arg5[%dma_wait3A_221, %add3A_146, %dma_wait3A_222] : memref<4x2048x1024xf32, #tpu.memory_space<hbm>> -> memref<2x16x1024xf32, #tpu.memory_space<hbm>>
    %dma_wait3A_224 = arith.constant 0 : i32
    %dma_wait3A_225 = arith.constant 0 : i32
    %dma_wait3A_226 = tpu.memref_slice %arg5[%dma_wait3A_224, %add3A_146, %dma_wait3A_225] : memref<4x2048x1024xf32, #tpu.memory_space<hbm>> -> memref<2x16x1024xf32, #tpu.memory_space<hbm>>
    tpu.wait_dma2 semaphore(%arg17 : memref<!tpu.dma_semaphore, #tpu.memory_space<semaphore_mem>>) src(%arg11 : memref<2x16x1024xf32, #tpu.memory_space<vmem>>) dst(%dma_wait3A_226 : memref<2x16x1024xf32, #tpu.memory_space<hbm>>)
    %scan3A_227 = arith.constant 0 : i32
    %scan3A_228 = arith.constant 0 : i32
    %scan3A_229 = arith.constant 256 : i32
    %scan3A_230 = arith.addi %scan3A_228, %scan3A_229 : i32
    %scan3A_231 = arith.constant 1 : i32
    %scan3A_232 = scf.for %scan3A_354 = %scan3A_228 to %scan3A_230 step %scan3A_231 iter_args(%scan3A_355 = %scan3A_227) -> (i32)  : i32 {
      %shift_right_logical3A = arith.constant 3 : i32
      %shift_right_logical3A_356 = arith.shrui %scan3A_354, %shift_right_logical3A : i32
      %shift_right_logical3A_357 = arith.constant 4 : i32
      %shift_right_logical3A_358 = arith.shrui %shift_right_logical3A_356, %shift_right_logical3A_357 : i32
      %and3A = arith.constant 15 : i32
      %and3A_359 = arith.andi %shift_right_logical3A_356, %and3A : i32
      %and3A_360 = arith.constant 7 : i32
      %and3A_361 = arith.andi %scan3A_354, %and3A_360 : i32
      %mul3A_362 = arith.constant 128 : i32
      %mul3A_363 = arith.muli %and3A_361, %mul3A_362 : i32
      %add3A_364 = arith.constant 32 : i32
      %add3A_365 = arith.addi %mul3A_2, %add3A_364 : i32
      %add3A_366 = arith.addi %add3A_365, %and3A_359 : i32
      %broadcast_in_dim3A_367 = vector.broadcast %add3A_366 : i32 to vector<16xi32>
      %eq3A = arith.cmpi eq, %broadcast_in_dim3A_367, %get3A_4 : vector<16xi32>
      %add3A_368 = arith.constant 0 : i32
      %add3A_369 = arith.addi %mul3A_363, %add3A_368 : i32
      %get3A_370 = arith.index_cast %and3A_359 : i32 to index
      %get3A_371 = arith.index_cast %add3A_369 : i32 to index
      %get3A_372 = tpu.vector_load %arg8[%get3A_370, %get3A_371] {strides = array<i32>} : memref<16x1024xf32, #tpu.memory_space<vmem>>, vector<1x16xf32>,
      %get3A_373 = vector.shape_cast %get3A_372 : vector<1x16xf32> to vector<16xf32>
      %select_n3A_374 = arith.select %eq3A, %broadcast_in_dim3A_47, %get3A_373 : vector<16xi1>, vector<16xf32>
      %swap3A_375 = arith.index_cast %shift_right_logical3A_358 : i32 to index
      %swap3A_376 = arith.index_cast %and3A_359 : i32 to index
      %swap3A_377 = arith.index_cast %add3A_369 : i32 to index
      %swap3A_378 = tpu.vector_load %arg11[%swap3A_375, %swap3A_376, %swap3A_377] {strides = array<i32>} : memref<2x16x1024xf32, #tpu.memory_space<vmem>>, vector<1x1x16xf32>,
      %swap3A_379 = vector.shape_cast %swap3A_378 : vector<1x1x16xf32> to vector<16xf32>
      %swap3A_380 = vector.shape_cast %select_n3A_374 : vector<16xf32> to vector<1x1x16xf32>
      tpu.vector_store %arg11[%swap3A_375, %swap3A_376, %swap3A_377], %swap3A_380 {add = true, strides = array<i32>} : memref<2x16x1024xf32, #tpu.memory_space<vmem>>, vector<1x1x16xf32>,
      %add3A_381 = arith.constant 16 : i32
      %add3A_382 = arith.addi %mul3A_363, %add3A_381 : i32
      %get3A_383 = arith.index_cast %and3A_359 : i32 to index
      %get3A_384 = arith.index_cast %add3A_382 : i32 to index
      %get3A_385 = tpu.vector_load %arg8[%get3A_383, %get3A_384] {strides = array<i32>} : memref<16x1024xf32, #tpu.memory_space<vmem>>, vector<1x16xf32>,
      %get3A_386 = vector.shape_cast %get3A_385 : vector<1x16xf32> to vector<16xf32>
      %select_n3A_387 = arith.select %eq3A, %broadcast_in_dim3A_47, %get3A_386 : vector<16xi1>, vector<16xf32>
      %swap3A_388 = arith.index_cast %shift_right_logical3A_358 : i32 to index
      %swap3A_389 = arith.index_cast %and3A_359 : i32 to index
      %swap3A_390 = arith.index_cast %add3A_382 : i32 to index
      %swap3A_391 = tpu.vector_load %arg11[%swap3A_388, %swap3A_389, %swap3A_390] {strides = array<i32>} : memref<2x16x1024xf32, #tpu.memory_space<vmem>>, vector<1x1x16xf32>,
      %swap3A_392 = vector.shape_cast %swap3A_391 : vector<1x1x16xf32> to vector<16xf32>
      %swap3A_393 = vector.shape_cast %select_n3A_387 : vector<16xf32> to vector<1x1x16xf32>
      tpu.vector_store %arg11[%swap3A_388, %swap3A_389, %swap3A_390], %swap3A_393 {add = true, strides = array<i32>} : memref<2x16x1024xf32, #tpu.memory_space<vmem>>, vector<1x1x16xf32>,
      %add3A_394 = arith.constant 32 : i32
      %add3A_395 = arith.addi %mul3A_363, %add3A_394 : i32
      %get3A_396 = arith.index_cast %and3A_359 : i32 to index
      %get3A_397 = arith.index_cast %add3A_395 : i32 to index
      %get3A_398 = tpu.vector_load %arg8[%get3A_396, %get3A_397] {strides = array<i32>} : memref<16x1024xf32, #tpu.memory_space<vmem>>, vector<1x16xf32>,
      %get3A_399 = vector.shape_cast %get3A_398 : vector<1x16xf32> to vector<16xf32>
      %select_n3A_400 = arith.select %eq3A, %broadcast_in_dim3A_47, %get3A_399 : vector<16xi1>, vector<16xf32>
      %swap3A_401 = arith.index_cast %shift_right_logical3A_358 : i32 to index
      %swap3A_402 = arith.index_cast %and3A_359 : i32 to index
      %swap3A_403 = arith.index_cast %add3A_395 : i32 to index
      %swap3A_404 = tpu.vector_load %arg11[%swap3A_401, %swap3A_402, %swap3A_403] {strides = array<i32>} : memref<2x16x1024xf32, #tpu.memory_space<vmem>>, vector<1x1x16xf32>,
      %swap3A_405 = vector.shape_cast %swap3A_404 : vector<1x1x16xf32> to vector<16xf32>
      %swap3A_406 = vector.shape_cast %select_n3A_400 : vector<16xf32> to vector<1x1x16xf32>
      tpu.vector_store %arg11[%swap3A_401, %swap3A_402, %swap3A_403], %swap3A_406 {add = true, strides = array<i32>} : memref<2x16x1024xf32, #tpu.memory_space<vmem>>, vector<1x1x16xf32>,
      %add3A_407 = arith.constant 48 : i32
      %add3A_408 = arith.addi %mul3A_363, %add3A_407 : i32
      %get3A_409 = arith.index_cast %and3A_359 : i32 to index
      %get3A_410 = arith.index_cast %add3A_408 : i32 to index
      %get3A_411 = tpu.vector_load %arg8[%get3A_409, %get3A_410] {strides = array<i32>} : memref<16x1024xf32, #tpu.memory_space<vmem>>, vector<1x16xf32>,
      %get3A_412 = vector.shape_cast %get3A_411 : vector<1x16xf32> to vector<16xf32>
      %select_n3A_413 = arith.select %eq3A, %broadcast_in_dim3A_47, %get3A_412 : vector<16xi1>, vector<16xf32>
      %swap3A_414 = arith.index_cast %shift_right_logical3A_358 : i32 to index
      %swap3A_415 = arith.index_cast %and3A_359 : i32 to index
      %swap3A_416 = arith.index_cast %add3A_408 : i32 to index
      %swap3A_417 = tpu.vector_load %arg11[%swap3A_414, %swap3A_415, %swap3A_416] {strides = array<i32>} : memref<2x16x1024xf32, #tpu.memory_space<vmem>>, vector<1x1x16xf32>,
      %swap3A_418 = vector.shape_cast %swap3A_417 : vector<1x1x16xf32> to vector<16xf32>
      %swap3A_419 = vector.shape_cast %select_n3A_413 : vector<16xf32> to vector<1x1x16xf32>
      tpu.vector_store %arg11[%swap3A_414, %swap3A_415, %swap3A_416], %swap3A_419 {add = true, strides = array<i32>} : memref<2x16x1024xf32, #tpu.memory_space<vmem>>, vector<1x1x16xf32>,
      %add3A_420 = arith.constant 64 : i32
      %add3A_421 = arith.addi %mul3A_363, %add3A_420 : i32
      %get3A_422 = arith.index_cast %and3A_359 : i32 to index
      %get3A_423 = arith.index_cast %add3A_421 : i32 to index
      %get3A_424 = tpu.vector_load %arg8[%get3A_422, %get3A_423] {strides = array<i32>} : memref<16x1024xf32, #tpu.memory_space<vmem>>, vector<1x16xf32>,
      %get3A_425 = vector.shape_cast %get3A_424 : vector<1x16xf32> to vector<16xf32>
      %select_n3A_426 = arith.select %eq3A, %broadcast_in_dim3A_47, %get3A_425 : vector<16xi1>, vector<16xf32>
      %swap3A_427 = arith.index_cast %shift_right_logical3A_358 : i32 to index
      %swap3A_428 = arith.index_cast %and3A_359 : i32 to index
      %swap3A_429 = arith.index_cast %add3A_421 : i32 to index
      %swap3A_430 = tpu.vector_load %arg11[%swap3A_427, %swap3A_428, %swap3A_429] {strides = array<i32>} : memref<2x16x1024xf32, #tpu.memory_space<vmem>>, vector<1x1x16xf32>,
      %swap3A_431 = vector.shape_cast %swap3A_430 : vector<1x1x16xf32> to vector<16xf32>
      %swap3A_432 = vector.shape_cast %select_n3A_426 : vector<16xf32> to vector<1x1x16xf32>
      tpu.vector_store %arg11[%swap3A_427, %swap3A_428, %swap3A_429], %swap3A_432 {add = true, strides = array<i32>} : memref<2x16x1024xf32, #tpu.memory_space<vmem>>, vector<1x1x16xf32>,
      %add3A_433 = arith.constant 80 : i32
      %add3A_434 = arith.addi %mul3A_363, %add3A_433 : i32
      %get3A_435 = arith.index_cast %and3A_359 : i32 to index
      %get3A_436 = arith.index_cast %add3A_434 : i32 to index
      %get3A_437 = tpu.vector_load %arg8[%get3A_435, %get3A_436] {strides = array<i32>} : memref<16x1024xf32, #tpu.memory_space<vmem>>, vector<1x16xf32>,
      %get3A_438 = vector.shape_cast %get3A_437 : vector<1x16xf32> to vector<16xf32>
      %select_n3A_439 = arith.select %eq3A, %broadcast_in_dim3A_47, %get3A_438 : vector<16xi1>, vector<16xf32>
      %swap3A_440 = arith.index_cast %shift_right_logical3A_358 : i32 to index
      %swap3A_441 = arith.index_cast %and3A_359 : i32 to index
      %swap3A_442 = arith.index_cast %add3A_434 : i32 to index
      %swap3A_443 = tpu.vector_load %arg11[%swap3A_440, %swap3A_441, %swap3A_442] {strides = array<i32>} : memref<2x16x1024xf32, #tpu.memory_space<vmem>>, vector<1x1x16xf32>,
      %swap3A_444 = vector.shape_cast %swap3A_443 : vector<1x1x16xf32> to vector<16xf32>
      %swap3A_445 = vector.shape_cast %select_n3A_439 : vector<16xf32> to vector<1x1x16xf32>
      tpu.vector_store %arg11[%swap3A_440, %swap3A_441, %swap3A_442], %swap3A_445 {add = true, strides = array<i32>} : memref<2x16x1024xf32, #tpu.memory_space<vmem>>, vector<1x1x16xf32>,
      %add3A_446 = arith.constant 96 : i32
      %add3A_447 = arith.addi %mul3A_363, %add3A_446 : i32
      %get3A_448 = arith.index_cast %and3A_359 : i32 to index
      %get3A_449 = arith.index_cast %add3A_447 : i32 to index
      %get3A_450 = tpu.vector_load %arg8[%get3A_448, %get3A_449] {strides = array<i32>} : memref<16x1024xf32, #tpu.memory_space<vmem>>, vector<1x16xf32>,
      %get3A_451 = vector.shape_cast %get3A_450 : vector<1x16xf32> to vector<16xf32>
      %select_n3A_452 = arith.select %eq3A, %broadcast_in_dim3A_47, %get3A_451 : vector<16xi1>, vector<16xf32>
      %swap3A_453 = arith.index_cast %shift_right_logical3A_358 : i32 to index
      %swap3A_454 = arith.index_cast %and3A_359 : i32 to index
      %swap3A_455 = arith.index_cast %add3A_447 : i32 to index
      %swap3A_456 = tpu.vector_load %arg11[%swap3A_453, %swap3A_454, %swap3A_455] {strides = array<i32>} : memref<2x16x1024xf32, #tpu.memory_space<vmem>>, vector<1x1x16xf32>,
      %swap3A_457 = vector.shape_cast %swap3A_456 : vector<1x1x16xf32> to vector<16xf32>
      %swap3A_458 = vector.shape_cast %select_n3A_452 : vector<16xf32> to vector<1x1x16xf32>
      tpu.vector_store %arg11[%swap3A_453, %swap3A_454, %swap3A_455], %swap3A_458 {add = true, strides = array<i32>} : memref<2x16x1024xf32, #tpu.memory_space<vmem>>, vector<1x1x16xf32>,
      %add3A_459 = arith.constant 112 : i32
      %add3A_460 = arith.addi %mul3A_363, %add3A_459 : i32
      %get3A_461 = arith.index_cast %and3A_359 : i32 to index
      %get3A_462 = arith.index_cast %add3A_460 : i32 to index
      %get3A_463 = tpu.vector_load %arg8[%get3A_461, %get3A_462] {strides = array<i32>} : memref<16x1024xf32, #tpu.memory_space<vmem>>, vector<1x16xf32>,
      %get3A_464 = vector.shape_cast %get3A_463 : vector<1x16xf32> to vector<16xf32>
      %select_n3A_465 = arith.select %eq3A, %broadcast_in_dim3A_47, %get3A_464 : vector<16xi1>, vector<16xf32>
      %swap3A_466 = arith.index_cast %shift_right_logical3A_358 : i32 to index
      %swap3A_467 = arith.index_cast %and3A_359 : i32 to index
      %swap3A_468 = arith.index_cast %add3A_460 : i32 to index
      %swap3A_469 = tpu.vector_load %arg11[%swap3A_466, %swap3A_467, %swap3A_468] {strides = array<i32>} : memref<2x16x1024xf32, #tpu.memory_space<vmem>>, vector<1x1x16xf32>,
      %swap3A_470 = vector.shape_cast %swap3A_469 : vector<1x1x16xf32> to vector<16xf32>
      %swap3A_471 = vector.shape_cast %select_n3A_465 : vector<16xf32> to vector<1x1x16xf32>
      tpu.vector_store %arg11[%swap3A_466, %swap3A_467, %swap3A_468], %swap3A_471 {add = true, strides = array<i32>} : memref<2x16x1024xf32, #tpu.memory_space<vmem>>, vector<1x1x16xf32>,
      %scan3A_472 = arith.constant 0 : i32
      scf.yield %scan3A_472 : i32
    }
    %scan3A_233 = arith.constant 256 : i32
    %add3A_234 = arith.constant 32 : i32
    %add3A_235 = arith.addi %mul3A_2, %add3A_234 : i32
    %dma_start3A_236 = arith.constant 0 : i32
    %dma_start3A_237 = arith.constant 0 : i32
    %dma_start3A_238 = tpu.memref_slice %arg5[%dma_start3A_236, %add3A_235, %dma_start3A_237] : memref<4x2048x1024xf32, #tpu.memory_space<hbm>> -> memref<2x16x1024xf32, #tpu.memory_space<hbm>>
    %dma_start3A_239 = arith.constant 0 : i32
    %dma_start3A_240 = arith.constant 0 : i32
    %dma_start3A_241 = tpu.memref_slice %arg5[%dma_start3A_239, %add3A_235, %dma_start3A_240] : memref<4x2048x1024xf32, #tpu.memory_space<hbm>> -> memref<2x16x1024xf32, #tpu.memory_space<hbm>>
    tpu.enqueue_dma source(%arg11 : memref<2x16x1024xf32, #tpu.memory_space<vmem>>) target(%dma_start3A_241 : memref<2x16x1024xf32, #tpu.memory_space<hbm>>) target_semaphore(%arg17 : memref<!tpu.dma_semaphore, #tpu.memory_space<semaphore_mem>>)
    %add3A_242 = arith.constant 48 : i32
    %add3A_243 = arith.addi %mul3A_2, %add3A_242 : i32
    %dma_start3A_244 = arith.constant 0 : i32
    %dma_start3A_245 = arith.constant 0 : i32
    %dma_start3A_246 = tpu.memref_slice %arg2[%dma_start3A_244, %add3A_243, %dma_start3A_245] : memref<4x2048x1024xf32, #tpu.memory_space<hbm>> -> memref<2x16x1024xf32, #tpu.memory_space<hbm>>
    %dma_start3A_247 = arith.constant 0 : i32
    %dma_start3A_248 = arith.constant 0 : i32
    %dma_start3A_249 = tpu.memref_slice %arg2[%dma_start3A_247, %add3A_243, %dma_start3A_248] : memref<4x2048x1024xf32, #tpu.memory_space<hbm>> -> memref<2x16x1024xf32, #tpu.memory_space<hbm>>
    tpu.enqueue_dma source(%dma_start3A_249 : memref<2x16x1024xf32, #tpu.memory_space<hbm>>) target(%arg11 : memref<2x16x1024xf32, #tpu.memory_space<vmem>>) target_semaphore(%arg15 : memref<!tpu.dma_semaphore, #tpu.memory_space<semaphore_mem>>)
    %dma_wait3A_250 = arith.constant 2 : i32
    %dma_wait3A_251 = arith.constant 0 : i32
    %dma_wait3A_252 = tpu.memref_slice %arg2[%dma_wait3A_250, %add3A_189, %dma_wait3A_251] : memref<4x2048x1024xf32, #tpu.memory_space<hbm>> -> memref<2x16x1024xf32, #tpu.memory_space<hbm>>
    %dma_wait3A_253 = arith.constant 2 : i32
    %dma_wait3A_254 = arith.constant 0 : i32
    %dma_wait3A_255 = tpu.memref_slice %arg2[%dma_wait3A_253, %add3A_189, %dma_wait3A_254] : memref<4x2048x1024xf32, #tpu.memory_space<hbm>> -> memref<2x16x1024xf32, #tpu.memory_space<hbm>>
    tpu.wait_dma2 semaphore(%arg16 : memref<!tpu.dma_semaphore, #tpu.memory_space<semaphore_mem>>) src(%dma_wait3A_255 : memref<2x16x1024xf32, #tpu.memory_space<hbm>>) dst(%arg12 : memref<2x16x1024xf32, #tpu.memory_space<vmem>>)
    %dma_wait3A_256 = arith.constant 2 : i32
    %dma_wait3A_257 = arith.constant 0 : i32
    %dma_wait3A_258 = tpu.memref_slice %arg5[%dma_wait3A_256, %add3A_181, %dma_wait3A_257] : memref<4x2048x1024xf32, #tpu.memory_space<hbm>> -> memref<2x16x1024xf32, #tpu.memory_space<hbm>>
    %dma_wait3A_259 = arith.constant 2 : i32
    %dma_wait3A_260 = arith.constant 0 : i32
    %dma_wait3A_261 = tpu.memref_slice %arg5[%dma_wait3A_259, %add3A_181, %dma_wait3A_260] : memref<4x2048x1024xf32, #tpu.memory_space<hbm>> -> memref<2x16x1024xf32, #tpu.memory_space<hbm>>
    tpu.wait_dma2 semaphore(%arg18 : memref<!tpu.dma_semaphore, #tpu.memory_space<semaphore_mem>>) src(%arg12 : memref<2x16x1024xf32, #tpu.memory_space<vmem>>) dst(%dma_wait3A_261 : memref<2x16x1024xf32, #tpu.memory_space<hbm>>)
    %scan3A_262 = arith.constant 0 : i32
    %scan3A_263 = arith.constant 0 : i32
    %scan3A_264 = arith.constant 256 : i32
    %scan3A_265 = arith.addi %scan3A_263, %scan3A_264 : i32
    %scan3A_266 = arith.constant 1 : i32
    %scan3A_267 = scf.for %scan3A_354 = %scan3A_263 to %scan3A_265 step %scan3A_266 iter_args(%scan3A_355 = %scan3A_262) -> (i32)  : i32 {
      %shift_right_logical3A = arith.constant 3 : i32
      %shift_right_logical3A_356 = arith.shrui %scan3A_354, %shift_right_logical3A : i32
      %shift_right_logical3A_357 = arith.constant 4 : i32
      %shift_right_logical3A_358 = arith.shrui %shift_right_logical3A_356, %shift_right_logical3A_357 : i32
      %and3A = arith.constant 15 : i32
      %and3A_359 = arith.andi %shift_right_logical3A_356, %and3A : i32
      %and3A_360 = arith.constant 7 : i32
      %and3A_361 = arith.andi %scan3A_354, %and3A_360 : i32
      %mul3A_362 = arith.constant 128 : i32
      %mul3A_363 = arith.muli %and3A_361, %mul3A_362 : i32
      %add3A_364 = arith.constant 32 : i32
      %add3A_365 = arith.addi %mul3A_2, %add3A_364 : i32
      %add3A_366 = arith.addi %add3A_365, %and3A_359 : i32
      %broadcast_in_dim3A_367 = vector.broadcast %add3A_366 : i32 to vector<16xi32>
      %eq3A = arith.cmpi eq, %broadcast_in_dim3A_367, %get3A_4 : vector<16xi32>
      %add3A_368 = arith.constant 0 : i32
      %add3A_369 = arith.addi %mul3A_363, %add3A_368 : i32
      %get3A_370 = arith.index_cast %and3A_359 : i32 to index
      %get3A_371 = arith.index_cast %add3A_369 : i32 to index
      %get3A_372 = tpu.vector_load %arg8[%get3A_370, %get3A_371] {strides = array<i32>} : memref<16x1024xf32, #tpu.memory_space<vmem>>, vector<1x16xf32>,
      %get3A_373 = vector.shape_cast %get3A_372 : vector<1x16xf32> to vector<16xf32>
      %select_n3A_374 = arith.select %eq3A, %broadcast_in_dim3A_47, %get3A_373 : vector<16xi1>, vector<16xf32>
      %swap3A_375 = arith.index_cast %shift_right_logical3A_358 : i32 to index
      %swap3A_376 = arith.index_cast %and3A_359 : i32 to index
      %swap3A_377 = arith.index_cast %add3A_369 : i32 to index
      %swap3A_378 = tpu.vector_load %arg12[%swap3A_375, %swap3A_376, %swap3A_377] {strides = array<i32>} : memref<2x16x1024xf32, #tpu.memory_space<vmem>>, vector<1x1x16xf32>,
      %swap3A_379 = vector.shape_cast %swap3A_378 : vector<1x1x16xf32> to vector<16xf32>
      %swap3A_380 = vector.shape_cast %select_n3A_374 : vector<16xf32> to vector<1x1x16xf32>
      tpu.vector_store %arg12[%swap3A_375, %swap3A_376, %swap3A_377], %swap3A_380 {add = true, strides = array<i32>} : memref<2x16x1024xf32, #tpu.memory_space<vmem>>, vector<1x1x16xf32>,
      %add3A_381 = arith.constant 16 : i32
      %add3A_382 = arith.addi %mul3A_363, %add3A_381 : i32
      %get3A_383 = arith.index_cast %and3A_359 : i32 to index
      %get3A_384 = arith.index_cast %add3A_382 : i32 to index
      %get3A_385 = tpu.vector_load %arg8[%get3A_383, %get3A_384] {strides = array<i32>} : memref<16x1024xf32, #tpu.memory_space<vmem>>, vector<1x16xf32>,
      %get3A_386 = vector.shape_cast %get3A_385 : vector<1x16xf32> to vector<16xf32>
      %select_n3A_387 = arith.select %eq3A, %broadcast_in_dim3A_47, %get3A_386 : vector<16xi1>, vector<16xf32>
      %swap3A_388 = arith.index_cast %shift_right_logical3A_358 : i32 to index
      %swap3A_389 = arith.index_cast %and3A_359 : i32 to index
      %swap3A_390 = arith.index_cast %add3A_382 : i32 to index
      %swap3A_391 = tpu.vector_load %arg12[%swap3A_388, %swap3A_389, %swap3A_390] {strides = array<i32>} : memref<2x16x1024xf32, #tpu.memory_space<vmem>>, vector<1x1x16xf32>,
      %swap3A_392 = vector.shape_cast %swap3A_391 : vector<1x1x16xf32> to vector<16xf32>
      %swap3A_393 = vector.shape_cast %select_n3A_387 : vector<16xf32> to vector<1x1x16xf32>
      tpu.vector_store %arg12[%swap3A_388, %swap3A_389, %swap3A_390], %swap3A_393 {add = true, strides = array<i32>} : memref<2x16x1024xf32, #tpu.memory_space<vmem>>, vector<1x1x16xf32>,
      %add3A_394 = arith.constant 32 : i32
      %add3A_395 = arith.addi %mul3A_363, %add3A_394 : i32
      %get3A_396 = arith.index_cast %and3A_359 : i32 to index
      %get3A_397 = arith.index_cast %add3A_395 : i32 to index
      %get3A_398 = tpu.vector_load %arg8[%get3A_396, %get3A_397] {strides = array<i32>} : memref<16x1024xf32, #tpu.memory_space<vmem>>, vector<1x16xf32>,
      %get3A_399 = vector.shape_cast %get3A_398 : vector<1x16xf32> to vector<16xf32>
      %select_n3A_400 = arith.select %eq3A, %broadcast_in_dim3A_47, %get3A_399 : vector<16xi1>, vector<16xf32>
      %swap3A_401 = arith.index_cast %shift_right_logical3A_358 : i32 to index
      %swap3A_402 = arith.index_cast %and3A_359 : i32 to index
      %swap3A_403 = arith.index_cast %add3A_395 : i32 to index
      %swap3A_404 = tpu.vector_load %arg12[%swap3A_401, %swap3A_402, %swap3A_403] {strides = array<i32>} : memref<2x16x1024xf32, #tpu.memory_space<vmem>>, vector<1x1x16xf32>,
      %swap3A_405 = vector.shape_cast %swap3A_404 : vector<1x1x16xf32> to vector<16xf32>
      %swap3A_406 = vector.shape_cast %select_n3A_400 : vector<16xf32> to vector<1x1x16xf32>
      tpu.vector_store %arg12[%swap3A_401, %swap3A_402, %swap3A_403], %swap3A_406 {add = true, strides = array<i32>} : memref<2x16x1024xf32, #tpu.memory_space<vmem>>, vector<1x1x16xf32>,
      %add3A_407 = arith.constant 48 : i32
      %add3A_408 = arith.addi %mul3A_363, %add3A_407 : i32
      %get3A_409 = arith.index_cast %and3A_359 : i32 to index
      %get3A_410 = arith.index_cast %add3A_408 : i32 to index
      %get3A_411 = tpu.vector_load %arg8[%get3A_409, %get3A_410] {strides = array<i32>} : memref<16x1024xf32, #tpu.memory_space<vmem>>, vector<1x16xf32>,
      %get3A_412 = vector.shape_cast %get3A_411 : vector<1x16xf32> to vector<16xf32>
      %select_n3A_413 = arith.select %eq3A, %broadcast_in_dim3A_47, %get3A_412 : vector<16xi1>, vector<16xf32>
      %swap3A_414 = arith.index_cast %shift_right_logical3A_358 : i32 to index
      %swap3A_415 = arith.index_cast %and3A_359 : i32 to index
      %swap3A_416 = arith.index_cast %add3A_408 : i32 to index
      %swap3A_417 = tpu.vector_load %arg12[%swap3A_414, %swap3A_415, %swap3A_416] {strides = array<i32>} : memref<2x16x1024xf32, #tpu.memory_space<vmem>>, vector<1x1x16xf32>,
      %swap3A_418 = vector.shape_cast %swap3A_417 : vector<1x1x16xf32> to vector<16xf32>
      %swap3A_419 = vector.shape_cast %select_n3A_413 : vector<16xf32> to vector<1x1x16xf32>
      tpu.vector_store %arg12[%swap3A_414, %swap3A_415, %swap3A_416], %swap3A_419 {add = true, strides = array<i32>} : memref<2x16x1024xf32, #tpu.memory_space<vmem>>, vector<1x1x16xf32>,
      %add3A_420 = arith.constant 64 : i32
      %add3A_421 = arith.addi %mul3A_363, %add3A_420 : i32
      %get3A_422 = arith.index_cast %and3A_359 : i32 to index
      %get3A_423 = arith.index_cast %add3A_421 : i32 to index
      %get3A_424 = tpu.vector_load %arg8[%get3A_422, %get3A_423] {strides = array<i32>} : memref<16x1024xf32, #tpu.memory_space<vmem>>, vector<1x16xf32>,
      %get3A_425 = vector.shape_cast %get3A_424 : vector<1x16xf32> to vector<16xf32>
      %select_n3A_426 = arith.select %eq3A, %broadcast_in_dim3A_47, %get3A_425 : vector<16xi1>, vector<16xf32>
      %swap3A_427 = arith.index_cast %shift_right_logical3A_358 : i32 to index
      %swap3A_428 = arith.index_cast %and3A_359 : i32 to index
      %swap3A_429 = arith.index_cast %add3A_421 : i32 to index
      %swap3A_430 = tpu.vector_load %arg12[%swap3A_427, %swap3A_428, %swap3A_429] {strides = array<i32>} : memref<2x16x1024xf32, #tpu.memory_space<vmem>>, vector<1x1x16xf32>,
      %swap3A_431 = vector.shape_cast %swap3A_430 : vector<1x1x16xf32> to vector<16xf32>
      %swap3A_432 = vector.shape_cast %select_n3A_426 : vector<16xf32> to vector<1x1x16xf32>
      tpu.vector_store %arg12[%swap3A_427, %swap3A_428, %swap3A_429], %swap3A_432 {add = true, strides = array<i32>} : memref<2x16x1024xf32, #tpu.memory_space<vmem>>, vector<1x1x16xf32>,
      %add3A_433 = arith.constant 80 : i32
      %add3A_434 = arith.addi %mul3A_363, %add3A_433 : i32
      %get3A_435 = arith.index_cast %and3A_359 : i32 to index
      %get3A_436 = arith.index_cast %add3A_434 : i32 to index
      %get3A_437 = tpu.vector_load %arg8[%get3A_435, %get3A_436] {strides = array<i32>} : memref<16x1024xf32, #tpu.memory_space<vmem>>, vector<1x16xf32>,
      %get3A_438 = vector.shape_cast %get3A_437 : vector<1x16xf32> to vector<16xf32>
      %select_n3A_439 = arith.select %eq3A, %broadcast_in_dim3A_47, %get3A_438 : vector<16xi1>, vector<16xf32>
      %swap3A_440 = arith.index_cast %shift_right_logical3A_358 : i32 to index
      %swap3A_441 = arith.index_cast %and3A_359 : i32 to index
      %swap3A_442 = arith.index_cast %add3A_434 : i32 to index
      %swap3A_443 = tpu.vector_load %arg12[%swap3A_440, %swap3A_441, %swap3A_442] {strides = array<i32>} : memref<2x16x1024xf32, #tpu.memory_space<vmem>>, vector<1x1x16xf32>,
      %swap3A_444 = vector.shape_cast %swap3A_443 : vector<1x1x16xf32> to vector<16xf32>
      %swap3A_445 = vector.shape_cast %select_n3A_439 : vector<16xf32> to vector<1x1x16xf32>
      tpu.vector_store %arg12[%swap3A_440, %swap3A_441, %swap3A_442], %swap3A_445 {add = true, strides = array<i32>} : memref<2x16x1024xf32, #tpu.memory_space<vmem>>, vector<1x1x16xf32>,
      %add3A_446 = arith.constant 96 : i32
      %add3A_447 = arith.addi %mul3A_363, %add3A_446 : i32
      %get3A_448 = arith.index_cast %and3A_359 : i32 to index
      %get3A_449 = arith.index_cast %add3A_447 : i32 to index
      %get3A_450 = tpu.vector_load %arg8[%get3A_448, %get3A_449] {strides = array<i32>} : memref<16x1024xf32, #tpu.memory_space<vmem>>, vector<1x16xf32>,
      %get3A_451 = vector.shape_cast %get3A_450 : vector<1x16xf32> to vector<16xf32>
      %select_n3A_452 = arith.select %eq3A, %broadcast_in_dim3A_47, %get3A_451 : vector<16xi1>, vector<16xf32>
      %swap3A_453 = arith.index_cast %shift_right_logical3A_358 : i32 to index
      %swap3A_454 = arith.index_cast %and3A_359 : i32 to index
      %swap3A_455 = arith.index_cast %add3A_447 : i32 to index
      %swap3A_456 = tpu.vector_load %arg12[%swap3A_453, %swap3A_454, %swap3A_455] {strides = array<i32>} : memref<2x16x1024xf32, #tpu.memory_space<vmem>>, vector<1x1x16xf32>,
      %swap3A_457 = vector.shape_cast %swap3A_456 : vector<1x1x16xf32> to vector<16xf32>
      %swap3A_458 = vector.shape_cast %select_n3A_452 : vector<16xf32> to vector<1x1x16xf32>
      tpu.vector_store %arg12[%swap3A_453, %swap3A_454, %swap3A_455], %swap3A_458 {add = true, strides = array<i32>} : memref<2x16x1024xf32, #tpu.memory_space<vmem>>, vector<1x1x16xf32>,
      %add3A_459 = arith.constant 112 : i32
      %add3A_460 = arith.addi %mul3A_363, %add3A_459 : i32
      %get3A_461 = arith.index_cast %and3A_359 : i32 to index
      %get3A_462 = arith.index_cast %add3A_460 : i32 to index
      %get3A_463 = tpu.vector_load %arg8[%get3A_461, %get3A_462] {strides = array<i32>} : memref<16x1024xf32, #tpu.memory_space<vmem>>, vector<1x16xf32>,
      %get3A_464 = vector.shape_cast %get3A_463 : vector<1x16xf32> to vector<16xf32>
      %select_n3A_465 = arith.select %eq3A, %broadcast_in_dim3A_47, %get3A_464 : vector<16xi1>, vector<16xf32>
      %swap3A_466 = arith.index_cast %shift_right_logical3A_358 : i32 to index
      %swap3A_467 = arith.index_cast %and3A_359 : i32 to index
      %swap3A_468 = arith.index_cast %add3A_460 : i32 to index
      %swap3A_469 = tpu.vector_load %arg12[%swap3A_466, %swap3A_467, %swap3A_468] {strides = array<i32>} : memref<2x16x1024xf32, #tpu.memory_space<vmem>>, vector<1x1x16xf32>,
      %swap3A_470 = vector.shape_cast %swap3A_469 : vector<1x1x16xf32> to vector<16xf32>
      %swap3A_471 = vector.shape_cast %select_n3A_465 : vector<16xf32> to vector<1x1x16xf32>
      tpu.vector_store %arg12[%swap3A_466, %swap3A_467, %swap3A_468], %swap3A_471 {add = true, strides = array<i32>} : memref<2x16x1024xf32, #tpu.memory_space<vmem>>, vector<1x1x16xf32>,
      %scan3A_472 = arith.constant 0 : i32
      scf.yield %scan3A_472 : i32
    }
    %scan3A_268 = arith.constant 256 : i32
    %add3A_269 = arith.constant 32 : i32
    %add3A_270 = arith.addi %mul3A_2, %add3A_269 : i32
    %dma_start3A_271 = arith.constant 2 : i32
    %dma_start3A_272 = arith.constant 0 : i32
    %dma_start3A_273 = tpu.memref_slice %arg5[%dma_start3A_271, %add3A_270, %dma_start3A_272] : memref<4x2048x1024xf32, #tpu.memory_space<hbm>> -> memref<2x16x1024xf32, #tpu.memory_space<hbm>>
    %dma_start3A_274 = arith.constant 2 : i32
    %dma_start3A_275 = arith.constant 0 : i32
    %dma_start3A_276 = tpu.memref_slice %arg5[%dma_start3A_274, %add3A_270, %dma_start3A_275] : memref<4x2048x1024xf32, #tpu.memory_space<hbm>> -> memref<2x16x1024xf32, #tpu.memory_space<hbm>>
    tpu.enqueue_dma source(%arg12 : memref<2x16x1024xf32, #tpu.memory_space<vmem>>) target(%dma_start3A_276 : memref<2x16x1024xf32, #tpu.memory_space<hbm>>) target_semaphore(%arg18 : memref<!tpu.dma_semaphore, #tpu.memory_space<semaphore_mem>>)
    %add3A_277 = arith.constant 48 : i32
    %add3A_278 = arith.addi %mul3A_2, %add3A_277 : i32
    %dma_start3A_279 = arith.constant 2 : i32
    %dma_start3A_280 = arith.constant 0 : i32
    %dma_start3A_281 = tpu.memref_slice %arg2[%dma_start3A_279, %add3A_278, %dma_start3A_280] : memref<4x2048x1024xf32, #tpu.memory_space<hbm>> -> memref<2x16x1024xf32, #tpu.memory_space<hbm>>
    %dma_start3A_282 = arith.constant 2 : i32
    %dma_start3A_283 = arith.constant 0 : i32
    %dma_start3A_284 = tpu.memref_slice %arg2[%dma_start3A_282, %add3A_278, %dma_start3A_283] : memref<4x2048x1024xf32, #tpu.memory_space<hbm>> -> memref<2x16x1024xf32, #tpu.memory_space<hbm>>
    tpu.enqueue_dma source(%dma_start3A_284 : memref<2x16x1024xf32, #tpu.memory_space<hbm>>) target(%arg12 : memref<2x16x1024xf32, #tpu.memory_space<vmem>>) target_semaphore(%arg16 : memref<!tpu.dma_semaphore, #tpu.memory_space<semaphore_mem>>)
    %dma_wait3A_285 = arith.constant 0 : i32
    %dma_wait3A_286 = arith.constant 0 : i32
    %dma_wait3A_287 = tpu.memref_slice %arg4[%dma_wait3A_285, %dma_wait3A_286] : memref<2048x1024xf32, #tpu.memory_space<hbm>> -> memref<2048x1024xf32, #tpu.memory_space<hbm>>
    tpu.wait_indirect_dma semaphore(%arg14 : memref<!tpu.dma_semaphore, #tpu.memory_space<semaphore_mem>>) src(%dma_wait3A_287 : memref<2048x1024xf32, #tpu.memory_space<hbm>>) dst(%arg9 : memref<16x1024xf32, #tpu.memory_space<vmem>>)
    %dma_wait3A_288 = arith.constant 0 : i32
    %dma_wait3A_289 = arith.constant 0 : i32
    %dma_wait3A_290 = tpu.memref_slice %arg2[%dma_wait3A_288, %add3A_243, %dma_wait3A_289] : memref<4x2048x1024xf32, #tpu.memory_space<hbm>> -> memref<2x16x1024xf32, #tpu.memory_space<hbm>>
    %dma_wait3A_291 = arith.constant 0 : i32
    %dma_wait3A_292 = arith.constant 0 : i32
    %dma_wait3A_293 = tpu.memref_slice %arg2[%dma_wait3A_291, %add3A_243, %dma_wait3A_292] : memref<4x2048x1024xf32, #tpu.memory_space<hbm>> -> memref<2x16x1024xf32, #tpu.memory_space<hbm>>
    tpu.wait_dma2 semaphore(%arg15 : memref<!tpu.dma_semaphore, #tpu.memory_space<semaphore_mem>>) src(%dma_wait3A_293 : memref<2x16x1024xf32, #tpu.memory_space<hbm>>) dst(%arg11 : memref<2x16x1024xf32, #tpu.memory_space<vmem>>)
    %dma_wait3A_294 = arith.constant 0 : i32
    %dma_wait3A_295 = arith.constant 0 : i32
    %dma_wait3A_296 = tpu.memref_slice %arg5[%dma_wait3A_294, %add3A_235, %dma_wait3A_295] : memref<4x2048x1024xf32, #tpu.memory_space<hbm>> -> memref<2x16x1024xf32, #tpu.memory_space<hbm>>
    %dma_wait3A_297 = arith.constant 0 : i32
    %dma_wait3A_298 = arith.constant 0 : i32
    %dma_wait3A_299 = tpu.memref_slice %arg5[%dma_wait3A_297, %add3A_235, %dma_wait3A_298] : memref<4x2048x1024xf32, #tpu.memory_space<hbm>> -> memref<2x16x1024xf32, #tpu.memory_space<hbm>>
    tpu.wait_dma2 semaphore(%arg17 : memref<!tpu.dma_semaphore, #tpu.memory_space<semaphore_mem>>) src(%arg11 : memref<2x16x1024xf32, #tpu.memory_space<vmem>>) dst(%dma_wait3A_299 : memref<2x16x1024xf32, #tpu.memory_space<hbm>>)
    %scan3A_300 = arith.constant 0 : i32
    %scan3A_301 = arith.constant 0 : i32
    %scan3A_302 = arith.constant 256 : i32
    %scan3A_303 = arith.addi %scan3A_301, %scan3A_302 : i32
    %scan3A_304 = arith.constant 1 : i32
    %scan3A_305 = scf.for %scan3A_354 = %scan3A_301 to %scan3A_303 step %scan3A_304 iter_args(%scan3A_355 = %scan3A_300) -> (i32)  : i32 {
      %shift_right_logical3A = arith.constant 3 : i32
      %shift_right_logical3A_356 = arith.shrui %scan3A_354, %shift_right_logical3A : i32
      %shift_right_logical3A_357 = arith.constant 4 : i32
      %shift_right_logical3A_358 = arith.shrui %shift_right_logical3A_356, %shift_right_logical3A_357 : i32
      %and3A = arith.constant 15 : i32
      %and3A_359 = arith.andi %shift_right_logical3A_356, %and3A : i32
      %and3A_360 = arith.constant 7 : i32
      %and3A_361 = arith.andi %scan3A_354, %and3A_360 : i32
      %mul3A_362 = arith.constant 128 : i32
      %mul3A_363 = arith.muli %and3A_361, %mul3A_362 : i32
      %add3A_364 = arith.constant 48 : i32
      %add3A_365 = arith.addi %mul3A_2, %add3A_364 : i32
      %add3A_366 = arith.addi %add3A_365, %and3A_359 : i32
      %broadcast_in_dim3A_367 = vector.broadcast %add3A_366 : i32 to vector<16xi32>
      %eq3A = arith.cmpi eq, %broadcast_in_dim3A_367, %get3A_4 : vector<16xi32>
      %add3A_368 = arith.constant 0 : i32
      %add3A_369 = arith.addi %mul3A_363, %add3A_368 : i32
      %get3A_370 = arith.index_cast %and3A_359 : i32 to index
      %get3A_371 = arith.index_cast %add3A_369 : i32 to index
      %get3A_372 = tpu.vector_load %arg9[%get3A_370, %get3A_371] {strides = array<i32>} : memref<16x1024xf32, #tpu.memory_space<vmem>>, vector<1x16xf32>,
      %get3A_373 = vector.shape_cast %get3A_372 : vector<1x16xf32> to vector<16xf32>
      %select_n3A_374 = arith.select %eq3A, %broadcast_in_dim3A_47, %get3A_373 : vector<16xi1>, vector<16xf32>
      %swap3A_375 = arith.index_cast %shift_right_logical3A_358 : i32 to index
      %swap3A_376 = arith.index_cast %and3A_359 : i32 to index
      %swap3A_377 = arith.index_cast %add3A_369 : i32 to index
      %swap3A_378 = tpu.vector_load %arg11[%swap3A_375, %swap3A_376, %swap3A_377] {strides = array<i32>} : memref<2x16x1024xf32, #tpu.memory_space<vmem>>, vector<1x1x16xf32>,
      %swap3A_379 = vector.shape_cast %swap3A_378 : vector<1x1x16xf32> to vector<16xf32>
      %swap3A_380 = vector.shape_cast %select_n3A_374 : vector<16xf32> to vector<1x1x16xf32>
      tpu.vector_store %arg11[%swap3A_375, %swap3A_376, %swap3A_377], %swap3A_380 {add = true, strides = array<i32>} : memref<2x16x1024xf32, #tpu.memory_space<vmem>>, vector<1x1x16xf32>,
      %add3A_381 = arith.constant 16 : i32
      %add3A_382 = arith.addi %mul3A_363, %add3A_381 : i32
      %get3A_383 = arith.index_cast %and3A_359 : i32 to index
      %get3A_384 = arith.index_cast %add3A_382 : i32 to index
      %get3A_385 = tpu.vector_load %arg9[%get3A_383, %get3A_384] {strides = array<i32>} : memref<16x1024xf32, #tpu.memory_space<vmem>>, vector<1x16xf32>,
      %get3A_386 = vector.shape_cast %get3A_385 : vector<1x16xf32> to vector<16xf32>
      %select_n3A_387 = arith.select %eq3A, %broadcast_in_dim3A_47, %get3A_386 : vector<16xi1>, vector<16xf32>
      %swap3A_388 = arith.index_cast %shift_right_logical3A_358 : i32 to index
      %swap3A_389 = arith.index_cast %and3A_359 : i32 to index
      %swap3A_390 = arith.index_cast %add3A_382 : i32 to index
      %swap3A_391 = tpu.vector_load %arg11[%swap3A_388, %swap3A_389, %swap3A_390] {strides = array<i32>} : memref<2x16x1024xf32, #tpu.memory_space<vmem>>, vector<1x1x16xf32>,
      %swap3A_392 = vector.shape_cast %swap3A_391 : vector<1x1x16xf32> to vector<16xf32>
      %swap3A_393 = vector.shape_cast %select_n3A_387 : vector<16xf32> to vector<1x1x16xf32>
      tpu.vector_store %arg11[%swap3A_388, %swap3A_389, %swap3A_390], %swap3A_393 {add = true, strides = array<i32>} : memref<2x16x1024xf32, #tpu.memory_space<vmem>>, vector<1x1x16xf32>,
      %add3A_394 = arith.constant 32 : i32
      %add3A_395 = arith.addi %mul3A_363, %add3A_394 : i32
      %get3A_396 = arith.index_cast %and3A_359 : i32 to index
      %get3A_397 = arith.index_cast %add3A_395 : i32 to index
      %get3A_398 = tpu.vector_load %arg9[%get3A_396, %get3A_397] {strides = array<i32>} : memref<16x1024xf32, #tpu.memory_space<vmem>>, vector<1x16xf32>,
      %get3A_399 = vector.shape_cast %get3A_398 : vector<1x16xf32> to vector<16xf32>
      %select_n3A_400 = arith.select %eq3A, %broadcast_in_dim3A_47, %get3A_399 : vector<16xi1>, vector<16xf32>
      %swap3A_401 = arith.index_cast %shift_right_logical3A_358 : i32 to index
      %swap3A_402 = arith.index_cast %and3A_359 : i32 to index
      %swap3A_403 = arith.index_cast %add3A_395 : i32 to index
      %swap3A_404 = tpu.vector_load %arg11[%swap3A_401, %swap3A_402, %swap3A_403] {strides = array<i32>} : memref<2x16x1024xf32, #tpu.memory_space<vmem>>, vector<1x1x16xf32>,
      %swap3A_405 = vector.shape_cast %swap3A_404 : vector<1x1x16xf32> to vector<16xf32>
      %swap3A_406 = vector.shape_cast %select_n3A_400 : vector<16xf32> to vector<1x1x16xf32>
      tpu.vector_store %arg11[%swap3A_401, %swap3A_402, %swap3A_403], %swap3A_406 {add = true, strides = array<i32>} : memref<2x16x1024xf32, #tpu.memory_space<vmem>>, vector<1x1x16xf32>,
      %add3A_407 = arith.constant 48 : i32
      %add3A_408 = arith.addi %mul3A_363, %add3A_407 : i32
      %get3A_409 = arith.index_cast %and3A_359 : i32 to index
      %get3A_410 = arith.index_cast %add3A_408 : i32 to index
      %get3A_411 = tpu.vector_load %arg9[%get3A_409, %get3A_410] {strides = array<i32>} : memref<16x1024xf32, #tpu.memory_space<vmem>>, vector<1x16xf32>,
      %get3A_412 = vector.shape_cast %get3A_411 : vector<1x16xf32> to vector<16xf32>
      %select_n3A_413 = arith.select %eq3A, %broadcast_in_dim3A_47, %get3A_412 : vector<16xi1>, vector<16xf32>
      %swap3A_414 = arith.index_cast %shift_right_logical3A_358 : i32 to index
      %swap3A_415 = arith.index_cast %and3A_359 : i32 to index
      %swap3A_416 = arith.index_cast %add3A_408 : i32 to index
      %swap3A_417 = tpu.vector_load %arg11[%swap3A_414, %swap3A_415, %swap3A_416] {strides = array<i32>} : memref<2x16x1024xf32, #tpu.memory_space<vmem>>, vector<1x1x16xf32>,
      %swap3A_418 = vector.shape_cast %swap3A_417 : vector<1x1x16xf32> to vector<16xf32>
      %swap3A_419 = vector.shape_cast %select_n3A_413 : vector<16xf32> to vector<1x1x16xf32>
      tpu.vector_store %arg11[%swap3A_414, %swap3A_415, %swap3A_416], %swap3A_419 {add = true, strides = array<i32>} : memref<2x16x1024xf32, #tpu.memory_space<vmem>>, vector<1x1x16xf32>,
      %add3A_420 = arith.constant 64 : i32
      %add3A_421 = arith.addi %mul3A_363, %add3A_420 : i32
      %get3A_422 = arith.index_cast %and3A_359 : i32 to index
      %get3A_423 = arith.index_cast %add3A_421 : i32 to index
      %get3A_424 = tpu.vector_load %arg9[%get3A_422, %get3A_423] {strides = array<i32>} : memref<16x1024xf32, #tpu.memory_space<vmem>>, vector<1x16xf32>,
      %get3A_425 = vector.shape_cast %get3A_424 : vector<1x16xf32> to vector<16xf32>
      %select_n3A_426 = arith.select %eq3A, %broadcast_in_dim3A_47, %get3A_425 : vector<16xi1>, vector<16xf32>
      %swap3A_427 = arith.index_cast %shift_right_logical3A_358 : i32 to index
      %swap3A_428 = arith.index_cast %and3A_359 : i32 to index
      %swap3A_429 = arith.index_cast %add3A_421 : i32 to index
      %swap3A_430 = tpu.vector_load %arg11[%swap3A_427, %swap3A_428, %swap3A_429] {strides = array<i32>} : memref<2x16x1024xf32, #tpu.memory_space<vmem>>, vector<1x1x16xf32>,
      %swap3A_431 = vector.shape_cast %swap3A_430 : vector<1x1x16xf32> to vector<16xf32>
      %swap3A_432 = vector.shape_cast %select_n3A_426 : vector<16xf32> to vector<1x1x16xf32>
      tpu.vector_store %arg11[%swap3A_427, %swap3A_428, %swap3A_429], %swap3A_432 {add = true, strides = array<i32>} : memref<2x16x1024xf32, #tpu.memory_space<vmem>>, vector<1x1x16xf32>,
      %add3A_433 = arith.constant 80 : i32
      %add3A_434 = arith.addi %mul3A_363, %add3A_433 : i32
      %get3A_435 = arith.index_cast %and3A_359 : i32 to index
      %get3A_436 = arith.index_cast %add3A_434 : i32 to index
      %get3A_437 = tpu.vector_load %arg9[%get3A_435, %get3A_436] {strides = array<i32>} : memref<16x1024xf32, #tpu.memory_space<vmem>>, vector<1x16xf32>,
      %get3A_438 = vector.shape_cast %get3A_437 : vector<1x16xf32> to vector<16xf32>
      %select_n3A_439 = arith.select %eq3A, %broadcast_in_dim3A_47, %get3A_438 : vector<16xi1>, vector<16xf32>
      %swap3A_440 = arith.index_cast %shift_right_logical3A_358 : i32 to index
      %swap3A_441 = arith.index_cast %and3A_359 : i32 to index
      %swap3A_442 = arith.index_cast %add3A_434 : i32 to index
      %swap3A_443 = tpu.vector_load %arg11[%swap3A_440, %swap3A_441, %swap3A_442] {strides = array<i32>} : memref<2x16x1024xf32, #tpu.memory_space<vmem>>, vector<1x1x16xf32>,
      %swap3A_444 = vector.shape_cast %swap3A_443 : vector<1x1x16xf32> to vector<16xf32>
      %swap3A_445 = vector.shape_cast %select_n3A_439 : vector<16xf32> to vector<1x1x16xf32>
      tpu.vector_store %arg11[%swap3A_440, %swap3A_441, %swap3A_442], %swap3A_445 {add = true, strides = array<i32>} : memref<2x16x1024xf32, #tpu.memory_space<vmem>>, vector<1x1x16xf32>,
      %add3A_446 = arith.constant 96 : i32
      %add3A_447 = arith.addi %mul3A_363, %add3A_446 : i32
      %get3A_448 = arith.index_cast %and3A_359 : i32 to index
      %get3A_449 = arith.index_cast %add3A_447 : i32 to index
      %get3A_450 = tpu.vector_load %arg9[%get3A_448, %get3A_449] {strides = array<i32>} : memref<16x1024xf32, #tpu.memory_space<vmem>>, vector<1x16xf32>,
      %get3A_451 = vector.shape_cast %get3A_450 : vector<1x16xf32> to vector<16xf32>
      %select_n3A_452 = arith.select %eq3A, %broadcast_in_dim3A_47, %get3A_451 : vector<16xi1>, vector<16xf32>
      %swap3A_453 = arith.index_cast %shift_right_logical3A_358 : i32 to index
      %swap3A_454 = arith.index_cast %and3A_359 : i32 to index
      %swap3A_455 = arith.index_cast %add3A_447 : i32 to index
      %swap3A_456 = tpu.vector_load %arg11[%swap3A_453, %swap3A_454, %swap3A_455] {strides = array<i32>} : memref<2x16x1024xf32, #tpu.memory_space<vmem>>, vector<1x1x16xf32>,
      %swap3A_457 = vector.shape_cast %swap3A_456 : vector<1x1x16xf32> to vector<16xf32>
      %swap3A_458 = vector.shape_cast %select_n3A_452 : vector<16xf32> to vector<1x1x16xf32>
      tpu.vector_store %arg11[%swap3A_453, %swap3A_454, %swap3A_455], %swap3A_458 {add = true, strides = array<i32>} : memref<2x16x1024xf32, #tpu.memory_space<vmem>>, vector<1x1x16xf32>,
      %add3A_459 = arith.constant 112 : i32
      %add3A_460 = arith.addi %mul3A_363, %add3A_459 : i32
      %get3A_461 = arith.index_cast %and3A_359 : i32 to index
      %get3A_462 = arith.index_cast %add3A_460 : i32 to index
      %get3A_463 = tpu.vector_load %arg9[%get3A_461, %get3A_462] {strides = array<i32>} : memref<16x1024xf32, #tpu.memory_space<vmem>>, vector<1x16xf32>,
      %get3A_464 = vector.shape_cast %get3A_463 : vector<1x16xf32> to vector<16xf32>
      %select_n3A_465 = arith.select %eq3A, %broadcast_in_dim3A_47, %get3A_464 : vector<16xi1>, vector<16xf32>
      %swap3A_466 = arith.index_cast %shift_right_logical3A_358 : i32 to index
      %swap3A_467 = arith.index_cast %and3A_359 : i32 to index
      %swap3A_468 = arith.index_cast %add3A_460 : i32 to index
      %swap3A_469 = tpu.vector_load %arg11[%swap3A_466, %swap3A_467, %swap3A_468] {strides = array<i32>} : memref<2x16x1024xf32, #tpu.memory_space<vmem>>, vector<1x1x16xf32>,
      %swap3A_470 = vector.shape_cast %swap3A_469 : vector<1x1x16xf32> to vector<16xf32>
      %swap3A_471 = vector.shape_cast %select_n3A_465 : vector<16xf32> to vector<1x1x16xf32>
      tpu.vector_store %arg11[%swap3A_466, %swap3A_467, %swap3A_468], %swap3A_471 {add = true, strides = array<i32>} : memref<2x16x1024xf32, #tpu.memory_space<vmem>>, vector<1x1x16xf32>,
      %scan3A_472 = arith.constant 0 : i32
      scf.yield %scan3A_472 : i32
    }
    %scan3A_306 = arith.constant 256 : i32
    %add3A_307 = arith.constant 48 : i32
    %add3A_308 = arith.addi %mul3A_2, %add3A_307 : i32
    %dma_start3A_309 = arith.constant 0 : i32
    %dma_start3A_310 = arith.constant 0 : i32
    %dma_start3A_311 = tpu.memref_slice %arg5[%dma_start3A_309, %add3A_308, %dma_start3A_310] : memref<4x2048x1024xf32, #tpu.memory_space<hbm>> -> memref<2x16x1024xf32, #tpu.memory_space<hbm>>
    %dma_start3A_312 = arith.constant 0 : i32
    %dma_start3A_313 = arith.constant 0 : i32
    %dma_start3A_314 = tpu.memref_slice %arg5[%dma_start3A_312, %add3A_308, %dma_start3A_313] : memref<4x2048x1024xf32, #tpu.memory_space<hbm>> -> memref<2x16x1024xf32, #tpu.memory_space<hbm>>
    tpu.enqueue_dma source(%arg11 : memref<2x16x1024xf32, #tpu.memory_space<vmem>>) target(%dma_start3A_314 : memref<2x16x1024xf32, #tpu.memory_space<hbm>>) target_semaphore(%arg17 : memref<!tpu.dma_semaphore, #tpu.memory_space<semaphore_mem>>)
    %dma_wait3A_315 = arith.constant 2 : i32
    %dma_wait3A_316 = arith.constant 0 : i32
    %dma_wait3A_317 = tpu.memref_slice %arg2[%dma_wait3A_315, %add3A_278, %dma_wait3A_316] : memref<4x2048x1024xf32, #tpu.memory_space<hbm>> -> memref<2x16x1024xf32, #tpu.memory_space<hbm>>
    %dma_wait3A_318 = arith.constant 2 : i32
    %dma_wait3A_319 = arith.constant 0 : i32
    %dma_wait3A_320 = tpu.memref_slice %arg2[%dma_wait3A_318, %add3A_278, %dma_wait3A_319] : memref<4x2048x1024xf32, #tpu.memory_space<hbm>> -> memref<2x16x1024xf32, #tpu.memory_space<hbm>>
    tpu.wait_dma2 semaphore(%arg16 : memref<!tpu.dma_semaphore, #tpu.memory_space<semaphore_mem>>) src(%dma_wait3A_320 : memref<2x16x1024xf32, #tpu.memory_space<hbm>>) dst(%arg12 : memref<2x16x1024xf32, #tpu.memory_space<vmem>>)
    %dma_wait3A_321 = arith.constant 2 : i32
    %dma_wait3A_322 = arith.constant 0 : i32
    %dma_wait3A_323 = tpu.memref_slice %arg5[%dma_wait3A_321, %add3A_270, %dma_wait3A_322] : memref<4x2048x1024xf32, #tpu.memory_space<hbm>> -> memref<2x16x1024xf32, #tpu.memory_space<hbm>>
    %dma_wait3A_324 = arith.constant 2 : i32
    %dma_wait3A_325 = arith.constant 0 : i32
    %dma_wait3A_326 = tpu.memref_slice %arg5[%dma_wait3A_324, %add3A_270, %dma_wait3A_325] : memref<4x2048x1024xf32, #tpu.memory_space<hbm>> -> memref<2x16x1024xf32, #tpu.memory_space<hbm>>
    tpu.wait_dma2 semaphore(%arg18 : memref<!tpu.dma_semaphore, #tpu.memory_space<semaphore_mem>>) src(%arg12 : memref<2x16x1024xf32, #tpu.memory_space<vmem>>) dst(%dma_wait3A_326 : memref<2x16x1024xf32, #tpu.memory_space<hbm>>)
    %scan3A_327 = arith.constant 0 : i32
    %scan3A_328 = arith.constant 0 : i32
    %scan3A_329 = arith.constant 256 : i32
    %scan3A_330 = arith.addi %scan3A_328, %scan3A_329 : i32
    %scan3A_331 = arith.constant 1 : i32
    %scan3A_332 = scf.for %scan3A_354 = %scan3A_328 to %scan3A_330 step %scan3A_331 iter_args(%scan3A_355 = %scan3A_327) -> (i32)  : i32 {
      %shift_right_logical3A = arith.constant 3 : i32
      %shift_right_logical3A_356 = arith.shrui %scan3A_354, %shift_right_logical3A : i32
      %shift_right_logical3A_357 = arith.constant 4 : i32
      %shift_right_logical3A_358 = arith.shrui %shift_right_logical3A_356, %shift_right_logical3A_357 : i32
      %and3A = arith.constant 15 : i32
      %and3A_359 = arith.andi %shift_right_logical3A_356, %and3A : i32
      %and3A_360 = arith.constant 7 : i32
      %and3A_361 = arith.andi %scan3A_354, %and3A_360 : i32
      %mul3A_362 = arith.constant 128 : i32
      %mul3A_363 = arith.muli %and3A_361, %mul3A_362 : i32
      %add3A_364 = arith.constant 48 : i32
      %add3A_365 = arith.addi %mul3A_2, %add3A_364 : i32
      %add3A_366 = arith.addi %add3A_365, %and3A_359 : i32
      %broadcast_in_dim3A_367 = vector.broadcast %add3A_366 : i32 to vector<16xi32>
      %eq3A = arith.cmpi eq, %broadcast_in_dim3A_367, %get3A_4 : vector<16xi32>
      %add3A_368 = arith.constant 0 : i32
      %add3A_369 = arith.addi %mul3A_363, %add3A_368 : i32
      %get3A_370 = arith.index_cast %and3A_359 : i32 to index
      %get3A_371 = arith.index_cast %add3A_369 : i32 to index
      %get3A_372 = tpu.vector_load %arg9[%get3A_370, %get3A_371] {strides = array<i32>} : memref<16x1024xf32, #tpu.memory_space<vmem>>, vector<1x16xf32>,
      %get3A_373 = vector.shape_cast %get3A_372 : vector<1x16xf32> to vector<16xf32>
      %select_n3A_374 = arith.select %eq3A, %broadcast_in_dim3A_47, %get3A_373 : vector<16xi1>, vector<16xf32>
      %swap3A_375 = arith.index_cast %shift_right_logical3A_358 : i32 to index
      %swap3A_376 = arith.index_cast %and3A_359 : i32 to index
      %swap3A_377 = arith.index_cast %add3A_369 : i32 to index
      %swap3A_378 = tpu.vector_load %arg12[%swap3A_375, %swap3A_376, %swap3A_377] {strides = array<i32>} : memref<2x16x1024xf32, #tpu.memory_space<vmem>>, vector<1x1x16xf32>,
      %swap3A_379 = vector.shape_cast %swap3A_378 : vector<1x1x16xf32> to vector<16xf32>
      %swap3A_380 = vector.shape_cast %select_n3A_374 : vector<16xf32> to vector<1x1x16xf32>
      tpu.vector_store %arg12[%swap3A_375, %swap3A_376, %swap3A_377], %swap3A_380 {add = true, strides = array<i32>} : memref<2x16x1024xf32, #tpu.memory_space<vmem>>, vector<1x1x16xf32>,
      %add3A_381 = arith.constant 16 : i32
      %add3A_382 = arith.addi %mul3A_363, %add3A_381 : i32
      %get3A_383 = arith.index_cast %and3A_359 : i32 to index
      %get3A_384 = arith.index_cast %add3A_382 : i32 to index
      %get3A_385 = tpu.vector_load %arg9[%get3A_383, %get3A_384] {strides = array<i32>} : memref<16x1024xf32, #tpu.memory_space<vmem>>, vector<1x16xf32>,
      %get3A_386 = vector.shape_cast %get3A_385 : vector<1x16xf32> to vector<16xf32>
      %select_n3A_387 = arith.select %eq3A, %broadcast_in_dim3A_47, %get3A_386 : vector<16xi1>, vector<16xf32>
      %swap3A_388 = arith.index_cast %shift_right_logical3A_358 : i32 to index
      %swap3A_389 = arith.index_cast %and3A_359 : i32 to index
      %swap3A_390 = arith.index_cast %add3A_382 : i32 to index
      %swap3A_391 = tpu.vector_load %arg12[%swap3A_388, %swap3A_389, %swap3A_390] {strides = array<i32>} : memref<2x16x1024xf32, #tpu.memory_space<vmem>>, vector<1x1x16xf32>,
      %swap3A_392 = vector.shape_cast %swap3A_391 : vector<1x1x16xf32> to vector<16xf32>
      %swap3A_393 = vector.shape_cast %select_n3A_387 : vector<16xf32> to vector<1x1x16xf32>
      tpu.vector_store %arg12[%swap3A_388, %swap3A_389, %swap3A_390], %swap3A_393 {add = true, strides = array<i32>} : memref<2x16x1024xf32, #tpu.memory_space<vmem>>, vector<1x1x16xf32>,
      %add3A_394 = arith.constant 32 : i32
      %add3A_395 = arith.addi %mul3A_363, %add3A_394 : i32
      %get3A_396 = arith.index_cast %and3A_359 : i32 to index
      %get3A_397 = arith.index_cast %add3A_395 : i32 to index
      %get3A_398 = tpu.vector_load %arg9[%get3A_396, %get3A_397] {strides = array<i32>} : memref<16x1024xf32, #tpu.memory_space<vmem>>, vector<1x16xf32>,
      %get3A_399 = vector.shape_cast %get3A_398 : vector<1x16xf32> to vector<16xf32>
      %select_n3A_400 = arith.select %eq3A, %broadcast_in_dim3A_47, %get3A_399 : vector<16xi1>, vector<16xf32>
      %swap3A_401 = arith.index_cast %shift_right_logical3A_358 : i32 to index
      %swap3A_402 = arith.index_cast %and3A_359 : i32 to index
      %swap3A_403 = arith.index_cast %add3A_395 : i32 to index
      %swap3A_404 = tpu.vector_load %arg12[%swap3A_401, %swap3A_402, %swap3A_403] {strides = array<i32>} : memref<2x16x1024xf32, #tpu.memory_space<vmem>>, vector<1x1x16xf32>,
      %swap3A_405 = vector.shape_cast %swap3A_404 : vector<1x1x16xf32> to vector<16xf32>
      %swap3A_406 = vector.shape_cast %select_n3A_400 : vector<16xf32> to vector<1x1x16xf32>
      tpu.vector_store %arg12[%swap3A_401, %swap3A_402, %swap3A_403], %swap3A_406 {add = true, strides = array<i32>} : memref<2x16x1024xf32, #tpu.memory_space<vmem>>, vector<1x1x16xf32>,
      %add3A_407 = arith.constant 48 : i32
      %add3A_408 = arith.addi %mul3A_363, %add3A_407 : i32
      %get3A_409 = arith.index_cast %and3A_359 : i32 to index
      %get3A_410 = arith.index_cast %add3A_408 : i32 to index
      %get3A_411 = tpu.vector_load %arg9[%get3A_409, %get3A_410] {strides = array<i32>} : memref<16x1024xf32, #tpu.memory_space<vmem>>, vector<1x16xf32>,
      %get3A_412 = vector.shape_cast %get3A_411 : vector<1x16xf32> to vector<16xf32>
      %select_n3A_413 = arith.select %eq3A, %broadcast_in_dim3A_47, %get3A_412 : vector<16xi1>, vector<16xf32>
      %swap3A_414 = arith.index_cast %shift_right_logical3A_358 : i32 to index
      %swap3A_415 = arith.index_cast %and3A_359 : i32 to index
      %swap3A_416 = arith.index_cast %add3A_408 : i32 to index
      %swap3A_417 = tpu.vector_load %arg12[%swap3A_414, %swap3A_415, %swap3A_416] {strides = array<i32>} : memref<2x16x1024xf32, #tpu.memory_space<vmem>>, vector<1x1x16xf32>,
      %swap3A_418 = vector.shape_cast %swap3A_417 : vector<1x1x16xf32> to vector<16xf32>
      %swap3A_419 = vector.shape_cast %select_n3A_413 : vector<16xf32> to vector<1x1x16xf32>
      tpu.vector_store %arg12[%swap3A_414, %swap3A_415, %swap3A_416], %swap3A_419 {add = true, strides = array<i32>} : memref<2x16x1024xf32, #tpu.memory_space<vmem>>, vector<1x1x16xf32>,
      %add3A_420 = arith.constant 64 : i32
      %add3A_421 = arith.addi %mul3A_363, %add3A_420 : i32
      %get3A_422 = arith.index_cast %and3A_359 : i32 to index
      %get3A_423 = arith.index_cast %add3A_421 : i32 to index
      %get3A_424 = tpu.vector_load %arg9[%get3A_422, %get3A_423] {strides = array<i32>} : memref<16x1024xf32, #tpu.memory_space<vmem>>, vector<1x16xf32>,
      %get3A_425 = vector.shape_cast %get3A_424 : vector<1x16xf32> to vector<16xf32>
      %select_n3A_426 = arith.select %eq3A, %broadcast_in_dim3A_47, %get3A_425 : vector<16xi1>, vector<16xf32>
      %swap3A_427 = arith.index_cast %shift_right_logical3A_358 : i32 to index
      %swap3A_428 = arith.index_cast %and3A_359 : i32 to index
      %swap3A_429 = arith.index_cast %add3A_421 : i32 to index
      %swap3A_430 = tpu.vector_load %arg12[%swap3A_427, %swap3A_428, %swap3A_429] {strides = array<i32>} : memref<2x16x1024xf32, #tpu.memory_space<vmem>>, vector<1x1x16xf32>,
      %swap3A_431 = vector.shape_cast %swap3A_430 : vector<1x1x16xf32> to vector<16xf32>
      %swap3A_432 = vector.shape_cast %select_n3A_426 : vector<16xf32> to vector<1x1x16xf32>
      tpu.vector_store %arg12[%swap3A_427, %swap3A_428, %swap3A_429], %swap3A_432 {add = true, strides = array<i32>} : memref<2x16x1024xf32, #tpu.memory_space<vmem>>, vector<1x1x16xf32>,
      %add3A_433 = arith.constant 80 : i32
      %add3A_434 = arith.addi %mul3A_363, %add3A_433 : i32
      %get3A_435 = arith.index_cast %and3A_359 : i32 to index
      %get3A_436 = arith.index_cast %add3A_434 : i32 to index
      %get3A_437 = tpu.vector_load %arg9[%get3A_435, %get3A_436] {strides = array<i32>} : memref<16x1024xf32, #tpu.memory_space<vmem>>, vector<1x16xf32>,
      %get3A_438 = vector.shape_cast %get3A_437 : vector<1x16xf32> to vector<16xf32>
      %select_n3A_439 = arith.select %eq3A, %broadcast_in_dim3A_47, %get3A_438 : vector<16xi1>, vector<16xf32>
      %swap3A_440 = arith.index_cast %shift_right_logical3A_358 : i32 to index
      %swap3A_441 = arith.index_cast %and3A_359 : i32 to index
      %swap3A_442 = arith.index_cast %add3A_434 : i32 to index
      %swap3A_443 = tpu.vector_load %arg12[%swap3A_440, %swap3A_441, %swap3A_442] {strides = array<i32>} : memref<2x16x1024xf32, #tpu.memory_space<vmem>>, vector<1x1x16xf32>,
      %swap3A_444 = vector.shape_cast %swap3A_443 : vector<1x1x16xf32> to vector<16xf32>
      %swap3A_445 = vector.shape_cast %select_n3A_439 : vector<16xf32> to vector<1x1x16xf32>
      tpu.vector_store %arg12[%swap3A_440, %swap3A_441, %swap3A_442], %swap3A_445 {add = true, strides = array<i32>} : memref<2x16x1024xf32, #tpu.memory_space<vmem>>, vector<1x1x16xf32>,
      %add3A_446 = arith.constant 96 : i32
      %add3A_447 = arith.addi %mul3A_363, %add3A_446 : i32
      %get3A_448 = arith.index_cast %and3A_359 : i32 to index
      %get3A_449 = arith.index_cast %add3A_447 : i32 to index
      %get3A_450 = tpu.vector_load %arg9[%get3A_448, %get3A_449] {strides = array<i32>} : memref<16x1024xf32, #tpu.memory_space<vmem>>, vector<1x16xf32>,
      %get3A_451 = vector.shape_cast %get3A_450 : vector<1x16xf32> to vector<16xf32>
      %select_n3A_452 = arith.select %eq3A, %broadcast_in_dim3A_47, %get3A_451 : vector<16xi1>, vector<16xf32>
      %swap3A_453 = arith.index_cast %shift_right_logical3A_358 : i32 to index
      %swap3A_454 = arith.index_cast %and3A_359 : i32 to index
      %swap3A_455 = arith.index_cast %add3A_447 : i32 to index
      %swap3A_456 = tpu.vector_load %arg12[%swap3A_453, %swap3A_454, %swap3A_455] {strides = array<i32>} : memref<2x16x1024xf32, #tpu.memory_space<vmem>>, vector<1x1x16xf32>,
      %swap3A_457 = vector.shape_cast %swap3A_456 : vector<1x1x16xf32> to vector<16xf32>
      %swap3A_458 = vector.shape_cast %select_n3A_452 : vector<16xf32> to vector<1x1x16xf32>
      tpu.vector_store %arg12[%swap3A_453, %swap3A_454, %swap3A_455], %swap3A_458 {add = true, strides = array<i32>} : memref<2x16x1024xf32, #tpu.memory_space<vmem>>, vector<1x1x16xf32>,
      %add3A_459 = arith.constant 112 : i32
      %add3A_460 = arith.addi %mul3A_363, %add3A_459 : i32
      %get3A_461 = arith.index_cast %and3A_359 : i32 to index
      %get3A_462 = arith.index_cast %add3A_460 : i32 to index
      %get3A_463 = tpu.vector_load %arg9[%get3A_461, %get3A_462] {strides = array<i32>} : memref<16x1024xf32, #tpu.memory_space<vmem>>, vector<1x16xf32>,
      %get3A_464 = vector.shape_cast %get3A_463 : vector<1x16xf32> to vector<16xf32>
      %select_n3A_465 = arith.select %eq3A, %broadcast_in_dim3A_47, %get3A_464 : vector<16xi1>, vector<16xf32>
      %swap3A_466 = arith.index_cast %shift_right_logical3A_358 : i32 to index
      %swap3A_467 = arith.index_cast %and3A_359 : i32 to index
      %swap3A_468 = arith.index_cast %add3A_460 : i32 to index
      %swap3A_469 = tpu.vector_load %arg12[%swap3A_466, %swap3A_467, %swap3A_468] {strides = array<i32>} : memref<2x16x1024xf32, #tpu.memory_space<vmem>>, vector<1x1x16xf32>,
      %swap3A_470 = vector.shape_cast %swap3A_469 : vector<1x1x16xf32> to vector<16xf32>
      %swap3A_471 = vector.shape_cast %select_n3A_465 : vector<16xf32> to vector<1x1x16xf32>
      tpu.vector_store %arg12[%swap3A_466, %swap3A_467, %swap3A_468], %swap3A_471 {add = true, strides = array<i32>} : memref<2x16x1024xf32, #tpu.memory_space<vmem>>, vector<1x1x16xf32>,
      %scan3A_472 = arith.constant 0 : i32
      scf.yield %scan3A_472 : i32
    }
    %scan3A_333 = arith.constant 256 : i32
    %add3A_334 = arith.constant 48 : i32
    %add3A_335 = arith.addi %mul3A_2, %add3A_334 : i32
    %dma_start3A_336 = arith.constant 2 : i32
    %dma_start3A_337 = arith.constant 0 : i32
    %dma_start3A_338 = tpu.memref_slice %arg5[%dma_start3A_336, %add3A_335, %dma_start3A_337] : memref<4x2048x1024xf32, #tpu.memory_space<hbm>> -> memref<2x16x1024xf32, #tpu.memory_space<hbm>>
    %dma_start3A_339 = arith.constant 2 : i32
    %dma_start3A_340 = arith.constant 0 : i32
    %dma_start3A_341 = tpu.memref_slice %arg5[%dma_start3A_339, %add3A_335, %dma_start3A_340] : memref<4x2048x1024xf32, #tpu.memory_space<hbm>> -> memref<2x16x1024xf32, #tpu.memory_space<hbm>>
    tpu.enqueue_dma source(%arg12 : memref<2x16x1024xf32, #tpu.memory_space<vmem>>) target(%dma_start3A_341 : memref<2x16x1024xf32, #tpu.memory_space<hbm>>) target_semaphore(%arg18 : memref<!tpu.dma_semaphore, #tpu.memory_space<semaphore_mem>>)
    %dma_wait3A_342 = arith.constant 0 : i32
    %dma_wait3A_343 = arith.constant 0 : i32
    %dma_wait3A_344 = tpu.memref_slice %arg5[%dma_wait3A_342, %add3A_308, %dma_wait3A_343] : memref<4x2048x1024xf32, #tpu.memory_space<hbm>> -> memref<2x16x1024xf32, #tpu.memory_space<hbm>>
    %dma_wait3A_345 = arith.constant 0 : i32
    %dma_wait3A_346 = arith.constant 0 : i32
    %dma_wait3A_347 = tpu.memref_slice %arg5[%dma_wait3A_345, %add3A_308, %dma_wait3A_346] : memref<4x2048x1024xf32, #tpu.memory_space<hbm>> -> memref<2x16x1024xf32, #tpu.memory_space<hbm>>
    tpu.wait_dma2 semaphore(%arg17 : memref<!tpu.dma_semaphore, #tpu.memory_space<semaphore_mem>>) src(%arg11 : memref<2x16x1024xf32, #tpu.memory_space<vmem>>) dst(%dma_wait3A_347 : memref<2x16x1024xf32, #tpu.memory_space<hbm>>)
    %dma_wait3A_348 = arith.constant 2 : i32
    %dma_wait3A_349 = arith.constant 0 : i32
    %dma_wait3A_350 = tpu.memref_slice %arg5[%dma_wait3A_348, %add3A_335, %dma_wait3A_349] : memref<4x2048x1024xf32, #tpu.memory_space<hbm>> -> memref<2x16x1024xf32, #tpu.memory_space<hbm>>
    %dma_wait3A_351 = arith.constant 2 : i32
    %dma_wait3A_352 = arith.constant 0 : i32
    %dma_wait3A_353 = tpu.memref_slice %arg5[%dma_wait3A_351, %add3A_335, %dma_wait3A_352] : memref<4x2048x1024xf32, #tpu.memory_space<hbm>> -> memref<2x16x1024xf32, #tpu.memory_space<hbm>>
    tpu.wait_dma2 semaphore(%arg18 : memref<!tpu.dma_semaphore, #tpu.memory_space<semaphore_mem>>) src(%arg12 : memref<2x16x1024xf32, #tpu.memory_space<vmem>>) dst(%dma_wait3A_353 : memref<2x16x1024xf32, #tpu.memory_space<hbm>>)
    return
  }
}

</mosaic_0001>

<sc_bundles>
// kernel: kernel.3.cloned.1.call-start
scs
__scs_entry_jumppad:
0x0: {  	(pc) =	sbr.rel $0x88, $3  }
0x1: {  	(tag) =	ssettag $0x0;
	lr =	simm.s32 $0x1  }
0x2: {  	[smem:$0x3F9E] =	sst lr;
	_ =	strace $0xD0000000  }
0x3: {  	_ = 	snop  }
0x4: {  	_ = 	snop  }
0x5: {  	_ = 	snop  }
0x6: {  	_ = 	snop  }
0x7: {  	_ = 	snop  }
__scs_overlays_trampoline_lowered:
0x8: {  	[smem:$0x3FAD] =	sst s0  }
0x9: {  	[smem:$0x3FAE] =	sst s1  }
0xa: {  	[smem:$0x3FAF] =	sst s2  }
0xb: {  	[smem:$0x3FB0] =	sst s3  }
0xc: {  	[smem:$0x3FB1] =	sst s4  }
0xd: {  	[smem:$0x3FB2] =	sst s5  }
0xe: {  	[smem:$0x3FB3] =	sst s6  }
0xf: {  	[smem:$0x3FB4] =	sst s7  }
0x10: {  	[smem:$0x3FB5] =	sst s8  }
0x11: {  	[smem:$0x3FB6] =	sst s9;
	s0 =	simm.s32 @!p0 $0x0  }
0x12: {  	s1 =	sld [smem:$0x3F9C];
	s0 =	simm.s32 @p0 $0x1  }
0x13: {  	[smem:$0x3FB7] =	sst s0;
	s0 =	simm.s32 @!p1 $0x0  }
0x14: {  	s2 =	sld [smem:$0x3F9B];
	s0 =	simm.s32 @p1 $0x1  }
0x15: {  	[smem:$0x3FB8] =	sst s0;
	s0 =	simm.s32 @!p2 $0x0  }
0x16: {  	s3 =	sld [smem:$0x3FDB];
	s0 =	simm.s32 @p2 $0x1  }
0x17: {  	s4 =	simm.s32 $0x1BF5;
	[smem:$0x3FBA] =	sst s0  }
0x18: {  	s0 =	sld [smem:$0x3F9D];
	_ =	swait.ge [sflag:s4], $0x0  }
0x19: {  	s7 =	sld [smem:$0x3F9E]  }
0x1a: {  	s8 =	sadd.s32 $0xFFFFE003, lr  }
0x1b: {  	s9 =	sadd.s32 $0xFFFFFEF7, lr;
	s5 =	simm.s32 $0xFFFFFFFF;
	p2 =	slt.u32 s8, $0xFFFFF086  }
0x1c: {  	p1 =	slt.u32 s9, $0xF7A;
	s5 =	simm.s32 @!p2 $0x0  }
0x1d: {  	s5 =	simm.s32 @p1 $0x1;
	p0 =	seq.s32 s7, s2  }
0x1e: {  	s7 =	smul.u32 @!p0 $0xF7A, s2;
	p2 =	seq.s32 @!p0 s5, $0x0  }
0x1f: {  	s9 =	smul.u32 $0xF7A, s1;
	s8 =	simm.s32 @!p0 $0x1BF5;
	p2 =	por !p2, p0  }
0x20: {  	[sflag:s8] =	ssyncset.s32 @!p0 $0xFFFFF086;
	s6 =	sadd.s32 @!p0 s3, s7;
	s7 =	simm.s32 @!p0 $0x108  }
0x21: {  	s3 =	sadd.s32 s3, s9;
	s6 =	sadd.s32 @!p0 $0x88, s6;
	s7 =	simm.s32 @p2 $0x1082  }
0x22: {  	[simem:s7], [sflag:s8] =	dma.local @!p0 [hbm:s6], $0xF7A  }
0x23: {  	s9 =	sor.u32 $0xD0000000, s2;
	s6 =	simm.s32 $0x108;
	_ =	swait.ge @!p0 [sflag:s8], $0x0  }
0x24: {  	s3 =	sadd.s32 $0x88, s3;
	s6 =	simm.s32 @!p1 $0x1082;
	[sflag:s4] =	ssyncset.s32 $0xFFFFF086  }
0x25: {  	[simem:s6], [sflag:s4] =	dma.local [hbm:s3], $0xF7A  }
0x26: {  	[smem:$0x3F9E] =	sst s1;
	(tag) =	ssettag s2;
	_ =	strace s9  }
0x27: {  	s1 =	sld [smem:$0x3FAE]  }
0x28: {  	s2 =	sld [smem:$0x3FAF]  }
0x29: {  	s4 =	sld [smem:$0x3FB1]  }
0x2a: {  	p0 =	seq.s32 s5, $0x0;
	s5 =	sld [smem:$0x3FB2]  }
0x2b: {  	s6 =	sld [smem:$0x3FB3]  }
0x2c: {  	s7 =	sld [smem:$0x3FB4]  }
0x2d: {  	s3 =	simm.s32 $0x108;
	s8 =	sld [smem:$0x3FB5]  }
0x2e: {  	s3 =	simm.s32 @!p0 $0x1082;
	s9 =	sld [smem:$0x3FB6]  }
0x2f: {  	lr =	sadd.s32 s0, s3;
	s0 =	sld [smem:$0x3FAD]  }
0x30: {  	s3 =	sld [smem:$0x3FB0]  }
0x31: {  	[smem:$0x3FB9] =	sst s10  }
0x32: {  	s10 =	sld [smem:$0x3FB7];
	_ =	sdelay $0x3  }
0x33: {  	p0 =	seq.s32 s10, $0x1;
	s10 =	sld [smem:$0x3FB9];
	_ =	sdelay $0x3  }
0x34: {  	[smem:$0x3FB9] =	sst s10  }
0x35: {  	s10 =	sld [smem:$0x3FB8];
	_ =	sdelay $0x3  }
0x36: {  	p1 =	seq.s32 s10, $0x1;
	s10 =	sld [smem:$0x3FB9];
	_ =	sdelay $0x3  }
0x37: {  	[smem:$0x3FB9] =	sst s10  }
0x38: {  	s10 =	sld [smem:$0x3FBA]  }
0x39: {  	_ = 	snop;
	(pc) =	sbr.ind lr, $3  }
0x3a: {  	_ = 	snop  }
0x3b: {  	_ = 	snop  }
0x3c: {  	p2 =	seq.s32 s10, $0x1;
	s10 =	sld [smem:$0x3FB9]  }
0x3d: {  	_ =	shalt  }
0x3e: {  	_ =	shalt  }
0x3f: {  	_ =	shalt  }
0x40: {  	_ =	shalt  }
0x41: {  	_ =	shalt  }
0x42: {  	_ =	shalt  }
0x43: {  	_ =	shalt  }
0x44: {  	_ =	shalt  }
0x45: {  	_ =	shalt  }
0x46: {  	_ =	shalt  }
0x47: {  	_ =	shalt  }
0x48: {  	_ =	shalt  }
0x49: {  	_ =	shalt  }
0x4a: {  	_ =	shalt  }
0x4b: {  	_ =	shalt  }
0x4c: {  	_ =	shalt  }
0x4d: {  	_ =	shalt  }
0x4e: {  	_ =	shalt  }
0x4f: {  	_ =	shalt  }
0x50: {  	_ =	shalt  }
0x51: {  	_ =	shalt  }
0x52: {  	_ =	shalt  }
0x53: {  	_ =	shalt  }
0x54: {  	_ =	shalt  }
0x55: {  	_ =	shalt  }
0x56: {  	_ =	shalt  }
0x57: {  	_ =	shalt  }
0x58: {  	_ =	shalt  }
0x59: {  	_ =	shalt  }
0x5a: {  	_ =	shalt  }
0x5b: {  	_ =	shalt  }
0x5c: {  	_ =	shalt  }
0x5d: {  	_ =	shalt  }
0x5e: {  	_ =	shalt  }
0x5f: {  	_ =	shalt  }
0x60: {  	_ =	shalt  }
0x61: {  	_ =	shalt  }
0x62: {  	_ =	shalt  }
0x63: {  	_ =	shalt  }
0x64: {  	_ =	shalt  }
0x65: {  	_ =	shalt  }
0x66: {  	_ =	shalt  }
0x67: {  	_ =	shalt  }
0x68: {  	_ =	shalt  }
0x69: {  	_ =	shalt  }
0x6a: {  	_ =	shalt  }
0x6b: {  	_ =	shalt  }
0x6c: {  	_ =	shalt  }
0x6d: {  	_ =	shalt  }
0x6e: {  	_ =	shalt  }
0x6f: {  	_ =	shalt  }
0x70: {  	_ =	shalt  }
0x71: {  	_ =	shalt  }
0x72: {  	_ =	shalt  }
0x73: {  	_ =	shalt  }
0x74: {  	_ =	shalt  }
0x75: {  	_ =	shalt  }
0x76: {  	_ =	shalt  }
0x77: {  	_ =	shalt  }
0x78: {  	_ =	shalt  }
0x79: {  	_ =	shalt  }
0x7a: {  	_ =	shalt  }
0x7b: {  	_ =	shalt  }
0x7c: {  	_ =	shalt  }
0x7d: {  	_ =	shalt  }
0x7e: {  	_ =	shalt  }
0x7f: {  	_ =	shalt  }
0x80: {  	_ =	shalt  }
0x81: {  	_ =	shalt  }
0x82: {  	_ =	shalt  }
0x83: {  	_ =	shalt  }
0x84: {  	_ =	shalt  }
0x85: {  	_ =	shalt  }
0x86: {  	_ =	shalt  }
0x87: {  	_ =	shalt  }
.Lfunc_end0:
.L_simem_size_0:
called_computation_lowered:
.L_overlay_start_0:
0x88: {  	s2 =	sld [smem:$0x3FD9]  }
0x89: {  	s3 =	sld [smem:$0x3FFE];
	_ =	sdelay $0x1  }
0x8a: {  	s1 =	srdreg.scid  }
0x8b: {  	s0 =	sand.u32 $0x1, s1  }
0x8c: {  	s17 =	sshll.u32 s0, $0xA;
	s2 =	sadd.s32 s3, s2  }
0x8d: {  	s2 =	sadd.s32 s2, s17  }
0x8e: {  	[smem:$0x3FC5] =	sst s2  }
0x8f: {  	_ = 	snop  }
0x90: {  	s2 =	sld [smem:$0x3FC9]  }
0x91: {  	s18 =	sld [smem:$0x3FC7]  }
0x92: {  	s4 =	sld [smem:$0x3FD0];
	(tm) =	ssettm $0x1  }
0x93: {  	s5 =	sld [smem:$0x3FFB];
	_ =	sdelay $0x3  }
0x94: {  	_ =	strace s5  }
0x95: {  	s5 =	sld [smem:$0x3FFC];
	_ =	sdelay $0x3  }
0x96: {  	_ =	strace s5  }
0x97: {  	s5 =	sld [smem:$0x3FFD];
	_ =	sdelay $0x3  }
0x98: {  	_ =	strace s5  }
0x99: {  	_ =	strace $0x8FFFFFFF  }
0x9a: {  	s19 =	sld [smem:$0x3FDB];
	_ =	sdelay $0x1  }
0x9b: {  	s6 =	simm.s32 $_scs_section_size  }
0x9c: {  	s7 =	simm.s32 $_size__tile_overlayer_lowered;
	s8 =	simm.s32 $_tile_overlayer_lowered  }
0x9d: {  	s22 =	simm.s32 $0x1BFF;
	s21 =	sshll.u32 s8, $0x1;
	s5 =	sadd.s32 s6, s19  }
0x9e: {  	s9 =	simm.s32 $0x0;
	s20 =	sshll.u32 s7, $0x1;
	s7 =	sadd.s32 s21, s5  }
0x9f: {  	[timem:s9], [sflag:s22] =	dma.local [hbm:s7], s20  }
0xa0: {  	_ =	swait.ge [sflag:s22], s20  }
0xa1: {  	s6 =	ssub.s32 $0x0, s20;
	[sflag:s22] =	ssyncset.done $0x0  }
0xa2: {  	[sflag:s22] =	ssyncadd.s32 s6;
	_ =	sdelay $0x1  }
0xa3: {  	s23 =	simm.s32 $0x1B8B  }
0xa4: {  	_ =	swait.ge [sflag:s23], $0x1  }
0xa5: {  	[sflag:s23] =	ssyncset.done $0x0  }
0xa6: {  	s25 =	simm.s32 $0x1B8E;
	s24 =	sld [smem:$0x3FFE];
	[sflag:s23] =	ssyncadd.s32 $0xFFFFFFFF  }
0xa7: {  	s26 =	simm.s32 $execute0_lowered;
	[smem:$0x3FD2] =	sst s25  }
0xa8: {  	s7 =	sshll.u32 s26, $0x1;
	_ =	strace $0x80000046;
	[dreg:$0x1] =	wrdreg $0xFFFFFFFF  }
0xa9: {  	s28 =	simm.s32 $_size_execute0_lowered;
	s5 =	sadd.s32 s5, s7;
	[dreg:$0x0] =	wrdreg $0x0  }
0xaa: {  	s7 =	sshll.u32 s28, $0x1;
	[dreg:$0x2] =	wrdreg s5  }
0xab: {  	[dreg:$0x3] =	wrdreg s7  }
0xac: {  	[dreg:$0x4] =	wrdreg $0xC0  }
0xad: {  	_ =	task [dreg:s9], $0x5FFFF  }
0xae: {  	[dreg:$0x1] =	wrdreg $0xFFFFFFFF  }
0xaf: {  	[dreg:$0x0] =	wrdreg $0x60  }
0xb0: {  	[dreg:$0x2] =	wrdreg s2  }
0xb1: {  	[dreg:$0x3] =	wrdreg s24  }
0xb2: {  	[dreg:$0x4] =	wrdreg s18  }
0xb3: {  	[dreg:$0x5] =	wrdreg s4  }
0xb4: {  	[dreg:$0x6] =	wrdreg $0x9  }
0xb5: {  	_ =	task.clear_ibuf [dreg:s9], $0x7FFFF;
	_ =	strace $0x90000046  }
0xb6: {  	s29 =	simm.s32 $0x9;
	_ =	strace $0x80000048  }
0xb7: {  	_ =	swait.ge [sflag:s29], $0x1  }
0xb8: {  	[sflag:s29] =	ssyncadd.s32 $0xFFFFFFFF  }
0xb9: {  	_ =	strace $0x90000048  }
0xba: {  	_ =	sfence  }
0xbb: {  	s30 =	sld [smem:$0x0];
	_ =	sdelay $0x2  }
0xbc: {  	s31 =	sshll.u32 s1, $0xD;
	s1 =	sshrl.u32 s1, $0x2  }
0xbd: {  	s3 =	sand.u32 $0x4000, s31;
	s1 =	sadd.s32 s1, s30  }
0xbe: {  	s0 =	sor.u32 s3, s0;
	s1 =	sshll.u32 s1, $0x11  }
0xbf: {  	s0 =	sor.u32 s1, s0  }
0xc0: {  	s0 =	sadd.s32 $0x8F2B, s0  }
0xc1: {  	[sflag:s0] =	ssyncadd.remote.s32 $0x1  }
0xc2: {  	_ =	sfence.sel $0xFFFF  }
0xc3: {  	[dreg:$0x0] =	wrdreg $0xFFFFFFFF;
	(pc) =	sbr.abs _section_cstart, $3  }
0xc4: {  	[dreg:$0x1] =	wrdreg $0xFFFFFFFF  }
0xc5: {  	_ =	task.clear_ibuf [dreg:s9], $0x2FFFF;
	_ =	strace $0x9FFFFFFF  }
0xc6: {  	(tm) =	ssettm $0x7FFFFFFF  }
0xc7: {  	_ =	shalt  }
tec
execute0_lowered:
.L_overlay_start_1:
0x0: {  	(tag) =	ssettag $0x1  }
0x1: {  	s0 =	rddreg [dreg:$0x0]  }
0x2: {  	s5 =	rddreg [dreg:$0x1];
	s2 =	srdreg.scid  }
0x3: {  	s1 =	rddreg [dreg:$0x2];
	s7 =	stileid.u32  }
0x4: {  	s6 =	rddreg [dreg:$0x3];
	s31 =	simm.s32 $0x7;
	s30 =	simm.s32 $0x2  }
0x5: {  	s3 =	sand.u32 $0x1, s2;
	s7 =	sshll.u32 s7, $0x6;
	s2 =	simm.s32 $0x0  }
0x6: {  	s26 =	sadd.s32 $0x400, s5;
	s28 =	sadd.s32 $0x200, s1;
	s4 =	sshll.u32 s3, $0xA  }
0x7: {  	s29 =	sadd.s32 $0x300, s1;
	s8 =	ssub.s32 $0x2, s3;
	s3 =	sor.u32 s7, s4  }
0x8: {  	s5 =	simm.s32 $0x6;
	[smem:$0x7FF] =	sst s2;
	s7 =	sshll.u32 s3, $0x7  }
0x9: {  	s12 =	sshrl.u32 s8, $0x1;
	s4 =	sor.u32 $0x10, s3;
	s9 =	sadd.s32 s0, s7  }
0xa: {  	s10 =	sor.u32 $0x80000, s7;
	s7 =	sadd.s32 s6, s7;
	[dreg:$0x5] =	wrdreg s9  }
0xb: {  	s11 =	sshll.u32 s4, $0x7;
	s13 =	sadd.s32 s0, s10;
	[dreg:$0x7] =	wrdreg s7  }
0xc: {  	s8 =	ssub.s32 s8, s12;
	s14 =	sadd.s32 s0, s11;
	[dreg:$0x6] =	wrdreg s13  }
0xd: {  	s9 =	sor.u32 $0x20, s3;
	s15 =	sadd.s32 s6, s10;
	[dreg:$0x8] =	wrdreg s14  }
0xe: {  	s16 =	sor.u32 $0x80000, s11;
	s11 =	sadd.s32 s6, s11;
	[dreg:$0x9] =	wrdreg s15  }
0xf: {  	s17 =	sshll.u32 s9, $0x7;
	s12 =	sadd.s32 s0, s16;
	[dreg:$0xb] =	wrdreg s11  }
0x10: {  	s7 =	sadd.s32 s6, s16;
	s15 =	sor.u32 $0x30, s3;
	[dreg:$0xa] =	wrdreg s12  }
0x11: {  	s13 =	simm.s32 $0x4000;
	s18 =	sadd.s32 s0, s17;
	[dreg:$0xd] =	wrdreg s7  }
0x12: {  	s19 =	sor.u32 $0x80000, s17;
	s10 =	sadd.s32 s6, s17;
	[dreg:$0xc] =	wrdreg s18  }
0x13: {  	s21 =	sshll.u32 s15, $0x7;
	s20 =	sadd.s32 s0, s19;
	[dreg:$0xf] =	wrdreg s10  }
0x14: {  	s14 =	simm.s32 $0x8180;
	s22 =	sadd.s32 s0, s21;
	[dreg:$0xe] =	wrdreg s20  }
0x15: {  	s16 =	simm.s32 $0x4;
	s7 =	sadd.s32 s6, s19;
	[dreg:$0x10] =	wrdreg s22  }
0x16: {  	s23 =	sor.u32 $0x80000, s21;
	s24 =	sadd.s32 s6, s21;
	[dreg:$0x11] =	wrdreg s7  }
0x17: {  	s11 =	simm.s32 $0x0;
	s0 =	sadd.s32 s0, s23;
	[dreg:$0x13] =	wrdreg s24  }
0x18: {  	v6 =	vlaneseq.u32;
	s17 =	simm.s32 $0x5;
	s25 =	sadd.s32 s6, s23;
	[dreg:$0x12] =	wrdreg s0  }
0x19: {  	vm0 =	vmmov $0xffff;
	v4 =	vand.u32 $0x7, v6;
	v5 =	vshrl.u32 v6, $0x3;
	s18 =	simm.s32 $0x10180;
	s10 =	simm.s32 $0x3;
	[dreg:$0x14] =	wrdreg s25  }
0x1a: {  	v5 =	vmul.u32 $0x8, v5;
	v0 =	vor.u32 s3, v6;
	v1 =	vor.u32 s4, v6;
	s25 =	smax.u32 s8, $0x1;
	s8 =	simm.s32 $0x200000;
	s0 =	simm.s32 $0x1  }
0x1b: {  	v2 =	vor.u32 s9, v6;
	v3 =	vor.u32 s15, v6;
	v6 =	vor.u32 $0x8, v6;
	_ =	strace $0x80000047;
	[dreg:$0x15] =	wrdreg s26;
	s26 =	sadd.s32 $0x100, s1  }
.LBB2_1:
0x1c: {  	s6 =	rddreg [dreg:$0x15];
	s7 =	simm.s32 $0x8100  }
0x1d: {  	[tilespmem:s7], [sflag:$0x7] =	stream.linear.gather [hbm4b:s6+s2], $0x80, $0x38;
	[tilespmem:$0x18180] =	vst v63  }
0x1e: {  	_ =	swait.ge [sflag:s31], $0x80  }
0x1f: {  	[sflag:s31] =	ssyncset.done $0x0  }
0x20: {  	[sflag:s31] =	ssyncadd.s32 $0xFFFFFF80  }
0x21: {  	v7 =	vld [tilespmem:$0x8100];
	_ =	sdelay $0x4  }
0x22: {  	vm1 =	vlt.s32 v0, v7  }
0x23: {  	v8 =	vnsel vm1, $0x7FF, v0  }
0x24: {  	v9 =	vshll.u32 v8, $0x3  }
0x25: {  	v10 =	vand.u32 $0x7, v8;
	v9 =	vand.u32 $0x7FFFFFC0, v9  }
0x26: {  	v9 =	vor.u32 v10, v9  }
0x27: {  	v10 =	vperm.xlane v9, v4;
	_ =	sdelay $0x1  }
0x28: {  	v10 =	vadd.s32 v5, v10;
	_ =	sdelay $0x3  }
0x29: {  	s19 =	simm.s32 $0x100;
	[tilespmem:$0x0] =	vst v8  }
0x2a: {  	[tilespmem:s19], [sflag:$0x1] =	stream.indirect_vreg.gather [hbm4b:s1+s2], $0x80, v10, vm0, $0xb8;
	[tilespmem:$0x18180] =	vst v63  }
0x2b: {  	s20 =	simm.s32 $0x900;
	v8 =	vperm.xlane v9, v6  }
0x2c: {  	[tilespmem:s20], [sflag:$0x1] =	stream.indirect_vreg.gather [hbm4b:s26+s2], $0x80, v10, vm0, $0xb8;
	[tilespmem:$0x18180] =	vst v63  }
0x2d: {  	s21 =	simm.s32 $0x1100;
	v8 =	vadd.s32 v5, v8  }
0x2e: {  	vm1 =	vlt.s32 v1, v7;
	[tilespmem:s21], [sflag:$0x1] =	stream.indirect_vreg.gather [hbm4b:s28+s2], $0x80, v10, vm0, $0xb8;
	[tilespmem:$0x18180] =	vst v63  }
0x2f: {  	s22 =	simm.s32 $0x1900;
	v9 =	vnsel vm1, $0x7FF, v1  }
0x30: {  	[tilespmem:s22], [sflag:$0x1] =	stream.indirect_vreg.gather [hbm4b:s29+s2], $0x80, v10, vm0, $0xb8;
	v10 =	vshll.u32 v9, $0x3;
	[tilespmem:$0x18180] =	vst v63  }
0x31: {  	s23 =	simm.s32 $0x2100;
	v11 =	vand.u32 $0x7, v9;
	v10 =	vand.u32 $0xFFFFFFC0, v10  }
0x32: {  	[tilespmem:s23], [sflag:$0x1] =	stream.indirect_vreg.gather [hbm4b:s1+s2], $0x80, v8, vm0, $0xb8;
	v10 =	vor.u32 v11, v10;
	[tilespmem:$0x18180] =	vst v63  }
0x33: {  	s24 =	simm.s32 $0x2900;
	v11 =	vperm.xlane v10, v4  }
0x34: {  	[tilespmem:s24], [sflag:$0x1] =	stream.indirect_vreg.gather [hbm4b:s26+s2], $0x80, v8, vm0, $0xb8;
	[tilespmem:$0x18180] =	vst v63  }
0x35: {  	s7 =	simm.s32 $0x3100;
	v11 =	vadd.s32 v5, v11  }
0x36: {  	[tilespmem:s7], [sflag:$0x1] =	stream.indirect_vreg.gather [hbm4b:s28+s2], $0x80, v8, vm0, $0xb8;
	[tilespmem:$0x18180] =	vst v63  }
0x37: {  	s12 =	simm.s32 $0x3900  }
0x38: {  	[tilespmem:s12], [sflag:$0x1] =	stream.indirect_vreg.gather [hbm4b:s29+s2], $0x80, v8, vm0, $0xb8;
	[tilespmem:$0x18180] =	vst v63  }
0x39: {  	s19 =	simm.s32 $0x4100;
	[tilespmem:$0x80] =	vst v9  }
0x3a: {  	[tilespmem:s19], [sflag:$0x2] =	stream.indirect_vreg.gather [hbm4b:s1+s2], $0x80, v11, vm0, $0xb8;
	[tilespmem:$0x18180] =	vst v63  }
0x3b: {  	s20 =	simm.s32 $0x4900;
	v8 =	vperm.xlane v10, v6  }
0x3c: {  	[tilespmem:s20], [sflag:$0x2] =	stream.indirect_vreg.gather [hbm4b:s26+s2], $0x80, v11, vm0, $0xb8;
	[tilespmem:$0x18180] =	vst v63  }
0x3d: {  	s21 =	simm.s32 $0x5100;
	v8 =	vadd.s32 v5, v8  }
0x3e: {  	[tilespmem:s21], [sflag:$0x2] =	stream.indirect_vreg.gather [hbm4b:s28+s2], $0x80, v11, vm0, $0xb8;
	[tilespmem:$0x18180] =	vst v63  }
0x3f: {  	s22 =	simm.s32 $0x5900  }
0x40: {  	[tilespmem:s22], [sflag:$0x2] =	stream.indirect_vreg.gather [hbm4b:s29+s2], $0x80, v11, vm0, $0xb8;
	[tilespmem:$0x18180] =	vst v63  }
0x41: {  	s23 =	simm.s32 $0x6100  }
0x42: {  	[tilespmem:s23], [sflag:$0x2] =	stream.indirect_vreg.gather [hbm4b:s1+s2], $0x80, v8, vm0, $0xb8;
	[tilespmem:$0x18180] =	vst v63  }
0x43: {  	s24 =	simm.s32 $0x6900  }
0x44: {  	[tilespmem:s24], [sflag:$0x2] =	stream.indirect_vreg.gather [hbm4b:s26+s2], $0x80, v8, vm0, $0xb8;
	[tilespmem:$0x18180] =	vst v63  }
0x45: {  	s7 =	simm.s32 $0x7100  }
0x46: {  	[tilespmem:s7], [sflag:$0x2] =	stream.indirect_vreg.gather [hbm4b:s28+s2], $0x80, v8, vm0, $0xb8;
	[tilespmem:$0x18180] =	vst v63  }
0x47: {  	s12 =	simm.s32 $0x7900  }
0x48: {  	[tilespmem:s12], [sflag:$0x2] =	stream.indirect_vreg.gather [hbm4b:s29+s2], $0x80, v8, vm0, $0xb8;
	[tilespmem:$0x18180] =	vst v63  }
0x49: {  	s19 =	rddreg [dreg:$0x5]  }
0x4a: {  	[tilespmem:s14], [sflag:$0x3] =	stream.strided.gather [hbm4b:s19+s13], $0x8000, s8, s13, $0x38;
	[tilespmem:$0x18180] =	vst v63  }
0x4b: {  	s20 =	rddreg [dreg:$0x6]  }
0x4c: {  	[tilespmem:s18], [sflag:$0x4] =	stream.strided.gather [hbm4b:s20+s13], $0x8000, s8, s13, $0x38;
	[tilespmem:$0x18180] =	vst v63  }
0x4d: {  	_ =	swait.ge [sflag:s0], $0x4000  }
0x4e: {  	s21 =	simm.s32 $0x0;
	[sflag:s0] =	ssyncset.done $0x0  }
0x4f: {  	s6 =	sand.u32 $0x2000, s21;
	[sflag:s0] =	ssyncadd.s32 $0xFFFFC000  }
0x50: {  	s22 =	simm.s32 $0x0;
	s12 =	sand.u32 $0x1C00, s2;
	_ =	swait.ge [sflag:s10], $0x8000  }
0x51: {  	s7 =	sand.u32 $0x380, s22;
	s6 =	sor.u32 s12, s6;
	[sflag:s10] =	ssyncset.done $0x0  }
0x52: {  	s20 =	sor.u32 s6, s7;
	[sflag:s10] =	ssyncadd.s32 $0xFFFF8000  }
0x53: {  	s23 =	simm.s32 $0x0;
	v8 =	vld [tilespmem:s20+$0x100]  }
0x54: {  	s12 =	sand.u32 $0xF, s23  }
0x55: {  	s12 =	sor.u32 s3, s12  }
0x56: {  	s24 =	sand.u32 $0x4000, s2;
	v9 =	vmov s12  }
0x57: {  	vm1 =	veq.s32 v9, v7;
	s6 =	sor.u32 s24, s6  }
0x58: {  	s6 =	sor.u32 s6, s7;
	v8 =	vsel vm1, $0x0, v8  }
0x59: {  	[tilespmem:s6+$0x8180] =	vst.add.f32.msk $0xffff, v8  }
0x5a: {  	v8 =	vld [tilespmem:s20+$0x110];
	_ =	sdelay $0x4  }
0x5b: {  	v8 =	vsel vm1, $0x0, v8  }
0x5c: {  	[tilespmem:s6+$0x8190] =	vst.add.f32.msk $0xffff, v8  }
0x5d: {  	v8 =	vld [tilespmem:s20+$0x120];
	_ =	sdelay $0x4  }
0x5e: {  	v8 =	vsel vm1, $0x0, v8  }
0x5f: {  	[tilespmem:s6+$0x81A0] =	vst.add.f32.msk $0xffff, v8  }
0x60: {  	v8 =	vld [tilespmem:s20+$0x130];
	_ =	sdelay $0x4  }
0x61: {  	v8 =	vsel vm1, $0x0, v8  }
0x62: {  	[tilespmem:s6+$0x81B0] =	vst.add.f32.msk $0xffff, v8  }
0x63: {  	v8 =	vld [tilespmem:s20+$0x140];
	_ =	sdelay $0x4  }
0x64: {  	v8 =	vsel vm1, $0x0, v8  }
0x65: {  	[tilespmem:s6+$0x81C0] =	vst.add.f32.msk $0xffff, v8  }
0x66: {  	v8 =	vld [tilespmem:s20+$0x150];
	_ =	sdelay $0x4  }
0x67: {  	v8 =	vsel vm1, $0x0, v8  }
0x68: {  	[tilespmem:s6+$0x81D0] =	vst.add.f32.msk $0xffff, v8  }
0x69: {  	v8 =	vld [tilespmem:s20+$0x160];
	_ =	sdelay $0x4  }
0x6a: {  	v8 =	vsel vm1, $0x0, v8  }
0x6b: {  	[tilespmem:s6+$0x81E0] =	vst.add.f32.msk $0xffff, v8  }
0x6c: {  	v8 =	vld [tilespmem:s20+$0x170];
	_ =	sdelay $0x1  }
0x6d: {  	s21 =	simm.s32 $0x2;
	s22 =	simm.s32 $0x80;
	s19 =	simm.s32 $0x1  }
0x6e: {  	s12 =	simm.s32 $0x400;
	s7 =	simm.s32 $0x10;
	s20 =	simm.s32 $0x0  }
.LBB2_2:
0x6f: {  	p0 =	sne.s32 s21, $0xFF;
	s22 =	sand.u32 $0x2000, s22;
	s23 =	sand.u32 $0x1C00, s12  }
0x70: {  	s24 =	sand.u32 $0x380, s7;
	s22 =	sor.u32 s23, s22;
	v8 =	vsel vm1, $0x0, v8  }
0x71: {  	s7 =	sor.u32 s22, s24;
	[tilespmem:s6+$0x81F0] =	vst.add.f32.msk $0xffff, v8  }
0x72: {  	s6 =	sshrl.u32 s19, $0x3;
	s19 =	smov.u32 s21;
	v8 =	vld [tilespmem:s7+$0x100]  }
0x73: {  	s6 =	sand.u32 $0xF, s6  }
0x74: {  	s20 =	sadd.s32 $0x80, s20;
	s6 =	sor.u32 s3, s6  }
0x75: {  	v9 =	vmov s6;
	s6 =	sand.u32 $0x4000, s20  }
0x76: {  	vm1 =	veq.s32 v9, v7;
	s6 =	sor.u32 s6, s22  }
0x77: {  	s6 =	sor.u32 s6, s24;
	v8 =	vsel vm1, $0x0, v8  }
0x78: {  	[tilespmem:s6+$0x8180] =	vst.add.f32.msk $0xffff, v8  }
0x79: {  	v8 =	vld [tilespmem:s7+$0x110];
	_ =	sdelay $0x4  }
0x7a: {  	v8 =	vsel vm1, $0x0, v8  }
0x7b: {  	[tilespmem:s6+$0x8190] =	vst.add.f32.msk $0xffff, v8  }
0x7c: {  	v8 =	vld [tilespmem:s7+$0x120];
	_ =	sdelay $0x4  }
0x7d: {  	v8 =	vsel vm1, $0x0, v8  }
0x7e: {  	[tilespmem:s6+$0x81A0] =	vst.add.f32.msk $0xffff, v8  }
0x7f: {  	v8 =	vld [tilespmem:s7+$0x130];
	_ =	sdelay $0x4  }
0x80: {  	v8 =	vsel vm1, $0x0, v8  }
0x81: {  	[tilespmem:s6+$0x81B0] =	vst.add.f32.msk $0xffff, v8  }
0x82: {  	v8 =	vld [tilespmem:s7+$0x140];
	_ =	sdelay $0x4  }
0x83: {  	v8 =	vsel vm1, $0x0, v8  }
0x84: {  	[tilespmem:s6+$0x81C0] =	vst.add.f32.msk $0xffff, v8  }
0x85: {  	v8 =	vld [tilespmem:s7+$0x150];
	_ =	sdelay $0x4  }
0x86: {  	v8 =	vsel vm1, $0x0, v8  }
0x87: {  	[tilespmem:s6+$0x81D0] =	vst.add.f32.msk $0xffff, v8  }
0x88: {  	v8 =	vld [tilespmem:s7+$0x160];
	_ =	sdelay $0x4  }
0x89: {  	v8 =	vsel vm1, $0x0, v8  }
.Ltmp0:
0x8a: {  	[tilespmem:s6+$0x81E0] =	vst.add.f32.msk $0xffff, v8;
	(pc) =	sbr.rel @p0 .LBB2_2-.Ltmp0, $3  }
0x8b: {  	v8 =	vld [tilespmem:s7+$0x170];
	_ =	sdelay $0x1  }
0x8c: {  	s12 =	sadd.s32 $0x400, s12  }
0x8d: {  	s21 =	sadd.s32 $0x1, s21;
	s22 =	sshll.u32 s19, $0x7;
	s7 =	sshll.u32 s19, $0x4  }
0x8e: {  	s21 =	sand.u32 $0x2000, s22;
	s12 =	sand.u32 $0x1C00, s12  }
0x8f: {  	s7 =	sand.u32 $0x380, s7;
	s12 =	sor.u32 s12, s21;
	v8 =	vsel vm1, $0x0, v8  }
0x90: {  	s21 =	sor.u32 s12, s7;
	[tilespmem:s6+$0x81F0] =	vst.add.f32.msk $0xffff, v8  }
0x91: {  	s23 =	sshrl.u32 s19, $0x3;
	v8 =	vld [tilespmem:s21+$0x100]  }
0x92: {  	s6 =	sand.u32 $0xF, s23  }
0x93: {  	s24 =	sadd.s32 $0x80, s20;
	s6 =	sor.u32 s3, s6  }
0x94: {  	s20 =	sand.u32 $0x4000, s24;
	v9 =	vmov s6  }
0x95: {  	s6 =	sor.u32 s20, s12;
	vm1 =	veq.s32 v9, v7  }
0x96: {  	s6 =	sor.u32 s6, s7;
	v8 =	vsel vm1, $0x0, v8  }
0x97: {  	[tilespmem:s6+$0x8180] =	vst.add.f32.msk $0xffff, v8  }
0x98: {  	v8 =	vld [tilespmem:s21+$0x110];
	_ =	sdelay $0x4  }
0x99: {  	v8 =	vsel vm1, $0x0, v8  }
0x9a: {  	[tilespmem:s6+$0x8190] =	vst.add.f32.msk $0xffff, v8  }
0x9b: {  	v8 =	vld [tilespmem:s21+$0x120];
	_ =	sdelay $0x4  }
0x9c: {  	v8 =	vsel vm1, $0x0, v8  }
0x9d: {  	[tilespmem:s6+$0x81A0] =	vst.add.f32.msk $0xffff, v8  }
0x9e: {  	v8 =	vld [tilespmem:s21+$0x130];
	_ =	sdelay $0x4  }
0x9f: {  	v8 =	vsel vm1, $0x0, v8  }
0xa0: {  	[tilespmem:s6+$0x81B0] =	vst.add.f32.msk $0xffff, v8  }
0xa1: {  	v8 =	vld [tilespmem:s21+$0x140];
	_ =	sdelay $0x4  }
0xa2: {  	v8 =	vsel vm1, $0x0, v8  }
0xa3: {  	[tilespmem:s6+$0x81C0] =	vst.add.f32.msk $0xffff, v8  }
0xa4: {  	v8 =	vld [tilespmem:s21+$0x150];
	_ =	sdelay $0x4  }
0xa5: {  	v8 =	vsel vm1, $0x0, v8  }
0xa6: {  	[tilespmem:s6+$0x81D0] =	vst.add.f32.msk $0xffff, v8  }
0xa7: {  	v8 =	vld [tilespmem:s21+$0x160];
	_ =	sdelay $0x4  }
0xa8: {  	v8 =	vsel vm1, $0x0, v8  }
0xa9: {  	[tilespmem:s6+$0x81E0] =	vst.add.f32.msk $0xffff, v8  }
0xaa: {  	v8 =	vld [tilespmem:s21+$0x170];
	_ =	sdelay $0x4  }
0xab: {  	v8 =	vsel vm1, $0x0, v8  }
0xac: {  	s19 =	simm.s32 $0x0;
	s21 =	rddreg [dreg:$0x7];
	[tilespmem:s6+$0x81F0] =	vst.add.f32.msk $0xffff, v8  }
0xad: {  	[hbm4b:s21+s13] =	stream.strided.scatter [tilespmem:s14], [sflag:$0x5], $0x8000, s8, s13, $0x38;
	[tilespmem:$0x18180] =	vst v63  }
0xae: {  	s22 =	rddreg [dreg:$0x8];
	s24 =	sand.u32 $0x1C00, s19;
	s23 =	simm.s32 $0x0  }
0xaf: {  	[tilespmem:s14], [sflag:$0x3] =	stream.strided.gather [hbm4b:s22+s13], $0x8000, s8, s13, $0x38;
	[tilespmem:$0x18180] =	vst v63  }
0xb0: {  	s20 =	simm.s32 $0x0;
	s6 =	sand.u32 $0x2000, s23;
	_ =	swait.ge [sflag:s16], $0x8000  }
0xb1: {  	s12 =	sand.u32 $0x380, s20;
	s6 =	sor.u32 s24, s6;
	[sflag:s16] =	ssyncset.done $0x0  }
0xb2: {  	s7 =	sor.u32 s6, s12;
	[sflag:s16] =	ssyncadd.s32 $0xFFFF8000  }
0xb3: {  	s21 =	simm.s32 $0x0;
	v8 =	vld [tilespmem:s7+$0x100]  }
0xb4: {  	s20 =	sand.u32 $0xF, s21  }
0xb5: {  	s20 =	sor.u32 s3, s20  }
0xb6: {  	s22 =	sand.u32 $0x4000, s19;
	v9 =	vmov s20  }
0xb7: {  	s6 =	sor.u32 s22, s6;
	vm1 =	veq.s32 v9, v7  }
0xb8: {  	s6 =	sor.u32 s6, s12;
	v8 =	vsel vm1, $0x0, v8  }
0xb9: {  	[tilespmem:s6+$0x10180] =	vst.add.f32.msk $0xffff, v8  }
0xba: {  	v8 =	vld [tilespmem:s7+$0x110];
	_ =	sdelay $0x3  }
0xbb: {  	s12 =	sadd.s32 $0x10180, s6  }
0xbc: {  	s6 =	sor.u32 $0x10, s12;
	v8 =	vsel vm1, $0x0, v8  }
0xbd: {  	[tilespmem:s6+$0x0] =	vst.add.f32.msk $0xffff, v8  }
0xbe: {  	v8 =	vld [tilespmem:s7+$0x120];
	_ =	sdelay $0x4  }
0xbf: {  	s23 =	sor.u32 $0x20, s12;
	v8 =	vsel vm1, $0x0, v8  }
0xc0: {  	[tilespmem:s23+$0x0] =	vst.add.f32.msk $0xffff, v8  }
0xc1: {  	v8 =	vld [tilespmem:s7+$0x130];
	_ =	sdelay $0x4  }
0xc2: {  	s24 =	sor.u32 $0x30, s12;
	v8 =	vsel vm1, $0x0, v8  }
0xc3: {  	[tilespmem:s24+$0x0] =	vst.add.f32.msk $0xffff, v8  }
0xc4: {  	v8 =	vld [tilespmem:s7+$0x140];
	_ =	sdelay $0x4  }
0xc5: {  	s20 =	sor.u32 $0x40, s12;
	v8 =	vsel vm1, $0x0, v8  }
0xc6: {  	[tilespmem:s20+$0x0] =	vst.add.f32.msk $0xffff, v8  }
0xc7: {  	v8 =	vld [tilespmem:s7+$0x150];
	_ =	sdelay $0x4  }
0xc8: {  	s21 =	sor.u32 $0x50, s12;
	v8 =	vsel vm1, $0x0, v8  }
0xc9: {  	[tilespmem:s21+$0x0] =	vst.add.f32.msk $0xffff, v8  }
0xca: {  	v8 =	vld [tilespmem:s7+$0x160];
	_ =	sdelay $0x4  }
0xcb: {  	s22 =	sor.u32 $0x60, s12;
	v8 =	vsel vm1, $0x0, v8  }
0xcc: {  	[tilespmem:s22+$0x0] =	vst.add.f32.msk $0xffff, v8  }
0xcd: {  	v8 =	vld [tilespmem:s7+$0x170];
	_ =	sdelay $0x1  }
0xce: {  	s23 =	simm.s32 $0x80;
	s20 =	simm.s32 $0x400  }
0xcf: {  	s21 =	sand.u32 $0x2000, s23;
	s23 =	sand.u32 $0x1C00, s20  }
0xd0: {  	s6 =	simm.s32 $0x1;
	s24 =	simm.s32 $0x10;
	s23 =	sor.u32 s23, s21  }
0xd1: {  	s22 =	sand.u32 $0x380, s24;
	s24 =	sor.u32 $0x70, s12;
	s7 =	simm.s32 $0x2;
	v8 =	vsel vm1, $0x0, v8  }
.LBB2_4:
0xd2: {  	s21 =	sor.u32 s23, s22  }
0xd3: {  	[tilespmem:s24+$0x0] =	vst.add.f32.msk $0xffff, v8;
	s19 =	sadd.s32 $0x80, s19;
	s24 =	smov.u32 s7;
	s12 =	sadd.s32 $0x1, s7  }
0xd4: {  	p0 =	sne.s32 s7, $0xFF;
	s7 =	sshrl.u32 s6, $0x3;
	v8 =	vld [tilespmem:s21+$0x100];
	s6 =	smov.u32 s24  }
0xd5: {  	s7 =	sand.u32 $0xF, s7  }
0xd6: {  	s7 =	sor.u32 s3, s7  }
0xd7: {  	v9 =	vmov s7;
	s7 =	sand.u32 $0x4000, s19  }
0xd8: {  	vm1 =	veq.s32 v9, v7;
	s7 =	sor.u32 s7, s23  }
0xd9: {  	s22 =	sor.u32 s7, s22;
	v8 =	vsel vm1, $0x0, v8  }
0xda: {  	s7 =	sadd.s32 $0x10180, s22;
	[tilespmem:s22+$0x10180] =	vst.add.f32.msk $0xffff, v8  }
0xdb: {  	v8 =	vld [tilespmem:s21+$0x110];
	_ =	sdelay $0x4  }
0xdc: {  	s22 =	sor.u32 $0x10, s7;
	v8 =	vsel vm1, $0x0, v8  }
0xdd: {  	[tilespmem:s22+$0x0] =	vst.add.f32.msk $0xffff, v8  }
0xde: {  	v8 =	vld [tilespmem:s21+$0x120];
	_ =	sdelay $0x4  }
0xdf: {  	s22 =	sor.u32 $0x20, s7;
	v8 =	vsel vm1, $0x0, v8  }
0xe0: {  	[tilespmem:s22+$0x0] =	vst.add.f32.msk $0xffff, v8  }
0xe1: {  	v8 =	vld [tilespmem:s21+$0x130];
	_ =	sdelay $0x4  }
0xe2: {  	s22 =	sor.u32 $0x30, s7;
	v8 =	vsel vm1, $0x0, v8  }
0xe3: {  	[tilespmem:s22+$0x0] =	vst.add.f32.msk $0xffff, v8  }
0xe4: {  	v8 =	vld [tilespmem:s21+$0x140];
	_ =	sdelay $0x4  }
0xe5: {  	s22 =	sor.u32 $0x40, s7;
	v8 =	vsel vm1, $0x0, v8  }
0xe6: {  	[tilespmem:s22+$0x0] =	vst.add.f32.msk $0xffff, v8  }
0xe7: {  	v8 =	vld [tilespmem:s21+$0x150];
	_ =	sdelay $0x4  }
0xe8: {  	s22 =	sor.u32 $0x50, s7;
	v8 =	vsel vm1, $0x0, v8  }
0xe9: {  	[tilespmem:s22+$0x0] =	vst.add.f32.msk $0xffff, v8  }
0xea: {  	v8 =	vld [tilespmem:s21+$0x160];
	_ =	sdelay $0x4  }
0xeb: {  	s22 =	sor.u32 $0x60, s7;
	v8 =	vsel vm1, $0x0, v8  }
0xec: {  	[tilespmem:s22+$0x0] =	vst.add.f32.msk $0xffff, v8  }
0xed: {  	v8 =	vld [tilespmem:s21+$0x170]  }
.Ltmp1:
0xee: {  	(pc) =	sbr.rel @p0 .LBB2_4-.Ltmp1, $4  }
0xef: {  	s20 =	sadd.s32 $0x400, s20  }
0xf0: {  	s23 =	sand.u32 $0x1C00, s20;
	s21 =	sshll.u32 s6, $0x7  }
0xf1: {  	s24 =	sor.u32 $0x70, s7;
	s22 =	sshll.u32 s6, $0x4;
	s21 =	sand.u32 $0x2000, s21  }
0xf2: {  	s7 =	smov.u32 s12;
	s22 =	sand.u32 $0x380, s22;
	s23 =	sor.u32 s23, s21;
	v8 =	vsel vm1, $0x0, v8  }
0xf3: {  	s7 =	sor.u32 s23, s22;
	[tilespmem:s24+$0x0] =	vst.add.f32.msk $0xffff, v8  }
0xf4: {  	s6 =	sshrl.u32 s6, $0x3;
	v8 =	vld [tilespmem:s7+$0x100]  }
0xf5: {  	s6 =	sand.u32 $0xF, s6  }
0xf6: {  	s12 =	sadd.s32 $0x80, s19;
	s6 =	sor.u32 s3, s6  }
0xf7: {  	s21 =	sand.u32 $0x4000, s12;
	v9 =	vmov s6  }
0xf8: {  	s6 =	sor.u32 s21, s23;
	vm1 =	veq.s32 v9, v7  }
0xf9: {  	s6 =	sor.u32 s6, s22;
	v8 =	vsel vm1, $0x0, v8  }
0xfa: {  	[tilespmem:s6+$0x10180] =	vst.add.f32.msk $0xffff, v8  }
0xfb: {  	v8 =	vld [tilespmem:s7+$0x110];
	_ =	sdelay $0x3  }
0xfc: {  	s6 =	sadd.s32 $0x10180, s6  }
0xfd: {  	s24 =	sor.u32 $0x10, s6;
	v8 =	vsel vm1, $0x0, v8  }
0xfe: {  	[tilespmem:s24+$0x0] =	vst.add.f32.msk $0xffff, v8  }
0xff: {  	v8 =	vld [tilespmem:s7+$0x120];
	_ =	sdelay $0x4  }
0x100: {  	s19 =	sor.u32 $0x20, s6;
	v8 =	vsel vm1, $0x0, v8  }
0x101: {  	[tilespmem:s19+$0x0] =	vst.add.f32.msk $0xffff, v8  }
0x102: {  	v8 =	vld [tilespmem:s7+$0x130];
	_ =	sdelay $0x4  }
0x103: {  	s20 =	sor.u32 $0x30, s6;
	v8 =	vsel vm1, $0x0, v8  }
0x104: {  	[tilespmem:s20+$0x0] =	vst.add.f32.msk $0xffff, v8  }
0x105: {  	v8 =	vld [tilespmem:s7+$0x140];
	_ =	sdelay $0x4  }
0x106: {  	s21 =	sor.u32 $0x40, s6;
	v8 =	vsel vm1, $0x0, v8  }
0x107: {  	[tilespmem:s21+$0x0] =	vst.add.f32.msk $0xffff, v8  }
0x108: {  	v8 =	vld [tilespmem:s7+$0x150];
	_ =	sdelay $0x4  }
0x109: {  	s22 =	sor.u32 $0x50, s6;
	v8 =	vsel vm1, $0x0, v8  }
0x10a: {  	[tilespmem:s22+$0x0] =	vst.add.f32.msk $0xffff, v8  }
0x10b: {  	v8 =	vld [tilespmem:s7+$0x160];
	_ =	sdelay $0x4  }
0x10c: {  	s23 =	sor.u32 $0x60, s6;
	v8 =	vsel vm1, $0x0, v8  }
0x10d: {  	vm2 =	vlt.s32 v2, v7;
	[tilespmem:s23+$0x0] =	vst.add.f32.msk $0xffff, v8  }
0x10e: {  	v8 =	vnsel vm2, $0x7FF, v2;
	v9 =	vld [tilespmem:s7+$0x170]  }
0x10f: {  	v10 =	vshll.u32 v8, $0x3  }
0x110: {  	v11 =	vand.u32 $0x7, v8;
	v10 =	vand.u32 $0xFFFFFFC0, v10  }
0x111: {  	v10 =	vor.u32 v11, v10  }
0x112: {  	v11 =	vperm.xlane v10, v4  }
0x113: {  	s6 =	sor.u32 $0x70, s6;
	v9 =	vsel vm1, $0x0, v9  }
0x114: {  	s24 =	rddreg [dreg:$0x9];
	[tilespmem:s6+$0x0] =	vst.add.f32.msk $0xffff, v9;
	v9 =	vadd.s32 v5, v11  }
0x115: {  	[hbm4b:s24+s13] =	stream.strided.scatter [tilespmem:s18], [sflag:$0x6], $0x8000, s8, s13, $0x38;
	[tilespmem:$0x18180] =	vst v63  }
0x116: {  	s7 =	rddreg [dreg:$0xa]  }
0x117: {  	[tilespmem:s18], [sflag:$0x4] =	stream.strided.gather [hbm4b:s7+s13], $0x8000, s8, s13, $0x38;
	[tilespmem:$0x18180] =	vst v63  }
0x118: {  	s12 =	simm.s32 $0x100;
	s19 =	simm.s32 $0x0;
	[tilespmem:$0x0] =	vst v8  }
0x119: {  	[tilespmem:s12], [sflag:$0x1] =	stream.indirect_vreg.gather [hbm4b:s1+s19], $0x80, v9, vm0, $0xb8;
	[tilespmem:$0x18180] =	vst v63  }
0x11a: {  	s20 =	simm.s32 $0x900;
	v8 =	vperm.xlane v10, v6  }
0x11b: {  	[tilespmem:s20], [sflag:$0x1] =	stream.indirect_vreg.gather [hbm4b:s26+s19], $0x80, v9, vm0, $0xb8;
	[tilespmem:$0x18180] =	vst v63  }
0x11c: {  	s21 =	simm.s32 $0x1100;
	v8 =	vadd.s32 v5, v8  }
0x11d: {  	[tilespmem:s21], [sflag:$0x1] =	stream.indirect_vreg.gather [hbm4b:s28+s19], $0x80, v9, vm0, $0xb8;
	[tilespmem:$0x18180] =	vst v63  }
0x11e: {  	s22 =	simm.s32 $0x1900  }
0x11f: {  	[tilespmem:s22], [sflag:$0x1] =	stream.indirect_vreg.gather [hbm4b:s29+s19], $0x80, v9, vm0, $0xb8;
	[tilespmem:$0x18180] =	vst v63  }
0x120: {  	s23 =	simm.s32 $0x2100  }
0x121: {  	[tilespmem:s23], [sflag:$0x1] =	stream.indirect_vreg.gather [hbm4b:s1+s19], $0x80, v8, vm0, $0xb8;
	[tilespmem:$0x18180] =	vst v63  }
0x122: {  	s24 =	simm.s32 $0x2900  }
0x123: {  	[tilespmem:s24], [sflag:$0x1] =	stream.indirect_vreg.gather [hbm4b:s26+s19], $0x80, v8, vm0, $0xb8;
	[tilespmem:$0x18180] =	vst v63  }
0x124: {  	s7 =	simm.s32 $0x3100  }
0x125: {  	[tilespmem:s7], [sflag:$0x1] =	stream.indirect_vreg.gather [hbm4b:s28+s19], $0x80, v8, vm0, $0xb8;
	[tilespmem:$0x18180] =	vst v63  }
0x126: {  	s12 =	simm.s32 $0x3900  }
0x127: {  	[tilespmem:s12], [sflag:$0x1] =	stream.indirect_vreg.gather [hbm4b:s29+s19], $0x80, v8, vm0, $0xb8;
	[tilespmem:$0x18180] =	vst v63  }
0x128: {  	_ =	swait.ge [sflag:s30], $0x4000  }
0x129: {  	[sflag:s30] =	ssyncset.done $0x0  }
0x12a: {  	[sflag:s30] =	ssyncadd.s32 $0xFFFFC000  }
0x12b: {  	_ =	swait.ge [sflag:s10], $0x8000  }
0x12c: {  	s20 =	simm.s32 $0x0;
	[sflag:s10] =	ssyncset.done $0x0  }
0x12d: {  	s6 =	sand.u32 $0x2000, s20;
	[sflag:s10] =	ssyncadd.s32 $0xFFFF8000  }
0x12e: {  	s21 =	simm.s32 $0x0;
	s22 =	sand.u32 $0x1C00, s19;
	_ =	swait.ge [sflag:s17], $0x8000  }
0x12f: {  	s6 =	sor.u32 s22, s6;
	s7 =	sand.u32 $0x380, s21;
	[sflag:s17] =	ssyncset.done $0x0  }
0x130: {  	s21 =	sor.u32 s6, s7;
	[sflag:s17] =	ssyncadd.s32 $0xFFFF8000  }
0x131: {  	s23 =	simm.s32 $0x0;
	v8 =	vld [tilespmem:s21+$0x4100]  }
0x132: {  	s12 =	sand.u32 $0xF, s23  }
0x133: {  	s12 =	sor.u32 s4, s12  }
0x134: {  	s24 =	sand.u32 $0x4000, s19;
	v9 =	vmov s12  }
0x135: {  	s6 =	sor.u32 s24, s6;
	vm1 =	veq.s32 v9, v7  }
0x136: {  	s6 =	sor.u32 s6, s7;
	v8 =	vsel vm1, $0x0, v8  }
0x137: {  	[tilespmem:s6+$0x8180] =	vst.add.f32.msk $0xffff, v8  }
0x138: {  	v8 =	vld [tilespmem:s21+$0x4110];
	_ =	sdelay $0x4  }
0x139: {  	v8 =	vsel vm1, $0x0, v8  }
0x13a: {  	[tilespmem:s6+$0x8190] =	vst.add.f32.msk $0xffff, v8  }
0x13b: {  	v8 =	vld [tilespmem:s21+$0x4120];
	_ =	sdelay $0x4  }
0x13c: {  	v8 =	vsel vm1, $0x0, v8  }
0x13d: {  	[tilespmem:s6+$0x81A0] =	vst.add.f32.msk $0xffff, v8  }
0x13e: {  	v8 =	vld [tilespmem:s21+$0x4130];
	_ =	sdelay $0x4  }
0x13f: {  	v8 =	vsel vm1, $0x0, v8  }
0x140: {  	[tilespmem:s6+$0x81B0] =	vst.add.f32.msk $0xffff, v8  }
0x141: {  	v8 =	vld [tilespmem:s21+$0x4140];
	_ =	sdelay $0x4  }
0x142: {  	v8 =	vsel vm1, $0x0, v8  }
0x143: {  	[tilespmem:s6+$0x81C0] =	vst.add.f32.msk $0xffff, v8  }
0x144: {  	v8 =	vld [tilespmem:s21+$0x4150];
	_ =	sdelay $0x4  }
0x145: {  	v8 =	vsel vm1, $0x0, v8  }
0x146: {  	[tilespmem:s6+$0x81D0] =	vst.add.f32.msk $0xffff, v8  }
0x147: {  	v8 =	vld [tilespmem:s21+$0x4160];
	_ =	sdelay $0x4  }
0x148: {  	v8 =	vsel vm1, $0x0, v8  }
0x149: {  	[tilespmem:s6+$0x81E0] =	vst.add.f32.msk $0xffff, v8  }
0x14a: {  	v8 =	vld [tilespmem:s21+$0x4170];
	_ =	sdelay $0x1  }
0x14b: {  	s20 =	simm.s32 $0x1;
	s22 =	simm.s32 $0x80  }
0x14c: {  	s7 =	simm.s32 $0x10;
	s12 =	simm.s32 $0x400;
	s21 =	simm.s32 $0x2  }
.LBB2_6:
0x14d: {  	p0 =	sne.s32 s21, $0xFF;
	s22 =	sand.u32 $0x2000, s22;
	s23 =	sand.u32 $0x1C00, s12  }
0x14e: {  	s24 =	sand.u32 $0x380, s7;
	s22 =	sor.u32 s23, s22;
	v8 =	vsel vm1, $0x0, v8  }
0x14f: {  	s7 =	sor.u32 s22, s24;
	[tilespmem:s6+$0x81F0] =	vst.add.f32.msk $0xffff, v8  }
0x150: {  	s6 =	sshrl.u32 s20, $0x3;
	s20 =	smov.u32 s21;
	v8 =	vld [tilespmem:s7+$0x4100]  }
0x151: {  	s6 =	sand.u32 $0xF, s6  }
0x152: {  	s19 =	sadd.s32 $0x80, s19;
	s6 =	sor.u32 s4, s6  }
0x153: {  	v9 =	vmov s6;
	s6 =	sand.u32 $0x4000, s19  }
0x154: {  	vm1 =	veq.s32 v9, v7;
	s6 =	sor.u32 s6, s22  }
0x155: {  	s6 =	sor.u32 s6, s24;
	v8 =	vsel vm1, $0x0, v8  }
0x156: {  	[tilespmem:s6+$0x8180] =	vst.add.f32.msk $0xffff, v8  }
0x157: {  	v8 =	vld [tilespmem:s7+$0x4110];
	_ =	sdelay $0x4  }
0x158: {  	v8 =	vsel vm1, $0x0, v8  }
0x159: {  	[tilespmem:s6+$0x8190] =	vst.add.f32.msk $0xffff, v8  }
0x15a: {  	v8 =	vld [tilespmem:s7+$0x4120];
	_ =	sdelay $0x4  }
0x15b: {  	v8 =	vsel vm1, $0x0, v8  }
0x15c: {  	[tilespmem:s6+$0x81A0] =	vst.add.f32.msk $0xffff, v8  }
0x15d: {  	v8 =	vld [tilespmem:s7+$0x4130];
	_ =	sdelay $0x4  }
0x15e: {  	v8 =	vsel vm1, $0x0, v8  }
0x15f: {  	[tilespmem:s6+$0x81B0] =	vst.add.f32.msk $0xffff, v8  }
0x160: {  	v8 =	vld [tilespmem:s7+$0x4140];
	_ =	sdelay $0x4  }
0x161: {  	v8 =	vsel vm1, $0x0, v8  }
0x162: {  	[tilespmem:s6+$0x81C0] =	vst.add.f32.msk $0xffff, v8  }
0x163: {  	v8 =	vld [tilespmem:s7+$0x4150];
	_ =	sdelay $0x4  }
0x164: {  	v8 =	vsel vm1, $0x0, v8  }
0x165: {  	[tilespmem:s6+$0x81D0] =	vst.add.f32.msk $0xffff, v8  }
0x166: {  	v8 =	vld [tilespmem:s7+$0x4160];
	_ =	sdelay $0x4  }
0x167: {  	v8 =	vsel vm1, $0x0, v8  }
.Ltmp2:
0x168: {  	[tilespmem:s6+$0x81E0] =	vst.add.f32.msk $0xffff, v8;
	(pc) =	sbr.rel @p0 .LBB2_6-.Ltmp2, $3  }
0x169: {  	v8 =	vld [tilespmem:s7+$0x4170];
	_ =	sdelay $0x1  }
0x16a: {  	s12 =	sadd.s32 $0x400, s12  }
0x16b: {  	s21 =	sadd.s32 $0x1, s21;
	s22 =	sshll.u32 s20, $0x7;
	s7 =	sshll.u32 s20, $0x4  }
0x16c: {  	s21 =	sand.u32 $0x2000, s22;
	s12 =	sand.u32 $0x1C00, s12  }
0x16d: {  	s7 =	sand.u32 $0x380, s7;
	s12 =	sor.u32 s12, s21;
	v8 =	vsel vm1, $0x0, v8  }
0x16e: {  	s21 =	sor.u32 s12, s7;
	[tilespmem:s6+$0x81F0] =	vst.add.f32.msk $0xffff, v8  }
0x16f: {  	s24 =	sshrl.u32 s20, $0x3;
	v8 =	vld [tilespmem:s21+$0x4100]  }
0x170: {  	s6 =	sand.u32 $0xF, s24  }
0x171: {  	s19 =	sadd.s32 $0x80, s19;
	s6 =	sor.u32 s4, s6  }
0x172: {  	s20 =	sand.u32 $0x4000, s19;
	v9 =	vmov s6  }
0x173: {  	s6 =	sor.u32 s20, s12;
	vm1 =	veq.s32 v9, v7  }
0x174: {  	s6 =	sor.u32 s6, s7;
	v8 =	vsel vm1, $0x0, v8  }
0x175: {  	[tilespmem:s6+$0x8180] =	vst.add.f32.msk $0xffff, v8  }
0x176: {  	v8 =	vld [tilespmem:s21+$0x4110];
	_ =	sdelay $0x4  }
0x177: {  	v8 =	vsel vm1, $0x0, v8  }
0x178: {  	[tilespmem:s6+$0x8190] =	vst.add.f32.msk $0xffff, v8  }
0x179: {  	v8 =	vld [tilespmem:s21+$0x4120];
	_ =	sdelay $0x4  }
0x17a: {  	v8 =	vsel vm1, $0x0, v8  }
0x17b: {  	[tilespmem:s6+$0x81A0] =	vst.add.f32.msk $0xffff, v8  }
0x17c: {  	v8 =	vld [tilespmem:s21+$0x4130];
	_ =	sdelay $0x4  }
0x17d: {  	v8 =	vsel vm1, $0x0, v8  }
0x17e: {  	[tilespmem:s6+$0x81B0] =	vst.add.f32.msk $0xffff, v8  }
0x17f: {  	v8 =	vld [tilespmem:s21+$0x4140];
	_ =	sdelay $0x4  }
0x180: {  	v8 =	vsel vm1, $0x0, v8  }
0x181: {  	[tilespmem:s6+$0x81C0] =	vst.add.f32.msk $0xffff, v8  }
0x182: {  	v8 =	vld [tilespmem:s21+$0x4150];
	_ =	sdelay $0x4  }
0x183: {  	v8 =	vsel vm1, $0x0, v8  }
0x184: {  	[tilespmem:s6+$0x81D0] =	vst.add.f32.msk $0xffff, v8  }
0x185: {  	v8 =	vld [tilespmem:s21+$0x4160];
	_ =	sdelay $0x4  }
0x186: {  	v8 =	vsel vm1, $0x0, v8  }
0x187: {  	[tilespmem:s6+$0x81E0] =	vst.add.f32.msk $0xffff, v8  }
0x188: {  	v8 =	vld [tilespmem:s21+$0x4170];
	_ =	sdelay $0x4  }
0x189: {  	v8 =	vsel vm1, $0x0, v8  }
0x18a: {  	s21 =	rddreg [dreg:$0xb];
	[tilespmem:s6+$0x81F0] =	vst.add.f32.msk $0xffff, v8  }
0x18b: {  	[hbm4b:s21+s13] =	stream.strided.scatter [tilespmem:s14], [sflag:$0x5], $0x8000, s8, s13, $0x38;
	[tilespmem:$0x18180] =	vst v63  }
0x18c: {  	s22 =	rddreg [dreg:$0xc]  }
0x18d: {  	[tilespmem:s14], [sflag:$0x3] =	stream.strided.gather [hbm4b:s22+s13], $0x8000, s8, s13, $0x38;
	[tilespmem:$0x18180] =	vst v63  }
0x18e: {  	_ =	swait.ge [sflag:s16], $0x8000  }
0x18f: {  	s19 =	simm.s32 $0x0;
	[sflag:s16] =	ssyncset.done $0x0  }
0x190: {  	s23 =	simm.s32 $0x0;
	s24 =	sand.u32 $0x1C00, s19;
	[sflag:s16] =	ssyncadd.s32 $0xFFFF8000  }
0x191: {  	s20 =	simm.s32 $0x0;
	s6 =	sand.u32 $0x2000, s23;
	_ =	swait.ge [sflag:s5], $0x8000  }
0x192: {  	s12 =	sand.u32 $0x380, s20;
	s6 =	sor.u32 s24, s6;
	[sflag:s5] =	ssyncset.done $0x0  }
0x193: {  	s7 =	sor.u32 s6, s12;
	[sflag:s5] =	ssyncadd.s32 $0xFFFF8000  }
0x194: {  	s21 =	simm.s32 $0x0;
	v8 =	vld [tilespmem:s7+$0x4100]  }
0x195: {  	s20 =	sand.u32 $0xF, s21  }
0x196: {  	s20 =	sor.u32 s4, s20  }
0x197: {  	s22 =	sand.u32 $0x4000, s19;
	v9 =	vmov s20  }
0x198: {  	s6 =	sor.u32 s22, s6;
	vm1 =	veq.s32 v9, v7  }
0x199: {  	s6 =	sor.u32 s6, s12;
	v8 =	vsel vm1, $0x0, v8  }
0x19a: {  	[tilespmem:s6+$0x10180] =	vst.add.f32.msk $0xffff, v8  }
0x19b: {  	v8 =	vld [tilespmem:s7+$0x4110];
	_ =	sdelay $0x3  }
0x19c: {  	s12 =	sadd.s32 $0x10180, s6  }
0x19d: {  	s6 =	sor.u32 $0x10, s12;
	v8 =	vsel vm1, $0x0, v8  }
0x19e: {  	[tilespmem:s6+$0x0] =	vst.add.f32.msk $0xffff, v8  }
0x19f: {  	v8 =	vld [tilespmem:s7+$0x4120];
	_ =	sdelay $0x4  }
0x1a0: {  	s23 =	sor.u32 $0x20, s12;
	v8 =	vsel vm1, $0x0, v8  }
0x1a1: {  	[tilespmem:s23+$0x0] =	vst.add.f32.msk $0xffff, v8  }
0x1a2: {  	v8 =	vld [tilespmem:s7+$0x4130];
	_ =	sdelay $0x4  }
0x1a3: {  	s24 =	sor.u32 $0x30, s12;
	v8 =	vsel vm1, $0x0, v8  }
0x1a4: {  	[tilespmem:s24+$0x0] =	vst.add.f32.msk $0xffff, v8  }
0x1a5: {  	v8 =	vld [tilespmem:s7+$0x4140];
	_ =	sdelay $0x4  }
0x1a6: {  	s20 =	sor.u32 $0x40, s12;
	v8 =	vsel vm1, $0x0, v8  }
0x1a7: {  	[tilespmem:s20+$0x0] =	vst.add.f32.msk $0xffff, v8  }
0x1a8: {  	v8 =	vld [tilespmem:s7+$0x4150];
	_ =	sdelay $0x4  }
0x1a9: {  	s21 =	sor.u32 $0x50, s12;
	v8 =	vsel vm1, $0x0, v8  }
0x1aa: {  	[tilespmem:s21+$0x0] =	vst.add.f32.msk $0xffff, v8  }
0x1ab: {  	v8 =	vld [tilespmem:s7+$0x4160];
	_ =	sdelay $0x4  }
0x1ac: {  	s22 =	sor.u32 $0x60, s12;
	v8 =	vsel vm1, $0x0, v8  }
0x1ad: {  	[tilespmem:s22+$0x0] =	vst.add.f32.msk $0xffff, v8  }
0x1ae: {  	v8 =	vld [tilespmem:s7+$0x4170];
	_ =	sdelay $0x1  }
0x1af: {  	s23 =	simm.s32 $0x80;
	s20 =	simm.s32 $0x400  }
0x1b0: {  	s21 =	sand.u32 $0x2000, s23;
	s23 =	sand.u32 $0x1C00, s20  }
0x1b1: {  	s6 =	simm.s32 $0x1;
	s24 =	simm.s32 $0x10;
	s23 =	sor.u32 s23, s21  }
0x1b2: {  	s22 =	sand.u32 $0x380, s24;
	s24 =	sor.u32 $0x70, s12;
	s7 =	simm.s32 $0x2;
	v8 =	vsel vm1, $0x0, v8  }
.LBB2_8:
0x1b3: {  	s21 =	sor.u32 s23, s22  }
0x1b4: {  	[tilespmem:s24+$0x0] =	vst.add.f32.msk $0xffff, v8;
	s19 =	sadd.s32 $0x80, s19;
	s24 =	smov.u32 s7;
	s12 =	sadd.s32 $0x1, s7  }
0x1b5: {  	p0 =	sne.s32 s7, $0xFF;
	s7 =	sshrl.u32 s6, $0x3;
	v8 =	vld [tilespmem:s21+$0x4100];
	s6 =	smov.u32 s24  }
0x1b6: {  	s7 =	sand.u32 $0xF, s7  }
0x1b7: {  	s7 =	sor.u32 s4, s7  }
0x1b8: {  	v9 =	vmov s7;
	s7 =	sand.u32 $0x4000, s19  }
0x1b9: {  	vm1 =	veq.s32 v9, v7;
	s7 =	sor.u32 s7, s23  }
0x1ba: {  	s22 =	sor.u32 s7, s22;
	v8 =	vsel vm1, $0x0, v8  }
0x1bb: {  	s7 =	sadd.s32 $0x10180, s22;
	[tilespmem:s22+$0x10180] =	vst.add.f32.msk $0xffff, v8  }
0x1bc: {  	v8 =	vld [tilespmem:s21+$0x4110];
	_ =	sdelay $0x4  }
0x1bd: {  	s22 =	sor.u32 $0x10, s7;
	v8 =	vsel vm1, $0x0, v8  }
0x1be: {  	[tilespmem:s22+$0x0] =	vst.add.f32.msk $0xffff, v8  }
0x1bf: {  	v8 =	vld [tilespmem:s21+$0x4120];
	_ =	sdelay $0x4  }
0x1c0: {  	s22 =	sor.u32 $0x20, s7;
	v8 =	vsel vm1, $0x0, v8  }
0x1c1: {  	[tilespmem:s22+$0x0] =	vst.add.f32.msk $0xffff, v8  }
0x1c2: {  	v8 =	vld [tilespmem:s21+$0x4130];
	_ =	sdelay $0x4  }
0x1c3: {  	s22 =	sor.u32 $0x30, s7;
	v8 =	vsel vm1, $0x0, v8  }
0x1c4: {  	[tilespmem:s22+$0x0] =	vst.add.f32.msk $0xffff, v8  }
0x1c5: {  	v8 =	vld [tilespmem:s21+$0x4140];
	_ =	sdelay $0x4  }
0x1c6: {  	s22 =	sor.u32 $0x40, s7;
	v8 =	vsel vm1, $0x0, v8  }
0x1c7: {  	[tilespmem:s22+$0x0] =	vst.add.f32.msk $0xffff, v8  }
0x1c8: {  	v8 =	vld [tilespmem:s21+$0x4150];
	_ =	sdelay $0x4  }
0x1c9: {  	s22 =	sor.u32 $0x50, s7;
	v8 =	vsel vm1, $0x0, v8  }
0x1ca: {  	[tilespmem:s22+$0x0] =	vst.add.f32.msk $0xffff, v8  }
0x1cb: {  	v8 =	vld [tilespmem:s21+$0x4160];
	_ =	sdelay $0x4  }
0x1cc: {  	s22 =	sor.u32 $0x60, s7;
	v8 =	vsel vm1, $0x0, v8  }
0x1cd: {  	[tilespmem:s22+$0x0] =	vst.add.f32.msk $0xffff, v8  }
0x1ce: {  	v8 =	vld [tilespmem:s21+$0x4170]  }
.Ltmp3:
0x1cf: {  	(pc) =	sbr.rel @p0 .LBB2_8-.Ltmp3, $4  }
0x1d0: {  	s20 =	sadd.s32 $0x400, s20  }
0x1d1: {  	s23 =	sand.u32 $0x1C00, s20;
	s21 =	sshll.u32 s6, $0x7  }
0x1d2: {  	s24 =	sor.u32 $0x70, s7;
	s22 =	sshll.u32 s6, $0x4;
	s21 =	sand.u32 $0x2000, s21  }
0x1d3: {  	s7 =	smov.u32 s12;
	s22 =	sand.u32 $0x380, s22;
	s23 =	sor.u32 s23, s21;
	v8 =	vsel vm1, $0x0, v8  }
0x1d4: {  	s7 =	sor.u32 s23, s22;
	[tilespmem:s24+$0x0] =	vst.add.f32.msk $0xffff, v8  }
0x1d5: {  	s6 =	sshrl.u32 s6, $0x3;
	v8 =	vld [tilespmem:s7+$0x4100]  }
0x1d6: {  	s6 =	sand.u32 $0xF, s6  }
0x1d7: {  	s12 =	sadd.s32 $0x80, s19;
	s6 =	sor.u32 s4, s6  }
0x1d8: {  	s21 =	sand.u32 $0x4000, s12;
	v9 =	vmov s6  }
0x1d9: {  	s6 =	sor.u32 s21, s23;
	vm1 =	veq.s32 v9, v7  }
0x1da: {  	s6 =	sor.u32 s6, s22;
	v8 =	vsel vm1, $0x0, v8  }
0x1db: {  	[tilespmem:s6+$0x10180] =	vst.add.f32.msk $0xffff, v8  }
0x1dc: {  	v8 =	vld [tilespmem:s7+$0x4110];
	_ =	sdelay $0x3  }
0x1dd: {  	s6 =	sadd.s32 $0x10180, s6  }
0x1de: {  	s24 =	sor.u32 $0x10, s6;
	v8 =	vsel vm1, $0x0, v8  }
0x1df: {  	[tilespmem:s24+$0x0] =	vst.add.f32.msk $0xffff, v8  }
0x1e0: {  	v8 =	vld [tilespmem:s7+$0x4120];
	_ =	sdelay $0x4  }
0x1e1: {  	s19 =	sor.u32 $0x20, s6;
	v8 =	vsel vm1, $0x0, v8  }
0x1e2: {  	[tilespmem:s19+$0x0] =	vst.add.f32.msk $0xffff, v8  }
0x1e3: {  	v8 =	vld [tilespmem:s7+$0x4130];
	_ =	sdelay $0x4  }
0x1e4: {  	s20 =	sor.u32 $0x30, s6;
	v8 =	vsel vm1, $0x0, v8  }
0x1e5: {  	[tilespmem:s20+$0x0] =	vst.add.f32.msk $0xffff, v8  }
0x1e6: {  	v8 =	vld [tilespmem:s7+$0x4140];
	_ =	sdelay $0x4  }
0x1e7: {  	s21 =	sor.u32 $0x40, s6;
	v8 =	vsel vm1, $0x0, v8  }
0x1e8: {  	[tilespmem:s21+$0x0] =	vst.add.f32.msk $0xffff, v8  }
0x1e9: {  	v8 =	vld [tilespmem:s7+$0x4150];
	_ =	sdelay $0x4  }
0x1ea: {  	s22 =	sor.u32 $0x50, s6;
	v8 =	vsel vm1, $0x0, v8  }
0x1eb: {  	[tilespmem:s22+$0x0] =	vst.add.f32.msk $0xffff, v8  }
0x1ec: {  	v8 =	vld [tilespmem:s7+$0x4160];
	_ =	sdelay $0x4  }
0x1ed: {  	s23 =	sor.u32 $0x60, s6;
	v8 =	vsel vm1, $0x0, v8  }
0x1ee: {  	vm2 =	vlt.s32 v3, v7;
	[tilespmem:s23+$0x0] =	vst.add.f32.msk $0xffff, v8  }
0x1ef: {  	v8 =	vnsel vm2, $0x7FF, v3;
	v9 =	vld [tilespmem:s7+$0x4170]  }
0x1f0: {  	v10 =	vshll.u32 v8, $0x3  }
0x1f1: {  	v11 =	vand.u32 $0x7, v8;
	v10 =	vand.u32 $0xFFFFFFC0, v10  }
0x1f2: {  	v10 =	vor.u32 v11, v10  }
0x1f3: {  	v11 =	vperm.xlane v10, v4  }
0x1f4: {  	s6 =	sor.u32 $0x70, s6;
	v9 =	vsel vm1, $0x0, v9  }
0x1f5: {  	s24 =	rddreg [dreg:$0xd];
	[tilespmem:s6+$0x0] =	vst.add.f32.msk $0xffff, v9;
	v9 =	vadd.s32 v5, v11  }
0x1f6: {  	[hbm4b:s24+s13] =	stream.strided.scatter [tilespmem:s18], [sflag:$0x6], $0x8000, s8, s13, $0x38;
	[tilespmem:$0x18180] =	vst v63  }
0x1f7: {  	s7 =	rddreg [dreg:$0xe]  }
0x1f8: {  	[tilespmem:s18], [sflag:$0x4] =	stream.strided.gather [hbm4b:s7+s13], $0x8000, s8, s13, $0x38;
	[tilespmem:$0x18180] =	vst v63  }
0x1f9: {  	s12 =	simm.s32 $0x4100;
	s19 =	simm.s32 $0x0;
	[tilespmem:$0x80] =	vst v8  }
0x1fa: {  	[tilespmem:s12], [sflag:$0x2] =	stream.indirect_vreg.gather [hbm4b:s1+s19], $0x80, v9, vm0, $0xb8;
	[tilespmem:$0x18180] =	vst v63  }
0x1fb: {  	s20 =	simm.s32 $0x4900;
	v8 =	vperm.xlane v10, v6  }
0x1fc: {  	[tilespmem:s20], [sflag:$0x2] =	stream.indirect_vreg.gather [hbm4b:s26+s19], $0x80, v9, vm0, $0xb8;
	[tilespmem:$0x18180] =	vst v63  }
0x1fd: {  	s21 =	simm.s32 $0x5100;
	v8 =	vadd.s32 v5, v8  }
0x1fe: {  	[tilespmem:s21], [sflag:$0x2] =	stream.indirect_vreg.gather [hbm4b:s28+s19], $0x80, v9, vm0, $0xb8;
	[tilespmem:$0x18180] =	vst v63  }
0x1ff: {  	s22 =	simm.s32 $0x5900  }
0x200: {  	[tilespmem:s22], [sflag:$0x2] =	stream.indirect_vreg.gather [hbm4b:s29+s19], $0x80, v9, vm0, $0xb8;
	[tilespmem:$0x18180] =	vst v63  }
0x201: {  	s23 =	simm.s32 $0x6100  }
0x202: {  	[tilespmem:s23], [sflag:$0x2] =	stream.indirect_vreg.gather [hbm4b:s1+s19], $0x80, v8, vm0, $0xb8;
	[tilespmem:$0x18180] =	vst v63  }
0x203: {  	s24 =	simm.s32 $0x6900  }
0x204: {  	[tilespmem:s24], [sflag:$0x2] =	stream.indirect_vreg.gather [hbm4b:s26+s19], $0x80, v8, vm0, $0xb8;
	[tilespmem:$0x18180] =	vst v63  }
0x205: {  	s7 =	simm.s32 $0x7100  }
0x206: {  	[tilespmem:s7], [sflag:$0x2] =	stream.indirect_vreg.gather [hbm4b:s28+s19], $0x80, v8, vm0, $0xb8;
	[tilespmem:$0x18180] =	vst v63  }
0x207: {  	s12 =	simm.s32 $0x7900  }
0x208: {  	[tilespmem:s12], [sflag:$0x2] =	stream.indirect_vreg.gather [hbm4b:s29+s19], $0x80, v8, vm0, $0xb8;
	[tilespmem:$0x18180] =	vst v63  }
0x209: {  	_ =	swait.ge [sflag:s0], $0x4000  }
0x20a: {  	[sflag:s0] =	ssyncset.done $0x0  }
0x20b: {  	[sflag:s0] =	ssyncadd.s32 $0xFFFFC000  }
0x20c: {  	_ =	swait.ge [sflag:s10], $0x8000  }
0x20d: {  	s20 =	simm.s32 $0x0;
	[sflag:s10] =	ssyncset.done $0x0  }
0x20e: {  	s6 =	sand.u32 $0x2000, s20;
	[sflag:s10] =	ssyncadd.s32 $0xFFFF8000  }
0x20f: {  	s21 =	simm.s32 $0x0;
	s22 =	sand.u32 $0x1C00, s19;
	_ =	swait.ge [sflag:s17], $0x8000  }
0x210: {  	s6 =	sor.u32 s22, s6;
	s7 =	sand.u32 $0x380, s21;
	[sflag:s17] =	ssyncset.done $0x0  }
0x211: {  	s21 =	sor.u32 s6, s7;
	[sflag:s17] =	ssyncadd.s32 $0xFFFF8000  }
0x212: {  	s23 =	simm.s32 $0x0;
	v8 =	vld [tilespmem:s21+$0x100]  }
0x213: {  	s12 =	sand.u32 $0xF, s23  }
0x214: {  	s12 =	sor.u32 s9, s12  }
0x215: {  	s24 =	sand.u32 $0x4000, s19;
	v9 =	vmov s12  }
0x216: {  	s6 =	sor.u32 s24, s6;
	vm1 =	veq.s32 v9, v7  }
0x217: {  	s6 =	sor.u32 s6, s7;
	v8 =	vsel vm1, $0x0, v8  }
0x218: {  	[tilespmem:s6+$0x8180] =	vst.add.f32.msk $0xffff, v8  }
0x219: {  	v8 =	vld [tilespmem:s21+$0x110];
	_ =	sdelay $0x4  }
0x21a: {  	v8 =	vsel vm1, $0x0, v8  }
0x21b: {  	[tilespmem:s6+$0x8190] =	vst.add.f32.msk $0xffff, v8  }
0x21c: {  	v8 =	vld [tilespmem:s21+$0x120];
	_ =	sdelay $0x4  }
0x21d: {  	v8 =	vsel vm1, $0x0, v8  }
0x21e: {  	[tilespmem:s6+$0x81A0] =	vst.add.f32.msk $0xffff, v8  }
0x21f: {  	v8 =	vld [tilespmem:s21+$0x130];
	_ =	sdelay $0x4  }
0x220: {  	v8 =	vsel vm1, $0x0, v8  }
0x221: {  	[tilespmem:s6+$0x81B0] =	vst.add.f32.msk $0xffff, v8  }
0x222: {  	v8 =	vld [tilespmem:s21+$0x140];
	_ =	sdelay $0x4  }
0x223: {  	v8 =	vsel vm1, $0x0, v8  }
0x224: {  	[tilespmem:s6+$0x81C0] =	vst.add.f32.msk $0xffff, v8  }
0x225: {  	v8 =	vld [tilespmem:s21+$0x150];
	_ =	sdelay $0x4  }
0x226: {  	v8 =	vsel vm1, $0x0, v8  }
0x227: {  	[tilespmem:s6+$0x81D0] =	vst.add.f32.msk $0xffff, v8  }
0x228: {  	v8 =	vld [tilespmem:s21+$0x160];
	_ =	sdelay $0x4  }
0x229: {  	v8 =	vsel vm1, $0x0, v8  }
0x22a: {  	[tilespmem:s6+$0x81E0] =	vst.add.f32.msk $0xffff, v8  }
0x22b: {  	v8 =	vld [tilespmem:s21+$0x170];
	_ =	sdelay $0x1  }
0x22c: {  	s20 =	simm.s32 $0x1;
	s22 =	simm.s32 $0x80  }
0x22d: {  	s7 =	simm.s32 $0x10;
	s12 =	simm.s32 $0x400;
	s21 =	simm.s32 $0x2  }
.LBB2_10:
0x22e: {  	p0 =	sne.s32 s21, $0xFF;
	s22 =	sand.u32 $0x2000, s22;
	s23 =	sand.u32 $0x1C00, s12  }
0x22f: {  	s24 =	sand.u32 $0x380, s7;
	s22 =	sor.u32 s23, s22;
	v8 =	vsel vm1, $0x0, v8  }
0x230: {  	s7 =	sor.u32 s22, s24;
	[tilespmem:s6+$0x81F0] =	vst.add.f32.msk $0xffff, v8  }
0x231: {  	s6 =	sshrl.u32 s20, $0x3;
	s20 =	smov.u32 s21;
	v8 =	vld [tilespmem:s7+$0x100]  }
0x232: {  	s6 =	sand.u32 $0xF, s6  }
0x233: {  	s19 =	sadd.s32 $0x80, s19;
	s6 =	sor.u32 s9, s6  }
0x234: {  	v9 =	vmov s6;
	s6 =	sand.u32 $0x4000, s19  }
0x235: {  	vm1 =	veq.s32 v9, v7;
	s6 =	sor.u32 s6, s22  }
0x236: {  	s6 =	sor.u32 s6, s24;
	v8 =	vsel vm1, $0x0, v8  }
0x237: {  	[tilespmem:s6+$0x8180] =	vst.add.f32.msk $0xffff, v8  }
0x238: {  	v8 =	vld [tilespmem:s7+$0x110];
	_ =	sdelay $0x4  }
0x239: {  	v8 =	vsel vm1, $0x0, v8  }
0x23a: {  	[tilespmem:s6+$0x8190] =	vst.add.f32.msk $0xffff, v8  }
0x23b: {  	v8 =	vld [tilespmem:s7+$0x120];
	_ =	sdelay $0x4  }
0x23c: {  	v8 =	vsel vm1, $0x0, v8  }
0x23d: {  	[tilespmem:s6+$0x81A0] =	vst.add.f32.msk $0xffff, v8  }
0x23e: {  	v8 =	vld [tilespmem:s7+$0x130];
	_ =	sdelay $0x4  }
0x23f: {  	v8 =	vsel vm1, $0x0, v8  }
0x240: {  	[tilespmem:s6+$0x81B0] =	vst.add.f32.msk $0xffff, v8  }
0x241: {  	v8 =	vld [tilespmem:s7+$0x140];
	_ =	sdelay $0x4  }
0x242: {  	v8 =	vsel vm1, $0x0, v8  }
0x243: {  	[tilespmem:s6+$0x81C0] =	vst.add.f32.msk $0xffff, v8  }
0x244: {  	v8 =	vld [tilespmem:s7+$0x150];
	_ =	sdelay $0x4  }
0x245: {  	v8 =	vsel vm1, $0x0, v8  }
0x246: {  	[tilespmem:s6+$0x81D0] =	vst.add.f32.msk $0xffff, v8  }
0x247: {  	v8 =	vld [tilespmem:s7+$0x160];
	_ =	sdelay $0x4  }
0x248: {  	v8 =	vsel vm1, $0x0, v8  }
.Ltmp4:
0x249: {  	[tilespmem:s6+$0x81E0] =	vst.add.f32.msk $0xffff, v8;
	(pc) =	sbr.rel @p0 .LBB2_10-.Ltmp4, $3  }
0x24a: {  	v8 =	vld [tilespmem:s7+$0x170];
	_ =	sdelay $0x1  }
0x24b: {  	s12 =	sadd.s32 $0x400, s12  }
0x24c: {  	s21 =	sadd.s32 $0x1, s21;
	s22 =	sshll.u32 s20, $0x7;
	s7 =	sshll.u32 s20, $0x4  }
0x24d: {  	s21 =	sand.u32 $0x2000, s22;
	s12 =	sand.u32 $0x1C00, s12  }
0x24e: {  	s7 =	sand.u32 $0x380, s7;
	s12 =	sor.u32 s12, s21;
	v8 =	vsel vm1, $0x0, v8  }
0x24f: {  	s21 =	sor.u32 s12, s7;
	[tilespmem:s6+$0x81F0] =	vst.add.f32.msk $0xffff, v8  }
0x250: {  	s24 =	sshrl.u32 s20, $0x3;
	v8 =	vld [tilespmem:s21+$0x100]  }
0x251: {  	s6 =	sand.u32 $0xF, s24  }
0x252: {  	s19 =	sadd.s32 $0x80, s19;
	s6 =	sor.u32 s9, s6  }
0x253: {  	s20 =	sand.u32 $0x4000, s19;
	v9 =	vmov s6  }
0x254: {  	s6 =	sor.u32 s20, s12;
	vm1 =	veq.s32 v9, v7  }
0x255: {  	s6 =	sor.u32 s6, s7;
	v8 =	vsel vm1, $0x0, v8  }
0x256: {  	[tilespmem:s6+$0x8180] =	vst.add.f32.msk $0xffff, v8  }
0x257: {  	v8 =	vld [tilespmem:s21+$0x110];
	_ =	sdelay $0x4  }
0x258: {  	v8 =	vsel vm1, $0x0, v8  }
0x259: {  	[tilespmem:s6+$0x8190] =	vst.add.f32.msk $0xffff, v8  }
0x25a: {  	v8 =	vld [tilespmem:s21+$0x120];
	_ =	sdelay $0x4  }
0x25b: {  	v8 =	vsel vm1, $0x0, v8  }
0x25c: {  	[tilespmem:s6+$0x81A0] =	vst.add.f32.msk $0xffff, v8  }
0x25d: {  	v8 =	vld [tilespmem:s21+$0x130];
	_ =	sdelay $0x4  }
0x25e: {  	v8 =	vsel vm1, $0x0, v8  }
0x25f: {  	[tilespmem:s6+$0x81B0] =	vst.add.f32.msk $0xffff, v8  }
0x260: {  	v8 =	vld [tilespmem:s21+$0x140];
	_ =	sdelay $0x4  }
0x261: {  	v8 =	vsel vm1, $0x0, v8  }
0x262: {  	[tilespmem:s6+$0x81C0] =	vst.add.f32.msk $0xffff, v8  }
0x263: {  	v8 =	vld [tilespmem:s21+$0x150];
	_ =	sdelay $0x4  }
0x264: {  	v8 =	vsel vm1, $0x0, v8  }
0x265: {  	[tilespmem:s6+$0x81D0] =	vst.add.f32.msk $0xffff, v8  }
0x266: {  	v8 =	vld [tilespmem:s21+$0x160];
	_ =	sdelay $0x4  }
0x267: {  	v8 =	vsel vm1, $0x0, v8  }
0x268: {  	[tilespmem:s6+$0x81E0] =	vst.add.f32.msk $0xffff, v8  }
0x269: {  	v8 =	vld [tilespmem:s21+$0x170];
	_ =	sdelay $0x4  }
0x26a: {  	v8 =	vsel vm1, $0x0, v8  }
0x26b: {  	s21 =	rddreg [dreg:$0xf];
	[tilespmem:s6+$0x81F0] =	vst.add.f32.msk $0xffff, v8  }
0x26c: {  	[hbm4b:s21+s13] =	stream.strided.scatter [tilespmem:s14], [sflag:$0x5], $0x8000, s8, s13, $0x38;
	[tilespmem:$0x18180] =	vst v63  }
0x26d: {  	s22 =	rddreg [dreg:$0x10]  }
0x26e: {  	[tilespmem:s14], [sflag:$0x3] =	stream.strided.gather [hbm4b:s22+s13], $0x8000, s8, s13, $0x38;
	[tilespmem:$0x18180] =	vst v63  }
0x26f: {  	_ =	swait.ge [sflag:s16], $0x8000  }
0x270: {  	s19 =	simm.s32 $0x0;
	[sflag:s16] =	ssyncset.done $0x0  }
0x271: {  	s23 =	simm.s32 $0x0;
	s24 =	sand.u32 $0x1C00, s19;
	[sflag:s16] =	ssyncadd.s32 $0xFFFF8000  }
0x272: {  	s20 =	simm.s32 $0x0;
	s6 =	sand.u32 $0x2000, s23;
	_ =	swait.ge [sflag:s5], $0x8000  }
0x273: {  	s12 =	sand.u32 $0x380, s20;
	s6 =	sor.u32 s24, s6;
	[sflag:s5] =	ssyncset.done $0x0  }
0x274: {  	s7 =	sor.u32 s6, s12;
	[sflag:s5] =	ssyncadd.s32 $0xFFFF8000  }
0x275: {  	s21 =	simm.s32 $0x0;
	v8 =	vld [tilespmem:s7+$0x100]  }
0x276: {  	s20 =	sand.u32 $0xF, s21  }
0x277: {  	s20 =	sor.u32 s9, s20  }
0x278: {  	s22 =	sand.u32 $0x4000, s19;
	v9 =	vmov s20  }
0x279: {  	s6 =	sor.u32 s22, s6;
	vm1 =	veq.s32 v9, v7  }
0x27a: {  	s6 =	sor.u32 s6, s12;
	v8 =	vsel vm1, $0x0, v8  }
0x27b: {  	[tilespmem:s6+$0x10180] =	vst.add.f32.msk $0xffff, v8  }
0x27c: {  	v8 =	vld [tilespmem:s7+$0x110];
	_ =	sdelay $0x3  }
0x27d: {  	s12 =	sadd.s32 $0x10180, s6  }
0x27e: {  	s6 =	sor.u32 $0x10, s12;
	v8 =	vsel vm1, $0x0, v8  }
0x27f: {  	[tilespmem:s6+$0x0] =	vst.add.f32.msk $0xffff, v8  }
0x280: {  	v8 =	vld [tilespmem:s7+$0x120];
	_ =	sdelay $0x4  }
0x281: {  	s23 =	sor.u32 $0x20, s12;
	v8 =	vsel vm1, $0x0, v8  }
0x282: {  	[tilespmem:s23+$0x0] =	vst.add.f32.msk $0xffff, v8  }
0x283: {  	v8 =	vld [tilespmem:s7+$0x130];
	_ =	sdelay $0x4  }
0x284: {  	s24 =	sor.u32 $0x30, s12;
	v8 =	vsel vm1, $0x0, v8  }
0x285: {  	[tilespmem:s24+$0x0] =	vst.add.f32.msk $0xffff, v8  }
0x286: {  	v8 =	vld [tilespmem:s7+$0x140];
	_ =	sdelay $0x4  }
0x287: {  	s20 =	sor.u32 $0x40, s12;
	v8 =	vsel vm1, $0x0, v8  }
0x288: {  	[tilespmem:s20+$0x0] =	vst.add.f32.msk $0xffff, v8  }
0x289: {  	v8 =	vld [tilespmem:s7+$0x150];
	_ =	sdelay $0x4  }
0x28a: {  	s21 =	sor.u32 $0x50, s12;
	v8 =	vsel vm1, $0x0, v8  }
0x28b: {  	[tilespmem:s21+$0x0] =	vst.add.f32.msk $0xffff, v8  }
0x28c: {  	v8 =	vld [tilespmem:s7+$0x160];
	_ =	sdelay $0x4  }
0x28d: {  	s22 =	sor.u32 $0x60, s12;
	v8 =	vsel vm1, $0x0, v8  }
0x28e: {  	[tilespmem:s22+$0x0] =	vst.add.f32.msk $0xffff, v8  }
0x28f: {  	v8 =	vld [tilespmem:s7+$0x170];
	_ =	sdelay $0x1  }
0x290: {  	s23 =	simm.s32 $0x80;
	s20 =	simm.s32 $0x400  }
0x291: {  	s21 =	sand.u32 $0x2000, s23;
	s23 =	sand.u32 $0x1C00, s20  }
0x292: {  	s6 =	simm.s32 $0x1;
	s24 =	simm.s32 $0x10;
	s23 =	sor.u32 s23, s21  }
0x293: {  	s22 =	sand.u32 $0x380, s24;
	s24 =	sor.u32 $0x70, s12;
	s7 =	simm.s32 $0x2;
	v8 =	vsel vm1, $0x0, v8  }
.LBB2_12:
0x294: {  	s21 =	sor.u32 s23, s22  }
0x295: {  	[tilespmem:s24+$0x0] =	vst.add.f32.msk $0xffff, v8;
	s19 =	sadd.s32 $0x80, s19;
	s24 =	smov.u32 s7;
	s12 =	sadd.s32 $0x1, s7  }
0x296: {  	p0 =	sne.s32 s7, $0xFF;
	s7 =	sshrl.u32 s6, $0x3;
	v8 =	vld [tilespmem:s21+$0x100];
	s6 =	smov.u32 s24  }
0x297: {  	s7 =	sand.u32 $0xF, s7  }
0x298: {  	s7 =	sor.u32 s9, s7  }
0x299: {  	v9 =	vmov s7;
	s7 =	sand.u32 $0x4000, s19  }
0x29a: {  	vm1 =	veq.s32 v9, v7;
	s7 =	sor.u32 s7, s23  }
0x29b: {  	s22 =	sor.u32 s7, s22;
	v8 =	vsel vm1, $0x0, v8  }
0x29c: {  	s7 =	sadd.s32 $0x10180, s22;
	[tilespmem:s22+$0x10180] =	vst.add.f32.msk $0xffff, v8  }
0x29d: {  	v8 =	vld [tilespmem:s21+$0x110];
	_ =	sdelay $0x4  }
0x29e: {  	s22 =	sor.u32 $0x10, s7;
	v8 =	vsel vm1, $0x0, v8  }
0x29f: {  	[tilespmem:s22+$0x0] =	vst.add.f32.msk $0xffff, v8  }
0x2a0: {  	v8 =	vld [tilespmem:s21+$0x120];
	_ =	sdelay $0x4  }
0x2a1: {  	s22 =	sor.u32 $0x20, s7;
	v8 =	vsel vm1, $0x0, v8  }
0x2a2: {  	[tilespmem:s22+$0x0] =	vst.add.f32.msk $0xffff, v8  }
0x2a3: {  	v8 =	vld [tilespmem:s21+$0x130];
	_ =	sdelay $0x4  }
0x2a4: {  	s22 =	sor.u32 $0x30, s7;
	v8 =	vsel vm1, $0x0, v8  }
0x2a5: {  	[tilespmem:s22+$0x0] =	vst.add.f32.msk $0xffff, v8  }
0x2a6: {  	v8 =	vld [tilespmem:s21+$0x140];
	_ =	sdelay $0x4  }
0x2a7: {  	s22 =	sor.u32 $0x40, s7;
	v8 =	vsel vm1, $0x0, v8  }
0x2a8: {  	[tilespmem:s22+$0x0] =	vst.add.f32.msk $0xffff, v8  }
0x2a9: {  	v8 =	vld [tilespmem:s21+$0x150];
	_ =	sdelay $0x4  }
0x2aa: {  	s22 =	sor.u32 $0x50, s7;
	v8 =	vsel vm1, $0x0, v8  }
0x2ab: {  	[tilespmem:s22+$0x0] =	vst.add.f32.msk $0xffff, v8  }
0x2ac: {  	v8 =	vld [tilespmem:s21+$0x160];
	_ =	sdelay $0x4  }
0x2ad: {  	s22 =	sor.u32 $0x60, s7;
	v8 =	vsel vm1, $0x0, v8  }
0x2ae: {  	[tilespmem:s22+$0x0] =	vst.add.f32.msk $0xffff, v8  }
0x2af: {  	v8 =	vld [tilespmem:s21+$0x170]  }
.Ltmp5:
0x2b0: {  	(pc) =	sbr.rel @p0 .LBB2_12-.Ltmp5, $4  }
0x2b1: {  	s20 =	sadd.s32 $0x400, s20  }
0x2b2: {  	s23 =	sand.u32 $0x1C00, s20;
	s21 =	sshll.u32 s6, $0x7  }
0x2b3: {  	s24 =	sor.u32 $0x70, s7;
	s22 =	sshll.u32 s6, $0x4;
	s21 =	sand.u32 $0x2000, s21  }
0x2b4: {  	s7 =	smov.u32 s12;
	s22 =	sand.u32 $0x380, s22;
	s23 =	sor.u32 s23, s21;
	v8 =	vsel vm1, $0x0, v8  }
0x2b5: {  	s7 =	sor.u32 s23, s22;
	[tilespmem:s24+$0x0] =	vst.add.f32.msk $0xffff, v8  }
0x2b6: {  	s6 =	sshrl.u32 s6, $0x3;
	v8 =	vld [tilespmem:s7+$0x100]  }
0x2b7: {  	s6 =	sand.u32 $0xF, s6  }
0x2b8: {  	s12 =	sadd.s32 $0x80, s19;
	s6 =	sor.u32 s9, s6  }
0x2b9: {  	s12 =	sand.u32 $0x4000, s12;
	v9 =	vmov s6  }
0x2ba: {  	s6 =	sor.u32 s12, s23;
	vm1 =	veq.s32 v9, v7  }
0x2bb: {  	s6 =	sor.u32 s6, s22;
	v8 =	vsel vm1, $0x0, v8  }
0x2bc: {  	[tilespmem:s6+$0x10180] =	vst.add.f32.msk $0xffff, v8  }
0x2bd: {  	v8 =	vld [tilespmem:s7+$0x110];
	_ =	sdelay $0x3  }
0x2be: {  	s6 =	sadd.s32 $0x10180, s6  }
0x2bf: {  	s19 =	sor.u32 $0x10, s6;
	v8 =	vsel vm1, $0x0, v8  }
0x2c0: {  	[tilespmem:s19+$0x0] =	vst.add.f32.msk $0xffff, v8  }
0x2c1: {  	v8 =	vld [tilespmem:s7+$0x120];
	_ =	sdelay $0x4  }
0x2c2: {  	s20 =	sor.u32 $0x20, s6;
	v8 =	vsel vm1, $0x0, v8  }
0x2c3: {  	[tilespmem:s20+$0x0] =	vst.add.f32.msk $0xffff, v8  }
0x2c4: {  	v8 =	vld [tilespmem:s7+$0x130];
	_ =	sdelay $0x4  }
0x2c5: {  	s21 =	sor.u32 $0x30, s6;
	v8 =	vsel vm1, $0x0, v8  }
0x2c6: {  	[tilespmem:s21+$0x0] =	vst.add.f32.msk $0xffff, v8  }
0x2c7: {  	v8 =	vld [tilespmem:s7+$0x140];
	_ =	sdelay $0x4  }
0x2c8: {  	s22 =	sor.u32 $0x40, s6;
	v8 =	vsel vm1, $0x0, v8  }
0x2c9: {  	[tilespmem:s22+$0x0] =	vst.add.f32.msk $0xffff, v8  }
0x2ca: {  	v8 =	vld [tilespmem:s7+$0x150];
	_ =	sdelay $0x4  }
0x2cb: {  	s23 =	sor.u32 $0x50, s6;
	v8 =	vsel vm1, $0x0, v8  }
0x2cc: {  	[tilespmem:s23+$0x0] =	vst.add.f32.msk $0xffff, v8  }
0x2cd: {  	v8 =	vld [tilespmem:s7+$0x160];
	_ =	sdelay $0x4  }
0x2ce: {  	s24 =	sor.u32 $0x60, s6;
	v8 =	vsel vm1, $0x0, v8  }
0x2cf: {  	[tilespmem:s24+$0x0] =	vst.add.f32.msk $0xffff, v8  }
0x2d0: {  	v8 =	vld [tilespmem:s7+$0x170];
	_ =	sdelay $0x4  }
0x2d1: {  	s6 =	sor.u32 $0x70, s6;
	v8 =	vsel vm1, $0x0, v8  }
0x2d2: {  	s12 =	rddreg [dreg:$0x11];
	[tilespmem:s6+$0x0] =	vst.add.f32.msk $0xffff, v8  }
0x2d3: {  	[hbm4b:s12+s13] =	stream.strided.scatter [tilespmem:s18], [sflag:$0x6], $0x8000, s8, s13, $0x38;
	[tilespmem:$0x18180] =	vst v63  }
0x2d4: {  	s19 =	rddreg [dreg:$0x12]  }
0x2d5: {  	[tilespmem:s18], [sflag:$0x4] =	stream.strided.gather [hbm4b:s19+s13], $0x8000, s8, s13, $0x38;
	[tilespmem:$0x18180] =	vst v63  }
0x2d6: {  	_ =	swait.ge [sflag:s30], $0x4000  }
0x2d7: {  	[sflag:s30] =	ssyncset.done $0x0  }
0x2d8: {  	[sflag:s30] =	ssyncadd.s32 $0xFFFFC000  }
0x2d9: {  	_ =	swait.ge [sflag:s10], $0x8000  }
0x2da: {  	s20 =	simm.s32 $0x0;
	[sflag:s10] =	ssyncset.done $0x0  }
0x2db: {  	s21 =	simm.s32 $0x0;
	s19 =	simm.s32 $0x0;
	[sflag:s10] =	ssyncadd.s32 $0xFFFF8000  }
0x2dc: {  	s6 =	sand.u32 $0x2000, s20;
	s22 =	sand.u32 $0x1C00, s19;
	_ =	swait.ge [sflag:s17], $0x8000  }
0x2dd: {  	s7 =	sand.u32 $0x380, s21;
	s6 =	sor.u32 s22, s6;
	[sflag:s17] =	ssyncset.done $0x0  }
0x2de: {  	s21 =	sor.u32 s6, s7;
	[sflag:s17] =	ssyncadd.s32 $0xFFFF8000  }
0x2df: {  	s23 =	simm.s32 $0x0;
	v8 =	vld [tilespmem:s21+$0x4100]  }
0x2e0: {  	s12 =	sand.u32 $0xF, s23  }
0x2e1: {  	s12 =	sor.u32 s15, s12  }
0x2e2: {  	v9 =	vmov s12;
	s24 =	sand.u32 $0x4000, s19  }
0x2e3: {  	vm1 =	veq.s32 v9, v7;
	s6 =	sor.u32 s24, s6  }
0x2e4: {  	s6 =	sor.u32 s6, s7;
	v8 =	vsel vm1, $0x0, v8  }
0x2e5: {  	[tilespmem:s6+$0x8180] =	vst.add.f32.msk $0xffff, v8  }
0x2e6: {  	v8 =	vld [tilespmem:s21+$0x4110];
	_ =	sdelay $0x4  }
0x2e7: {  	v8 =	vsel vm1, $0x0, v8  }
0x2e8: {  	[tilespmem:s6+$0x8190] =	vst.add.f32.msk $0xffff, v8  }
0x2e9: {  	v8 =	vld [tilespmem:s21+$0x4120];
	_ =	sdelay $0x4  }
0x2ea: {  	v8 =	vsel vm1, $0x0, v8  }
0x2eb: {  	[tilespmem:s6+$0x81A0] =	vst.add.f32.msk $0xffff, v8  }
0x2ec: {  	v8 =	vld [tilespmem:s21+$0x4130];
	_ =	sdelay $0x4  }
0x2ed: {  	v8 =	vsel vm1, $0x0, v8  }
0x2ee: {  	[tilespmem:s6+$0x81B0] =	vst.add.f32.msk $0xffff, v8  }
0x2ef: {  	v8 =	vld [tilespmem:s21+$0x4140];
	_ =	sdelay $0x4  }
0x2f0: {  	v8 =	vsel vm1, $0x0, v8  }
0x2f1: {  	[tilespmem:s6+$0x81C0] =	vst.add.f32.msk $0xffff, v8  }
0x2f2: {  	v8 =	vld [tilespmem:s21+$0x4150];
	_ =	sdelay $0x4  }
0x2f3: {  	v8 =	vsel vm1, $0x0, v8  }
0x2f4: {  	[tilespmem:s6+$0x81D0] =	vst.add.f32.msk $0xffff, v8  }
0x2f5: {  	v8 =	vld [tilespmem:s21+$0x4160];
	_ =	sdelay $0x4  }
0x2f6: {  	v8 =	vsel vm1, $0x0, v8  }
0x2f7: {  	[tilespmem:s6+$0x81E0] =	vst.add.f32.msk $0xffff, v8  }
0x2f8: {  	v8 =	vld [tilespmem:s21+$0x4170];
	_ =	sdelay $0x1  }
0x2f9: {  	s20 =	simm.s32 $0x1;
	s12 =	simm.s32 $0x400  }
0x2fa: {  	s22 =	simm.s32 $0x80;
	s7 =	simm.s32 $0x10;
	s21 =	simm.s32 $0x2  }
.LBB2_14:
0x2fb: {  	p0 =	sne.s32 s21, $0xFF;
	s22 =	sand.u32 $0x2000, s22;
	s23 =	sand.u32 $0x1C00, s12  }
0x2fc: {  	s24 =	sand.u32 $0x380, s7;
	s22 =	sor.u32 s23, s22;
	v8 =	vsel vm1, $0x0, v8  }
0x2fd: {  	s7 =	sor.u32 s22, s24;
	[tilespmem:s6+$0x81F0] =	vst.add.f32.msk $0xffff, v8  }
0x2fe: {  	s6 =	sshrl.u32 s20, $0x3;
	s20 =	smov.u32 s21;
	v8 =	vld [tilespmem:s7+$0x4100]  }
0x2ff: {  	s6 =	sand.u32 $0xF, s6  }
0x300: {  	s19 =	sadd.s32 $0x80, s19;
	s6 =	sor.u32 s15, s6  }
0x301: {  	v9 =	vmov s6;
	s6 =	sand.u32 $0x4000, s19  }
0x302: {  	vm1 =	veq.s32 v9, v7;
	s6 =	sor.u32 s6, s22  }
0x303: {  	s6 =	sor.u32 s6, s24;
	v8 =	vsel vm1, $0x0, v8  }
0x304: {  	[tilespmem:s6+$0x8180] =	vst.add.f32.msk $0xffff, v8  }
0x305: {  	v8 =	vld [tilespmem:s7+$0x4110];
	_ =	sdelay $0x4  }
0x306: {  	v8 =	vsel vm1, $0x0, v8  }
0x307: {  	[tilespmem:s6+$0x8190] =	vst.add.f32.msk $0xffff, v8  }
0x308: {  	v8 =	vld [tilespmem:s7+$0x4120];
	_ =	sdelay $0x4  }
0x309: {  	v8 =	vsel vm1, $0x0, v8  }
0x30a: {  	[tilespmem:s6+$0x81A0] =	vst.add.f32.msk $0xffff, v8  }
0x30b: {  	v8 =	vld [tilespmem:s7+$0x4130];
	_ =	sdelay $0x4  }
0x30c: {  	v8 =	vsel vm1, $0x0, v8  }
0x30d: {  	[tilespmem:s6+$0x81B0] =	vst.add.f32.msk $0xffff, v8  }
0x30e: {  	v8 =	vld [tilespmem:s7+$0x4140];
	_ =	sdelay $0x4  }
0x30f: {  	v8 =	vsel vm1, $0x0, v8  }
0x310: {  	[tilespmem:s6+$0x81C0] =	vst.add.f32.msk $0xffff, v8  }
0x311: {  	v8 =	vld [tilespmem:s7+$0x4150];
	_ =	sdelay $0x4  }
0x312: {  	v8 =	vsel vm1, $0x0, v8  }
0x313: {  	[tilespmem:s6+$0x81D0] =	vst.add.f32.msk $0xffff, v8  }
0x314: {  	v8 =	vld [tilespmem:s7+$0x4160];
	_ =	sdelay $0x4  }
0x315: {  	v8 =	vsel vm1, $0x0, v8  }
.Ltmp6:
0x316: {  	[tilespmem:s6+$0x81E0] =	vst.add.f32.msk $0xffff, v8;
	(pc) =	sbr.rel @p0 .LBB2_14-.Ltmp6, $3  }
0x317: {  	v8 =	vld [tilespmem:s7+$0x4170];
	_ =	sdelay $0x1  }
0x318: {  	s12 =	sadd.s32 $0x400, s12  }
0x319: {  	s21 =	sadd.s32 $0x1, s21;
	s22 =	sshll.u32 s20, $0x7;
	s7 =	sshll.u32 s20, $0x4  }
0x31a: {  	s21 =	sand.u32 $0x2000, s22;
	s12 =	sand.u32 $0x1C00, s12  }
0x31b: {  	s7 =	sand.u32 $0x380, s7;
	s12 =	sor.u32 s12, s21;
	v8 =	vsel vm1, $0x0, v8  }
0x31c: {  	s21 =	sor.u32 s12, s7;
	[tilespmem:s6+$0x81F0] =	vst.add.f32.msk $0xffff, v8  }
0x31d: {  	s24 =	sshrl.u32 s20, $0x3;
	v8 =	vld [tilespmem:s21+$0x4100]  }
0x31e: {  	s6 =	sand.u32 $0xF, s24  }
0x31f: {  	s19 =	sadd.s32 $0x80, s19;
	s6 =	sor.u32 s15, s6  }
0x320: {  	s20 =	sand.u32 $0x4000, s19;
	v9 =	vmov s6  }
0x321: {  	s6 =	sor.u32 s20, s12;
	vm1 =	veq.s32 v9, v7  }
0x322: {  	s6 =	sor.u32 s6, s7;
	v8 =	vsel vm1, $0x0, v8  }
0x323: {  	[tilespmem:s6+$0x8180] =	vst.add.f32.msk $0xffff, v8  }
0x324: {  	v8 =	vld [tilespmem:s21+$0x4110];
	_ =	sdelay $0x4  }
0x325: {  	v8 =	vsel vm1, $0x0, v8  }
0x326: {  	[tilespmem:s6+$0x8190] =	vst.add.f32.msk $0xffff, v8  }
0x327: {  	v8 =	vld [tilespmem:s21+$0x4120];
	_ =	sdelay $0x4  }
0x328: {  	v8 =	vsel vm1, $0x0, v8  }
0x329: {  	[tilespmem:s6+$0x81A0] =	vst.add.f32.msk $0xffff, v8  }
0x32a: {  	v8 =	vld [tilespmem:s21+$0x4130];
	_ =	sdelay $0x4  }
0x32b: {  	v8 =	vsel vm1, $0x0, v8  }
0x32c: {  	[tilespmem:s6+$0x81B0] =	vst.add.f32.msk $0xffff, v8  }
0x32d: {  	v8 =	vld [tilespmem:s21+$0x4140];
	_ =	sdelay $0x4  }
0x32e: {  	v8 =	vsel vm1, $0x0, v8  }
0x32f: {  	[tilespmem:s6+$0x81C0] =	vst.add.f32.msk $0xffff, v8  }
0x330: {  	v8 =	vld [tilespmem:s21+$0x4150];
	_ =	sdelay $0x4  }
0x331: {  	v8 =	vsel vm1, $0x0, v8  }
0x332: {  	[tilespmem:s6+$0x81D0] =	vst.add.f32.msk $0xffff, v8  }
0x333: {  	v8 =	vld [tilespmem:s21+$0x4160];
	_ =	sdelay $0x4  }
0x334: {  	v8 =	vsel vm1, $0x0, v8  }
0x335: {  	[tilespmem:s6+$0x81E0] =	vst.add.f32.msk $0xffff, v8  }
0x336: {  	v8 =	vld [tilespmem:s21+$0x4170];
	_ =	sdelay $0x4  }
0x337: {  	v8 =	vsel vm1, $0x0, v8  }
0x338: {  	s22 =	rddreg [dreg:$0x13];
	[tilespmem:s6+$0x81F0] =	vst.add.f32.msk $0xffff, v8  }
0x339: {  	[hbm4b:s22+s13] =	stream.strided.scatter [tilespmem:s14], [sflag:$0x5], $0x8000, s8, s13, $0x38;
	[tilespmem:$0x18180] =	vst v63  }
0x33a: {  	_ =	swait.ge [sflag:s16], $0x8000  }
0x33b: {  	s19 =	simm.s32 $0x0;
	[sflag:s16] =	ssyncset.done $0x0  }
0x33c: {  	s23 =	simm.s32 $0x0;
	s24 =	sand.u32 $0x1C00, s19;
	[sflag:s16] =	ssyncadd.s32 $0xFFFF8000  }
0x33d: {  	s20 =	simm.s32 $0x0;
	s6 =	sand.u32 $0x2000, s23;
	_ =	swait.ge [sflag:s5], $0x8000  }
0x33e: {  	s12 =	sand.u32 $0x380, s20;
	s6 =	sor.u32 s24, s6;
	[sflag:s5] =	ssyncset.done $0x0  }
0x33f: {  	s7 =	sor.u32 s6, s12;
	[sflag:s5] =	ssyncadd.s32 $0xFFFF8000  }
0x340: {  	s21 =	simm.s32 $0x0;
	v8 =	vld [tilespmem:s7+$0x4100]  }
0x341: {  	s20 =	sand.u32 $0xF, s21  }
0x342: {  	s20 =	sor.u32 s15, s20  }
0x343: {  	v9 =	vmov s20;
	s22 =	sand.u32 $0x4000, s19  }
0x344: {  	vm1 =	veq.s32 v9, v7;
	s6 =	sor.u32 s22, s6  }
0x345: {  	s6 =	sor.u32 s6, s12;
	v8 =	vsel vm1, $0x0, v8  }
0x346: {  	[tilespmem:s6+$0x10180] =	vst.add.f32.msk $0xffff, v8  }
0x347: {  	v8 =	vld [tilespmem:s7+$0x4110];
	_ =	sdelay $0x3  }
0x348: {  	s12 =	sadd.s32 $0x10180, s6  }
0x349: {  	s6 =	sor.u32 $0x10, s12;
	v8 =	vsel vm1, $0x0, v8  }
0x34a: {  	[tilespmem:s6+$0x0] =	vst.add.f32.msk $0xffff, v8  }
0x34b: {  	v8 =	vld [tilespmem:s7+$0x4120];
	_ =	sdelay $0x4  }
0x34c: {  	s23 =	sor.u32 $0x20, s12;
	v8 =	vsel vm1, $0x0, v8  }
0x34d: {  	[tilespmem:s23+$0x0] =	vst.add.f32.msk $0xffff, v8  }
0x34e: {  	v8 =	vld [tilespmem:s7+$0x4130];
	_ =	sdelay $0x4  }
0x34f: {  	s24 =	sor.u32 $0x30, s12;
	v8 =	vsel vm1, $0x0, v8  }
0x350: {  	[tilespmem:s24+$0x0] =	vst.add.f32.msk $0xffff, v8  }
0x351: {  	v8 =	vld [tilespmem:s7+$0x4140];
	_ =	sdelay $0x4  }
0x352: {  	s20 =	sor.u32 $0x40, s12;
	v8 =	vsel vm1, $0x0, v8  }
0x353: {  	[tilespmem:s20+$0x0] =	vst.add.f32.msk $0xffff, v8  }
0x354: {  	v8 =	vld [tilespmem:s7+$0x4150];
	_ =	sdelay $0x4  }
0x355: {  	s21 =	sor.u32 $0x50, s12;
	v8 =	vsel vm1, $0x0, v8  }
0x356: {  	[tilespmem:s21+$0x0] =	vst.add.f32.msk $0xffff, v8  }
0x357: {  	v8 =	vld [tilespmem:s7+$0x4160];
	_ =	sdelay $0x4  }
0x358: {  	s22 =	sor.u32 $0x60, s12;
	v8 =	vsel vm1, $0x0, v8  }
0x359: {  	[tilespmem:s22+$0x0] =	vst.add.f32.msk $0xffff, v8  }
0x35a: {  	v8 =	vld [tilespmem:s7+$0x4170];
	_ =	sdelay $0x1  }
0x35b: {  	s23 =	simm.s32 $0x80;
	s20 =	simm.s32 $0x400  }
0x35c: {  	s21 =	sand.u32 $0x2000, s23;
	s23 =	sand.u32 $0x1C00, s20  }
0x35d: {  	s6 =	simm.s32 $0x1;
	s24 =	simm.s32 $0x10;
	s23 =	sor.u32 s23, s21  }
0x35e: {  	s22 =	sand.u32 $0x380, s24;
	s24 =	sor.u32 $0x70, s12;
	s7 =	simm.s32 $0x2;
	v8 =	vsel vm1, $0x0, v8  }
.LBB2_16:
0x35f: {  	s21 =	sor.u32 s23, s22  }
0x360: {  	[tilespmem:s24+$0x0] =	vst.add.f32.msk $0xffff, v8;
	s19 =	sadd.s32 $0x80, s19;
	s24 =	smov.u32 s7;
	s12 =	sadd.s32 $0x1, s7  }
0x361: {  	p0 =	sne.s32 s7, $0xFF;
	s7 =	sshrl.u32 s6, $0x3;
	v8 =	vld [tilespmem:s21+$0x4100];
	s6 =	smov.u32 s24  }
0x362: {  	s7 =	sand.u32 $0xF, s7  }
0x363: {  	s7 =	sor.u32 s15, s7  }
0x364: {  	v9 =	vmov s7;
	s7 =	sand.u32 $0x4000, s19  }
0x365: {  	vm1 =	veq.s32 v9, v7;
	s7 =	sor.u32 s7, s23  }
0x366: {  	s22 =	sor.u32 s7, s22;
	v8 =	vsel vm1, $0x0, v8  }
0x367: {  	s7 =	sadd.s32 $0x10180, s22;
	[tilespmem:s22+$0x10180] =	vst.add.f32.msk $0xffff, v8  }
0x368: {  	v8 =	vld [tilespmem:s21+$0x4110];
	_ =	sdelay $0x4  }
0x369: {  	s22 =	sor.u32 $0x10, s7;
	v8 =	vsel vm1, $0x0, v8  }
0x36a: {  	[tilespmem:s22+$0x0] =	vst.add.f32.msk $0xffff, v8  }
0x36b: {  	v8 =	vld [tilespmem:s21+$0x4120];
	_ =	sdelay $0x4  }
0x36c: {  	s22 =	sor.u32 $0x20, s7;
	v8 =	vsel vm1, $0x0, v8  }
0x36d: {  	[tilespmem:s22+$0x0] =	vst.add.f32.msk $0xffff, v8  }
0x36e: {  	v8 =	vld [tilespmem:s21+$0x4130];
	_ =	sdelay $0x4  }
0x36f: {  	s22 =	sor.u32 $0x30, s7;
	v8 =	vsel vm1, $0x0, v8  }
0x370: {  	[tilespmem:s22+$0x0] =	vst.add.f32.msk $0xffff, v8  }
0x371: {  	v8 =	vld [tilespmem:s21+$0x4140];
	_ =	sdelay $0x4  }
0x372: {  	s22 =	sor.u32 $0x40, s7;
	v8 =	vsel vm1, $0x0, v8  }
0x373: {  	[tilespmem:s22+$0x0] =	vst.add.f32.msk $0xffff, v8  }
0x374: {  	v8 =	vld [tilespmem:s21+$0x4150];
	_ =	sdelay $0x4  }
0x375: {  	s22 =	sor.u32 $0x50, s7;
	v8 =	vsel vm1, $0x0, v8  }
0x376: {  	[tilespmem:s22+$0x0] =	vst.add.f32.msk $0xffff, v8  }
0x377: {  	v8 =	vld [tilespmem:s21+$0x4160];
	_ =	sdelay $0x4  }
0x378: {  	s22 =	sor.u32 $0x60, s7;
	v8 =	vsel vm1, $0x0, v8  }
0x379: {  	[tilespmem:s22+$0x0] =	vst.add.f32.msk $0xffff, v8  }
0x37a: {  	v8 =	vld [tilespmem:s21+$0x4170]  }
.Ltmp7:
0x37b: {  	(pc) =	sbr.rel @p0 .LBB2_16-.Ltmp7, $4  }
0x37c: {  	s20 =	sadd.s32 $0x400, s20  }
0x37d: {  	s23 =	sand.u32 $0x1C00, s20;
	s21 =	sshll.u32 s6, $0x7  }
0x37e: {  	s24 =	sor.u32 $0x70, s7;
	s22 =	sshll.u32 s6, $0x4;
	s21 =	sand.u32 $0x2000, s21  }
0x37f: {  	s7 =	smov.u32 s12;
	s22 =	sand.u32 $0x380, s22;
	s23 =	sor.u32 s23, s21;
	v8 =	vsel vm1, $0x0, v8  }
0x380: {  	s7 =	sor.u32 s23, s22;
	[tilespmem:s24+$0x0] =	vst.add.f32.msk $0xffff, v8  }
0x381: {  	s6 =	sshrl.u32 s6, $0x3;
	v8 =	vld [tilespmem:s7+$0x4100]  }
0x382: {  	s6 =	sand.u32 $0xF, s6  }
0x383: {  	s12 =	sadd.s32 $0x80, s19;
	s6 =	sor.u32 s15, s6  }
0x384: {  	s21 =	sand.u32 $0x4000, s12;
	v9 =	vmov s6  }
0x385: {  	s6 =	sor.u32 s21, s23;
	vm1 =	veq.s32 v9, v7  }
0x386: {  	s6 =	sor.u32 s6, s22;
	v7 =	vsel vm1, $0x0, v8  }
0x387: {  	[tilespmem:s6+$0x10180] =	vst.add.f32.msk $0xffff, v7  }
0x388: {  	v7 =	vld [tilespmem:s7+$0x4110];
	_ =	sdelay $0x3  }
0x389: {  	s6 =	sadd.s32 $0x10180, s6  }
0x38a: {  	s24 =	sor.u32 $0x10, s6;
	v7 =	vsel vm1, $0x0, v7  }
0x38b: {  	[tilespmem:s24+$0x0] =	vst.add.f32.msk $0xffff, v7  }
0x38c: {  	v7 =	vld [tilespmem:s7+$0x4120];
	_ =	sdelay $0x4  }
0x38d: {  	s19 =	sor.u32 $0x20, s6;
	v7 =	vsel vm1, $0x0, v7  }
0x38e: {  	[tilespmem:s19+$0x0] =	vst.add.f32.msk $0xffff, v7  }
0x38f: {  	v7 =	vld [tilespmem:s7+$0x4130];
	_ =	sdelay $0x4  }
0x390: {  	s20 =	sor.u32 $0x30, s6;
	v7 =	vsel vm1, $0x0, v7  }
0x391: {  	[tilespmem:s20+$0x0] =	vst.add.f32.msk $0xffff, v7  }
0x392: {  	v7 =	vld [tilespmem:s7+$0x4140];
	_ =	sdelay $0x4  }
0x393: {  	s21 =	sor.u32 $0x40, s6;
	v7 =	vsel vm1, $0x0, v7  }
0x394: {  	[tilespmem:s21+$0x0] =	vst.add.f32.msk $0xffff, v7  }
0x395: {  	v7 =	vld [tilespmem:s7+$0x4150];
	_ =	sdelay $0x4  }
0x396: {  	s22 =	sor.u32 $0x50, s6;
	v7 =	vsel vm1, $0x0, v7  }
0x397: {  	[tilespmem:s22+$0x0] =	vst.add.f32.msk $0xffff, v7  }
0x398: {  	v7 =	vld [tilespmem:s7+$0x4160];
	_ =	sdelay $0x4  }
0x399: {  	s23 =	sor.u32 $0x60, s6;
	v7 =	vsel vm1, $0x0, v7  }
0x39a: {  	[tilespmem:s23+$0x0] =	vst.add.f32.msk $0xffff, v7  }
0x39b: {  	v7 =	vld [tilespmem:s7+$0x4170];
	_ =	sdelay $0x4  }
0x39c: {  	s6 =	sor.u32 $0x70, s6;
	v7 =	vsel vm1, $0x0, v7  }
0x39d: {  	s11 =	sadd.s32 $0x1, s11;
	s24 =	rddreg [dreg:$0x14];
	[tilespmem:s6+$0x0] =	vst.add.f32.msk $0xffff, v7  }
0x39e: {  	[hbm4b:s24+s13] =	stream.strided.scatter [tilespmem:s18], [sflag:$0x6], $0x8000, s8, s13, $0x38;
	[tilespmem:$0x18180] =	vst v63  }
0x39f: {  	p0 =	sne.s32 s11, s25;
	_ =	swait.ge [sflag:s17], $0x8000  }
.Ltmp8:
0x3a0: {  	[sflag:s17] =	ssyncset.done $0x0;
	(pc) =	sbr.rel @p0 .LBB2_1-.Ltmp8, $4  }
0x3a1: {  	[sflag:s17] =	ssyncadd.s32 $0xFFFF8000  }
0x3a2: {  	_ =	swait.ge [sflag:s5], $0x8000  }
0x3a3: {  	[sflag:s5] =	ssyncset.done $0x0  }
0x3a4: {  	[sflag:s5] =	ssyncadd.s32 $0xFFFF8000  }
0x3a5: {  	_ =	sfence.sel $0x180000  }
0x3a6: {  	[bflag:$0x0] =	sbarrier.arrive $0xFFFF  }
0x3a7: {  	_ =	strace $0x90000047  }
0x3a8: {  	s0 =	stileid.u32;
	[bflag:$0x2] =	sbarrier.arrive $0xFFFF  }
0x3a9: {  	p0 =	sne.s32 s0, $0x0;
	s0 =	rddreg [dreg:$0x4]  }
0x3aa: {  	s0 =	sadd.s32 @!p0 $0x100000, s0  }
0x3ab: {  	[sflag:s0] =	ssyncadd.tile.s32 @!p0 $0x1;
	_ =	shalt  }
.Lfunc_end2:
_tile_overlayer_lowered:
.L_overlay_start_2:
0x3ac: {  	(tag) =	ssettag $0x2  }
0x3ad: {  	s0 =	rddreg [dreg:$0x0];
	s2 =	stileid.u32  }
0x3ae: {  	s1 =	rddreg [dreg:$0x1];
	p0 =	sne.s32 s2, $0x0  }
0x3af: {  	s3 =	rddreg [dreg:$0x2];
	[bflag:$0x3] =	sbarrier.arrive $0xFFFF;
	s2 =	simm.s32 @!p0 $0x1C07  }
0x3b0: {  	[timem:s3], [sflag:s2] =	dma.local @!p0 [hbm:s0], s1  }
0x3b1: {  	s0 =	simm.s32 @!p0 $0x7  }
0x3b2: {  	_ =	swait.ge @!p0 [sflag:s0], s1  }
0x3b3: {  	s1 =	ssub.s32 @!p0 $0x0, s1;
	[sflag:s0] =	ssyncset.done @!p0 $0x0  }
0x3b4: {  	[sflag:s0] =	ssyncadd.s32 @!p0 s1  }
0x3b5: {  	[bflag:$0x3] =	sbarrier.arrive $0xFFFF  }
0x3b6: {  	_ =	shalt  }

</sc_bundles>
